<compile_context>
chip_gen: v7x
topology: tpu7x:2x2x1
jax: 0.10.2.dev20260603
libtpu: 0.0.44.dev20260713+nightly
codegen_flags: <defaults>
</compile_context>

<pallas_src>
import functools

import jax
import jax.numpy as jnp
from jax import lax
from jax.experimental import pallas as pl
from jax.experimental.pallas import tpu as pltpu
from jax.experimental.pallas import tpu_sc as plsc

L = 16
NC = 2
NS = 16
NW = NC * NS
NSLAB = 2
ROWS = 4096
COLS = 4096
WR = ROWS * NSLAB // NW // NSLAB
QMAX = 127.0
MAGIC = 1.5 * 2 ** 23

R1 = 8
CPS1 = WR // R1
NCH1 = NSLAB * CPS1
R2 = 8
C2 = COLS // 2
CPS2 = (WR // R2) * 2
NCH2 = NSLAB * CPS2
U = 8

_mesh = plsc.VectorSubcoreMesh(core_axis_name="c", subcore_axis_name="s")


@functools.partial(
    pl.kernel,
    mesh=_mesh,
    out_type=jax.ShapeDtypeStruct((NW * L,), jnp.float32),
    scratch_types=[
        pltpu.VMEM((R1, COLS), jnp.float32),
        pltpu.VMEM((R1, COLS), jnp.float32),
        pltpu.VMEM((L,), jnp.float32),
        pltpu.SemaphoreType.DMA,
        pltpu.SemaphoreType.DMA,
    ],
)
def _absmax_kernel(x_hbm, out_hbm, buf0, buf1, accb, sem0, sem1):
    wid = lax.axis_index("s") * NC + lax.axis_index("c")
    wrow = wid * WR
    bufs = (buf0, buf1)
    sems = (sem0, sem1)

    def src(c):
        return x_hbm.at[c // CPS1, pl.ds(wrow + (c % CPS1) * R1, R1), :]

    for b in range(2):
        pltpu.async_copy(src(b), bufs[b], sems[b])

    def body(c, acc):
        for b in range(2):
            cc = c + b
            buf = bufs[b]
            pltpu.make_async_copy(src(0), buf, sems[b]).wait()

            def row_body(r, a, buf=buf):
                def col_body(j, a2):
                    for u in range(U):
                        a2 = jnp.maximum(
                            a2, jnp.abs(buf[r, pl.ds((j * U + u) * L, L)])
                        )
                    return a2

                return lax.fori_loop(0, COLS // (L * U), col_body, a)

            acc = lax.fori_loop(0, R1, row_body, acc)
            nxt = cc + 2

            @pl.when(nxt < NCH1)
            def _(b=b, nxt=nxt):
                pltpu.async_copy(src(nxt), bufs[b], sems[b])

        return acc

    acc = pl.loop(0, NCH1, step=2, init_carry=jnp.zeros((L,), jnp.float32))(body)
    accb[...] = acc
    pltpu.sync_copy(accb, out_hbm.at[pl.ds(wid * L, L)])


@functools.partial(
    pl.kernel,
    mesh=_mesh,
    out_type=jax.ShapeDtypeStruct((NSLAB, ROWS, COLS), jnp.float32),
    scratch_types=[
        pltpu.VMEM((R2, C2), jnp.float32),
        pltpu.VMEM((R2, C2), jnp.float32),
        pltpu.VMEM((R2, C2), jnp.float32),
        pltpu.VMEM((R2, C2), jnp.float32),
        pltpu.VMEM((NW * L,), jnp.float32),
        pltpu.SemaphoreType.DMA,
        pltpu.SemaphoreType.DMA,
        pltpu.SemaphoreType.DMA,
        pltpu.SemaphoreType.DMA,
    ],
)
def _quant_kernel(x_hbm, pmax_hbm, out_hbm, in0, in1, ob0, ob1, pbuf,
                  isem0, isem1, osem0, osem1):
    wid = lax.axis_index("s") * NC + lax.axis_index("c")
    wrow = wid * WR
    ibufs = (in0, in1)
    isems = (isem0, isem1)
    obufs = (ob0, ob1)
    osems = (osem0, osem1)

    def _slice(c):
        s = c // CPS2
        k = c % CPS2
        r0 = wrow + (k // 2) * R2
        c0 = (k % 2) * C2
        return s, r0, c0

    def src(c):
        s, r0, c0 = _slice(c)
        return x_hbm.at[s, pl.ds(r0, R2), pl.ds(c0, C2)]

    def dst(c):
        s, r0, c0 = _slice(c)
        return out_hbm.at[s, pl.ds(r0, R2), pl.ds(c0, C2)]

    pltpu.sync_copy(pmax_hbm, pbuf)
    v = pbuf[pl.ds(0, L)]
    for i in range(1, NW):
        v = jnp.maximum(v, pbuf[pl.ds(i * L, L)])
    absmax = v[0]
    for i in range(1, L):
        absmax = jnp.maximum(absmax, v[i])
    scale = jnp.full((L,), absmax, jnp.float32) * (1.0 / QMAX)
    yi = 0x7EB53567 - lax.bitcast_convert_type(scale, jnp.int32)
    inv = lax.bitcast_convert_type(yi, jnp.float32)
    for _ in range(4):
        inv = inv * (2.0 - scale * inv)

    for b in range(2):
        pltpu.async_copy(src(b), ibufs[b], isems[b])

    def body(c, carry):
        for b in range(2):
            cc = c + b
            ibuf, obuf = ibufs[b], obufs[b]
            pltpu.make_async_copy(src(0), ibuf, isems[b]).wait()

            @pl.when(cc >= 2)
            def _(b=b):
                pltpu.make_async_copy(obufs[b], dst(0), osems[b]).wait()

            for r in range(R2):
                @plsc.parallel_loop(0, C2 // L, unroll=U)
                def _(vi, r=r, ibuf=ibuf, obuf=obuf):
                    off = vi * L
                    t = ibuf[r, pl.ds(off, L)] * inv
                    q = (t + MAGIC) - MAGIC
                    obuf[r, pl.ds(off, L)] = q * scale
            pltpu.async_copy(obuf, dst(cc), osems[b])
            nxt = cc + 2

            @pl.when(nxt < NCH2)
            def _(b=b, nxt=nxt):
                pltpu.async_copy(src(nxt), ibufs[b], isems[b])

        return carry

    pl.loop(0, NCH2, step=2, init_carry=0)(body)
    for b in range(2):
        pltpu.make_async_copy(obufs[b], dst(0), osems[b]).wait()


def kernel(tensor):
    pmax = _absmax_kernel(tensor)
    return _quant_kernel(tensor, pmax)

# --- scband reference (transcript-rebuilt; emitter-appended) ---
"""Pipeline reference for scband-qparam-26456998543474 (READ-ONLY COPY).

The authoritative reference and input builder live on the scoring server;
editing this copy changes nothing except your own understanding.
"""

import jax, jax.numpy as jnp
import numpy as np


def setup_inputs(seed: int = 0) -> dict:
    key = jax.random.key(seed)
    tensor = jax.random.normal(key, (2, 4096, 4096), dtype=jnp.float32)
    return {"tensor": tensor}


def reference(tensor):
    # QParam with quant_type='INT', num_bits=8 -> qmax = 2**(8-1) - 1 = 127
    qmax = 127.0
    # update(): max = clamp(tensor.max(), min=0); min = clamp(tensor.min(), max=0)
    max_val = jnp.maximum(jnp.max(tensor), 0.0)
    min_val = jnp.minimum(jnp.min(tensor), 0.0)
    # calcScaleZeroPoint: scale = max(|max|, |min|) / qmax; zero_point = 0
    scale = jnp.maximum(jnp.abs(max_val), jnp.abs(min_val)) / qmax
    zero_point = 0.0
    # quantize_tensor: q = round(clamp(zero_point + x/scale, -qmax, qmax))  (INT path)
    q_x = jnp.clip(zero_point + tensor / scale, -qmax, qmax)
    q_x = jnp.round(q_x)
    # dequantize_tensor: scale * (q - zero_point)
    dq_x = scale * (q_x - zero_point)
    return dq_x

if __name__ == "__main__":
    import jax
    _d = setup_inputs()
    print(jax.jit(kernel)(*tuple(_d.values())))

</pallas_src>

<mosaic_0001>
#map = affine_map<(d0, d1) -> (0, 0, 0)>
#map1 = affine_map<(d0, d1) -> (0)>
module attributes {stable_mosaic.version = 14 : i64} {
  func.func @_quant_kernel(%arg0: i32, %arg1: i32, %arg2: memref<2x4096x4096xf32, #tpu.memory_space<hbm>>, %arg3: memref<512xf32, #tpu.memory_space<hbm>>, %arg4: memref<2x4096x4096xf32, #tpu.memory_space<hbm>>, %arg5: memref<8x2048xf32, #tpu.memory_space<vmem>>, %arg6: memref<8x2048xf32, #tpu.memory_space<vmem>>, %arg7: memref<8x2048xf32, #tpu.memory_space<vmem>>, %arg8: memref<8x2048xf32, #tpu.memory_space<vmem>>, %arg9: memref<512xf32, #tpu.memory_space<vmem>>, %arg10: memref<!tpu.dma_semaphore, #tpu.memory_space<semaphore_mem>>, %arg11: memref<!tpu.dma_semaphore, #tpu.memory_space<semaphore_mem>>, %arg12: memref<!tpu.dma_semaphore, #tpu.memory_space<semaphore_mem>>, %arg13: memref<!tpu.dma_semaphore, #tpu.memory_space<semaphore_mem>>) attributes {dimension_semantics = [#tpu.dimension_semantics<core_parallel>, #tpu.dimension_semantics<subcore_parallel>], iteration_bounds = array<i64: 2, 16>, scalar_prefetch = 0 : i64, scratch_operands = 9 : i64, tpu.core_type = #tpu.core_type<sc_vector_subcore>, window_params = [{transform_indices = #map}, {transform_indices = #map1}, {transform_indices = #map}]} {
    %mul3A = arith.constant 2 : i32
    %mul3A_0 = arith.muli %arg1, %mul3A : i32
    %add3A = arith.addi %mul3A_0, %arg0 : i32
    %mul3A_1 = arith.constant 128 : i32
    %mul3A_2 = arith.muli %add3A, %mul3A_1 : i32
    "tpu.region"() ({
      %run_scoped3A = tpu.sem_alloc : memref<!tpu.dma_semaphore, #tpu.memory_space<semaphore_mem>>
      tpu.enqueue_dma source(%arg3 : memref<512xf32, #tpu.memory_space<hbm>>) target(%arg9 : memref<512xf32, #tpu.memory_space<vmem>>) target_semaphore(%run_scoped3A : memref<!tpu.dma_semaphore, #tpu.memory_space<semaphore_mem>>)
      tpu.wait_dma2 semaphore(%run_scoped3A : memref<!tpu.dma_semaphore, #tpu.memory_space<semaphore_mem>>) src(%arg3 : memref<512xf32, #tpu.memory_space<hbm>>) dst(%arg9 : memref<512xf32, #tpu.memory_space<vmem>>)
      tpu.yield
    }) : () -> ()
    %get3A = arith.constant 0 : index
    %get3A_3 = tpu.vector_load %arg9[%get3A] {strides = array<i32>} : memref<512xf32, #tpu.memory_space<vmem>>, vector<16xf32>,
    %get3A_4 = vector.shape_cast %get3A_3 : vector<16xf32> to vector<16xf32>
    %get3A_5 = arith.constant 16 : index
    %get3A_6 = tpu.vector_load %arg9[%get3A_5] {strides = array<i32>} : memref<512xf32, #tpu.memory_space<vmem>>, vector<16xf32>,
    %get3A_7 = vector.shape_cast %get3A_6 : vector<16xf32> to vector<16xf32>
    %max3A = arith.maximumf %get3A_4, %get3A_7 : vector<16xf32>
    %get3A_8 = arith.constant 32 : index
    %get3A_9 = tpu.vector_load %arg9[%get3A_8] {strides = array<i32>} : memref<512xf32, #tpu.memory_space<vmem>>, vector<16xf32>,
    %get3A_10 = vector.shape_cast %get3A_9 : vector<16xf32> to vector<16xf32>
    %max3A_11 = arith.maximumf %max3A, %get3A_10 : vector<16xf32>
    %get3A_12 = arith.constant 48 : index
    %get3A_13 = tpu.vector_load %arg9[%get3A_12] {strides = array<i32>} : memref<512xf32, #tpu.memory_space<vmem>>, vector<16xf32>,
    %get3A_14 = vector.shape_cast %get3A_13 : vector<16xf32> to vector<16xf32>
    %max3A_15 = arith.maximumf %max3A_11, %get3A_14 : vector<16xf32>
    %get3A_16 = arith.constant 64 : index
    %get3A_17 = tpu.vector_load %arg9[%get3A_16] {strides = array<i32>} : memref<512xf32, #tpu.memory_space<vmem>>, vector<16xf32>,
    %get3A_18 = vector.shape_cast %get3A_17 : vector<16xf32> to vector<16xf32>
    %max3A_19 = arith.maximumf %max3A_15, %get3A_18 : vector<16xf32>
    %get3A_20 = arith.constant 80 : index
    %get3A_21 = tpu.vector_load %arg9[%get3A_20] {strides = array<i32>} : memref<512xf32, #tpu.memory_space<vmem>>, vector<16xf32>,
    %get3A_22 = vector.shape_cast %get3A_21 : vector<16xf32> to vector<16xf32>
    %max3A_23 = arith.maximumf %max3A_19, %get3A_22 : vector<16xf32>
    %get3A_24 = arith.constant 96 : index
    %get3A_25 = tpu.vector_load %arg9[%get3A_24] {strides = array<i32>} : memref<512xf32, #tpu.memory_space<vmem>>, vector<16xf32>,
    %get3A_26 = vector.shape_cast %get3A_25 : vector<16xf32> to vector<16xf32>
    %max3A_27 = arith.maximumf %max3A_23, %get3A_26 : vector<16xf32>
    %get3A_28 = arith.constant 112 : index
    %get3A_29 = tpu.vector_load %arg9[%get3A_28] {strides = array<i32>} : memref<512xf32, #tpu.memory_space<vmem>>, vector<16xf32>,
    %get3A_30 = vector.shape_cast %get3A_29 : vector<16xf32> to vector<16xf32>
    %max3A_31 = arith.maximumf %max3A_27, %get3A_30 : vector<16xf32>
    %get3A_32 = arith.constant 128 : index
    %get3A_33 = tpu.vector_load %arg9[%get3A_32] {strides = array<i32>} : memref<512xf32, #tpu.memory_space<vmem>>, vector<16xf32>,
    %get3A_34 = vector.shape_cast %get3A_33 : vector<16xf32> to vector<16xf32>
    %max3A_35 = arith.maximumf %max3A_31, %get3A_34 : vector<16xf32>
    %get3A_36 = arith.constant 144 : index
    %get3A_37 = tpu.vector_load %arg9[%get3A_36] {strides = array<i32>} : memref<512xf32, #tpu.memory_space<vmem>>, vector<16xf32>,
    %get3A_38 = vector.shape_cast %get3A_37 : vector<16xf32> to vector<16xf32>
    %max3A_39 = arith.maximumf %max3A_35, %get3A_38 : vector<16xf32>
    %get3A_40 = arith.constant 160 : index
    %get3A_41 = tpu.vector_load %arg9[%get3A_40] {strides = array<i32>} : memref<512xf32, #tpu.memory_space<vmem>>, vector<16xf32>,
    %get3A_42 = vector.shape_cast %get3A_41 : vector<16xf32> to vector<16xf32>
    %max3A_43 = arith.maximumf %max3A_39, %get3A_42 : vector<16xf32>
    %get3A_44 = arith.constant 176 : index
    %get3A_45 = tpu.vector_load %arg9[%get3A_44] {strides = array<i32>} : memref<512xf32, #tpu.memory_space<vmem>>, vector<16xf32>,
    %get3A_46 = vector.shape_cast %get3A_45 : vector<16xf32> to vector<16xf32>
    %max3A_47 = arith.maximumf %max3A_43, %get3A_46 : vector<16xf32>
    %get3A_48 = arith.constant 192 : index
    %get3A_49 = tpu.vector_load %arg9[%get3A_48] {strides = array<i32>} : memref<512xf32, #tpu.memory_space<vmem>>, vector<16xf32>,
    %get3A_50 = vector.shape_cast %get3A_49 : vector<16xf32> to vector<16xf32>
    %max3A_51 = arith.maximumf %max3A_47, %get3A_50 : vector<16xf32>
    %get3A_52 = arith.constant 208 : index
    %get3A_53 = tpu.vector_load %arg9[%get3A_52] {strides = array<i32>} : memref<512xf32, #tpu.memory_space<vmem>>, vector<16xf32>,
    %get3A_54 = vector.shape_cast %get3A_53 : vector<16xf32> to vector<16xf32>
    %max3A_55 = arith.maximumf %max3A_51, %get3A_54 : vector<16xf32>
    %get3A_56 = arith.constant 224 : index
    %get3A_57 = tpu.vector_load %arg9[%get3A_56] {strides = array<i32>} : memref<512xf32, #tpu.memory_space<vmem>>, vector<16xf32>,
    %get3A_58 = vector.shape_cast %get3A_57 : vector<16xf32> to vector<16xf32>
    %max3A_59 = arith.maximumf %max3A_55, %get3A_58 : vector<16xf32>
    %get3A_60 = arith.constant 240 : index
    %get3A_61 = tpu.vector_load %arg9[%get3A_60] {strides = array<i32>} : memref<512xf32, #tpu.memory_space<vmem>>, vector<16xf32>,
    %get3A_62 = vector.shape_cast %get3A_61 : vector<16xf32> to vector<16xf32>
    %max3A_63 = arith.maximumf %max3A_59, %get3A_62 : vector<16xf32>
    %get3A_64 = arith.constant 256 : index
    %get3A_65 = tpu.vector_load %arg9[%get3A_64] {strides = array<i32>} : memref<512xf32, #tpu.memory_space<vmem>>, vector<16xf32>,
    %get3A_66 = vector.shape_cast %get3A_65 : vector<16xf32> to vector<16xf32>
    %max3A_67 = arith.maximumf %max3A_63, %get3A_66 : vector<16xf32>
    %get3A_68 = arith.constant 272 : index
    %get3A_69 = tpu.vector_load %arg9[%get3A_68] {strides = array<i32>} : memref<512xf32, #tpu.memory_space<vmem>>, vector<16xf32>,
    %get3A_70 = vector.shape_cast %get3A_69 : vector<16xf32> to vector<16xf32>
    %max3A_71 = arith.maximumf %max3A_67, %get3A_70 : vector<16xf32>
    %get3A_72 = arith.constant 288 : index
    %get3A_73 = tpu.vector_load %arg9[%get3A_72] {strides = array<i32>} : memref<512xf32, #tpu.memory_space<vmem>>, vector<16xf32>,
    %get3A_74 = vector.shape_cast %get3A_73 : vector<16xf32> to vector<16xf32>
    %max3A_75 = arith.maximumf %max3A_71, %get3A_74 : vector<16xf32>
    %get3A_76 = arith.constant 304 : index
    %get3A_77 = tpu.vector_load %arg9[%get3A_76] {strides = array<i32>} : memref<512xf32, #tpu.memory_space<vmem>>, vector<16xf32>,
    %get3A_78 = vector.shape_cast %get3A_77 : vector<16xf32> to vector<16xf32>
    %max3A_79 = arith.maximumf %max3A_75, %get3A_78 : vector<16xf32>
    %get3A_80 = arith.constant 320 : index
    %get3A_81 = tpu.vector_load %arg9[%get3A_80] {strides = array<i32>} : memref<512xf32, #tpu.memory_space<vmem>>, vector<16xf32>,
    %get3A_82 = vector.shape_cast %get3A_81 : vector<16xf32> to vector<16xf32>
    %max3A_83 = arith.maximumf %max3A_79, %get3A_82 : vector<16xf32>
    %get3A_84 = arith.constant 336 : index
    %get3A_85 = tpu.vector_load %arg9[%get3A_84] {strides = array<i32>} : memref<512xf32, #tpu.memory_space<vmem>>, vector<16xf32>,
    %get3A_86 = vector.shape_cast %get3A_85 : vector<16xf32> to vector<16xf32>
    %max3A_87 = arith.maximumf %max3A_83, %get3A_86 : vector<16xf32>
    %get3A_88 = arith.constant 352 : index
    %get3A_89 = tpu.vector_load %arg9[%get3A_88] {strides = array<i32>} : memref<512xf32, #tpu.memory_space<vmem>>, vector<16xf32>,
    %get3A_90 = vector.shape_cast %get3A_89 : vector<16xf32> to vector<16xf32>
    %max3A_91 = arith.maximumf %max3A_87, %get3A_90 : vector<16xf32>
    %get3A_92 = arith.constant 368 : index
    %get3A_93 = tpu.vector_load %arg9[%get3A_92] {strides = array<i32>} : memref<512xf32, #tpu.memory_space<vmem>>, vector<16xf32>,
    %get3A_94 = vector.shape_cast %get3A_93 : vector<16xf32> to vector<16xf32>
    %max3A_95 = arith.maximumf %max3A_91, %get3A_94 : vector<16xf32>
    %get3A_96 = arith.constant 384 : index
    %get3A_97 = tpu.vector_load %arg9[%get3A_96] {strides = array<i32>} : memref<512xf32, #tpu.memory_space<vmem>>, vector<16xf32>,
    %get3A_98 = vector.shape_cast %get3A_97 : vector<16xf32> to vector<16xf32>
    %max3A_99 = arith.maximumf %max3A_95, %get3A_98 : vector<16xf32>
    %get3A_100 = arith.constant 400 : index
    %get3A_101 = tpu.vector_load %arg9[%get3A_100] {strides = array<i32>} : memref<512xf32, #tpu.memory_space<vmem>>, vector<16xf32>,
    %get3A_102 = vector.shape_cast %get3A_101 : vector<16xf32> to vector<16xf32>
    %max3A_103 = arith.maximumf %max3A_99, %get3A_102 : vector<16xf32>
    %get3A_104 = arith.constant 416 : index
    %get3A_105 = tpu.vector_load %arg9[%get3A_104] {strides = array<i32>} : memref<512xf32, #tpu.memory_space<vmem>>, vector<16xf32>,
    %get3A_106 = vector.shape_cast %get3A_105 : vector<16xf32> to vector<16xf32>
    %max3A_107 = arith.maximumf %max3A_103, %get3A_106 : vector<16xf32>
    %get3A_108 = arith.constant 432 : index
    %get3A_109 = tpu.vector_load %arg9[%get3A_108] {strides = array<i32>} : memref<512xf32, #tpu.memory_space<vmem>>, vector<16xf32>,
    %get3A_110 = vector.shape_cast %get3A_109 : vector<16xf32> to vector<16xf32>
    %max3A_111 = arith.maximumf %max3A_107, %get3A_110 : vector<16xf32>
    %get3A_112 = arith.constant 448 : index
    %get3A_113 = tpu.vector_load %arg9[%get3A_112] {strides = array<i32>} : memref<512xf32, #tpu.memory_space<vmem>>, vector<16xf32>,
    %get3A_114 = vector.shape_cast %get3A_113 : vector<16xf32> to vector<16xf32>
    %max3A_115 = arith.maximumf %max3A_111, %get3A_114 : vector<16xf32>
    %get3A_116 = arith.constant 464 : index
    %get3A_117 = tpu.vector_load %arg9[%get3A_116] {strides = array<i32>} : memref<512xf32, #tpu.memory_space<vmem>>, vector<16xf32>,
    %get3A_118 = vector.shape_cast %get3A_117 : vector<16xf32> to vector<16xf32>
    %max3A_119 = arith.maximumf %max3A_115, %get3A_118 : vector<16xf32>
    %get3A_120 = arith.constant 480 : index
    %get3A_121 = tpu.vector_load %arg9[%get3A_120] {strides = array<i32>} : memref<512xf32, #tpu.memory_space<vmem>>, vector<16xf32>,
    %get3A_122 = vector.shape_cast %get3A_121 : vector<16xf32> to vector<16xf32>
    %max3A_123 = arith.maximumf %max3A_119, %get3A_122 : vector<16xf32>
    %get3A_124 = arith.constant 496 : index
    %get3A_125 = tpu.vector_load %arg9[%get3A_124] {strides = array<i32>} : memref<512xf32, #tpu.memory_space<vmem>>, vector<16xf32>,
    %get3A_126 = vector.shape_cast %get3A_125 : vector<16xf32> to vector<16xf32>
    %max3A_127 = arith.maximumf %max3A_123, %get3A_126 : vector<16xf32>
    %slice3A = vector.extract_strided_slice %max3A_127 {offsets = [0], sizes = [1], strides = [1]} : vector<16xf32> to vector<1xf32>
    %squeeze3A = vector.extract %slice3A[0] : f32 from vector<1xf32>
    %slice3A_128 = vector.extract_strided_slice %max3A_127 {offsets = [1], sizes = [1], strides = [1]} : vector<16xf32> to vector<1xf32>
    %squeeze3A_129 = vector.extract %slice3A_128[0] : f32 from vector<1xf32>
    %max3A_130 = arith.maximumf %squeeze3A, %squeeze3A_129 : f32
    %slice3A_131 = vector.extract_strided_slice %max3A_127 {offsets = [2], sizes = [1], strides = [1]} : vector<16xf32> to vector<1xf32>
    %squeeze3A_132 = vector.extract %slice3A_131[0] : f32 from vector<1xf32>
    %max3A_133 = arith.maximumf %max3A_130, %squeeze3A_132 : f32
    %slice3A_134 = vector.extract_strided_slice %max3A_127 {offsets = [3], sizes = [1], strides = [1]} : vector<16xf32> to vector<1xf32>
    %squeeze3A_135 = vector.extract %slice3A_134[0] : f32 from vector<1xf32>
    %max3A_136 = arith.maximumf %max3A_133, %squeeze3A_135 : f32
    %slice3A_137 = vector.extract_strided_slice %max3A_127 {offsets = [4], sizes = [1], strides = [1]} : vector<16xf32> to vector<1xf32>
    %squeeze3A_138 = vector.extract %slice3A_137[0] : f32 from vector<1xf32>
    %max3A_139 = arith.maximumf %max3A_136, %squeeze3A_138 : f32
    %slice3A_140 = vector.extract_strided_slice %max3A_127 {offsets = [5], sizes = [1], strides = [1]} : vector<16xf32> to vector<1xf32>
    %squeeze3A_141 = vector.extract %slice3A_140[0] : f32 from vector<1xf32>
    %max3A_142 = arith.maximumf %max3A_139, %squeeze3A_141 : f32
    %slice3A_143 = vector.extract_strided_slice %max3A_127 {offsets = [6], sizes = [1], strides = [1]} : vector<16xf32> to vector<1xf32>
    %squeeze3A_144 = vector.extract %slice3A_143[0] : f32 from vector<1xf32>
    %max3A_145 = arith.maximumf %max3A_142, %squeeze3A_144 : f32
    %slice3A_146 = vector.extract_strided_slice %max3A_127 {offsets = [7], sizes = [1], strides = [1]} : vector<16xf32> to vector<1xf32>
    %squeeze3A_147 = vector.extract %slice3A_146[0] : f32 from vector<1xf32>
    %max3A_148 = arith.maximumf %max3A_145, %squeeze3A_147 : f32
    %slice3A_149 = vector.extract_strided_slice %max3A_127 {offsets = [8], sizes = [1], strides = [1]} : vector<16xf32> to vector<1xf32>
    %squeeze3A_150 = vector.extract %slice3A_149[0] : f32 from vector<1xf32>
    %max3A_151 = arith.maximumf %max3A_148, %squeeze3A_150 : f32
    %slice3A_152 = vector.extract_strided_slice %max3A_127 {offsets = [9], sizes = [1], strides = [1]} : vector<16xf32> to vector<1xf32>
    %squeeze3A_153 = vector.extract %slice3A_152[0] : f32 from vector<1xf32>
    %max3A_154 = arith.maximumf %max3A_151, %squeeze3A_153 : f32
    %slice3A_155 = vector.extract_strided_slice %max3A_127 {offsets = [10], sizes = [1], strides = [1]} : vector<16xf32> to vector<1xf32>
    %squeeze3A_156 = vector.extract %slice3A_155[0] : f32 from vector<1xf32>
    %max3A_157 = arith.maximumf %max3A_154, %squeeze3A_156 : f32
    %slice3A_158 = vector.extract_strided_slice %max3A_127 {offsets = [11], sizes = [1], strides = [1]} : vector<16xf32> to vector<1xf32>
    %squeeze3A_159 = vector.extract %slice3A_158[0] : f32 from vector<1xf32>
    %max3A_160 = arith.maximumf %max3A_157, %squeeze3A_159 : f32
    %slice3A_161 = vector.extract_strided_slice %max3A_127 {offsets = [12], sizes = [1], strides = [1]} : vector<16xf32> to vector<1xf32>
    %squeeze3A_162 = vector.extract %slice3A_161[0] : f32 from vector<1xf32>
    %max3A_163 = arith.maximumf %max3A_160, %squeeze3A_162 : f32
    %slice3A_164 = vector.extract_strided_slice %max3A_127 {offsets = [13], sizes = [1], strides = [1]} : vector<16xf32> to vector<1xf32>
    %squeeze3A_165 = vector.extract %slice3A_164[0] : f32 from vector<1xf32>
    %max3A_166 = arith.maximumf %max3A_163, %squeeze3A_165 : f32
    %slice3A_167 = vector.extract_strided_slice %max3A_127 {offsets = [14], sizes = [1], strides = [1]} : vector<16xf32> to vector<1xf32>
    %squeeze3A_168 = vector.extract %slice3A_167[0] : f32 from vector<1xf32>
    %max3A_169 = arith.maximumf %max3A_166, %squeeze3A_168 : f32
    %slice3A_170 = vector.extract_strided_slice %max3A_127 {offsets = [15], sizes = [1], strides = [1]} : vector<16xf32> to vector<1xf32>
    %squeeze3A_171 = vector.extract %slice3A_170[0] : f32 from vector<1xf32>
    %max3A_172 = arith.maximumf %max3A_169, %squeeze3A_171 : f32
    %broadcast_in_dim3A = vector.broadcast %max3A_172 : f32 to vector<16xf32>
    %mul3A_173 = arith.constant 0.00787401571 : f32
    %mul3A_174 = vector.broadcast %mul3A_173 : f32 to vector<16xf32>
    %mul3A_175 = arith.mulf %broadcast_in_dim3A, %mul3A_174 : vector<16xf32>
    %bitcast_convert_type3A = tpu.bitcast %mul3A_175 : vector<16xf32> -> vector<16xi32>
    %sub3A = arith.constant 2125804903 : i32
    %sub3A_176 = vector.broadcast %sub3A : i32 to vector<16xi32>
    %sub3A_177 = arith.subi %sub3A_176, %bitcast_convert_type3A : vector<16xi32>
    %bitcast_convert_type3A_178 = tpu.bitcast %sub3A_177 : vector<16xi32> -> vector<16xf32>
    %mul3A_179 = arith.mulf %mul3A_175, %bitcast_convert_type3A_178 : vector<16xf32>
    %sub3A_180 = arith.constant 2.000000e+00 : f32
    %sub3A_181 = vector.broadcast %sub3A_180 : f32 to vector<16xf32>
    %sub3A_182 = arith.subf %sub3A_181, %mul3A_179 : vector<16xf32>
    %mul3A_183 = arith.mulf %bitcast_convert_type3A_178, %sub3A_182 : vector<16xf32>
    %mul3A_184 = arith.mulf %mul3A_175, %mul3A_183 : vector<16xf32>
    %sub3A_185 = arith.constant 2.000000e+00 : f32
    %sub3A_186 = vector.broadcast %sub3A_185 : f32 to vector<16xf32>
    %sub3A_187 = arith.subf %sub3A_186, %mul3A_184 : vector<16xf32>
    %mul3A_188 = arith.mulf %mul3A_183, %sub3A_187 : vector<16xf32>
    %mul3A_189 = arith.mulf %mul3A_175, %mul3A_188 : vector<16xf32>
    %sub3A_190 = arith.constant 2.000000e+00 : f32
    %sub3A_191 = vector.broadcast %sub3A_190 : f32 to vector<16xf32>
    %sub3A_192 = arith.subf %sub3A_191, %mul3A_189 : vector<16xf32>
    %mul3A_193 = arith.mulf %mul3A_188, %sub3A_192 : vector<16xf32>
    %mul3A_194 = arith.mulf %mul3A_175, %mul3A_193 : vector<16xf32>
    %sub3A_195 = arith.constant 2.000000e+00 : f32
    %sub3A_196 = vector.broadcast %sub3A_195 : f32 to vector<16xf32>
    %sub3A_197 = arith.subf %sub3A_196, %mul3A_194 : vector<16xf32>
    %mul3A_198 = arith.mulf %mul3A_193, %sub3A_197 : vector<16xf32>
    %add3A_199 = arith.constant 0 : i32
    %add3A_200 = arith.addi %mul3A_2, %add3A_199 : i32
    %dma_start3A = arith.constant 0 : i32
    %dma_start3A_201 = arith.constant 0 : i32
    %dma_start3A_202 = tpu.memref_slice %arg2[%dma_start3A, %add3A_200, %dma_start3A_201] : memref<2x4096x4096xf32, #tpu.memory_space<hbm>> -> memref<1x8x2048xf32, #tpu.memory_space<hbm>>
    %dma_start3A_203 = tpu.memref_squeeze %dma_start3A_202 : memref<1x8x2048xf32, #tpu.memory_space<hbm>> -> memref<8x2048xf32, #tpu.memory_space<hbm>>
    %dma_start3A_204 = arith.constant 0 : i32
    %dma_start3A_205 = tpu.memref_slice %arg2[%dma_start3A, %add3A_200, %dma_start3A_204] : memref<2x4096x4096xf32, #tpu.memory_space<hbm>> -> memref<1x8x2048xf32, #tpu.memory_space<hbm>>
    %dma_start3A_206 = tpu.memref_squeeze %dma_start3A_205 : memref<1x8x2048xf32, #tpu.memory_space<hbm>> -> memref<8x2048xf32, #tpu.memory_space<hbm>>
    tpu.enqueue_dma source(%dma_start3A_206 : memref<8x2048xf32, #tpu.memory_space<hbm>>) target(%arg5 : memref<8x2048xf32, #tpu.memory_space<vmem>>) target_semaphore(%arg10 : memref<!tpu.dma_semaphore, #tpu.memory_space<semaphore_mem>>)
    %add3A_207 = arith.constant 0 : i32
    %add3A_208 = arith.addi %mul3A_2, %add3A_207 : i32
    %dma_start3A_209 = arith.constant 0 : i32
    %dma_start3A_210 = arith.constant 2048 : i32
    %dma_start3A_211 = tpu.memref_slice %arg2[%dma_start3A_209, %add3A_208, %dma_start3A_210] : memref<2x4096x4096xf32, #tpu.memory_space<hbm>> -> memref<1x8x2048xf32, #tpu.memory_space<hbm>>
    %dma_start3A_212 = tpu.memref_squeeze %dma_start3A_211 : memref<1x8x2048xf32, #tpu.memory_space<hbm>> -> memref<8x2048xf32, #tpu.memory_space<hbm>>
    %dma_start3A_213 = arith.constant 2048 : i32
    %dma_start3A_214 = tpu.memref_slice %arg2[%dma_start3A_209, %add3A_208, %dma_start3A_213] : memref<2x4096x4096xf32, #tpu.memory_space<hbm>> -> memref<1x8x2048xf32, #tpu.memory_space<hbm>>
    %dma_start3A_215 = tpu.memref_squeeze %dma_start3A_214 : memref<1x8x2048xf32, #tpu.memory_space<hbm>> -> memref<8x2048xf32, #tpu.memory_space<hbm>>
    tpu.enqueue_dma source(%dma_start3A_215 : memref<8x2048xf32, #tpu.memory_space<hbm>>) target(%arg6 : memref<8x2048xf32, #tpu.memory_space<vmem>>) target_semaphore(%arg11 : memref<!tpu.dma_semaphore, #tpu.memory_space<semaphore_mem>>)
    %scan3A = arith.constant 0 : i32
    %scan3A_216 = arith.constant 0 : i32
    %scan3A_217 = arith.constant 32 : i32
    %scan3A_218 = arith.addi %scan3A_216, %scan3A_217 : i32
    %scan3A_219 = arith.constant 1 : i32
    scf.for %scan3A_238 = %scan3A_216 to %scan3A_218 step %scan3A_219  : i32 {
      %mul3A_239 = arith.constant 2 : i32
      %mul3A_240 = arith.muli %scan3A_238, %mul3A_239 : i32
      %add3A_241 = arith.constant 0 : i32
      %add3A_242 = arith.addi %add3A_241, %mul3A_240 : i32
      %add3A_243 = arith.constant 0 : i32
      %add3A_244 = arith.addi %add3A_242, %add3A_243 : i32
      %add3A_245 = arith.constant 0 : i32
      %add3A_246 = arith.addi %mul3A_2, %add3A_245 : i32
      %dma_wait3A_247 = arith.constant 0 : i32
      %dma_wait3A_248 = arith.constant 0 : i32
      %dma_wait3A_249 = tpu.memref_slice %arg2[%dma_wait3A_247, %add3A_246, %dma_wait3A_248] : memref<2x4096x4096xf32, #tpu.memory_space<hbm>> -> memref<1x8x2048xf32, #tpu.memory_space<hbm>>
      %dma_wait3A_250 = tpu.memref_squeeze %dma_wait3A_249 : memref<1x8x2048xf32, #tpu.memory_space<hbm>> -> memref<8x2048xf32, #tpu.memory_space<hbm>>
      %dma_wait3A_251 = arith.constant 0 : i32
      %dma_wait3A_252 = tpu.memref_slice %arg2[%dma_wait3A_247, %add3A_246, %dma_wait3A_251] : memref<2x4096x4096xf32, #tpu.memory_space<hbm>> -> memref<1x8x2048xf32, #tpu.memory_space<hbm>>
      %dma_wait3A_253 = tpu.memref_squeeze %dma_wait3A_252 : memref<1x8x2048xf32, #tpu.memory_space<hbm>> -> memref<8x2048xf32, #tpu.memory_space<hbm>>
      tpu.wait_dma2 semaphore(%arg10 : memref<!tpu.dma_semaphore, #tpu.memory_space<semaphore_mem>>) src(%dma_wait3A_253 : memref<8x2048xf32, #tpu.memory_space<hbm>>) dst(%arg5 : memref<8x2048xf32, #tpu.memory_space<vmem>>)
      %ge3A = arith.constant 2 : i32
      %ge3A_254 = arith.cmpi sge, %add3A_244, %ge3A : i32
      %convert_element_type3A = arith.extui %ge3A_254 : i1 to i32
      %cond3A = arith.constant 0 : i32
      %cond3A_255 = arith.cmpi ne, %convert_element_type3A, %cond3A : i32
      scf.if %cond3A_255 {
        %add3A_502 = arith.constant 0 : i32
        %add3A_503 = arith.addi %mul3A_2, %add3A_502 : i32
        %dma_wait3A_504 = arith.constant 0 : i32
        %dma_wait3A_505 = arith.constant 0 : i32
        %dma_wait3A_506 = tpu.memref_slice %arg4[%dma_wait3A_504, %add3A_503, %dma_wait3A_505] : memref<2x4096x4096xf32, #tpu.memory_space<hbm>> -> memref<1x8x2048xf32, #tpu.memory_space<hbm>>
        %dma_wait3A_507 = tpu.memref_squeeze %dma_wait3A_506 : memref<1x8x2048xf32, #tpu.memory_space<hbm>> -> memref<8x2048xf32, #tpu.memory_space<hbm>>
        %dma_wait3A_508 = arith.constant 0 : i32
        %dma_wait3A_509 = tpu.memref_slice %arg4[%dma_wait3A_504, %add3A_503, %dma_wait3A_508] : memref<2x4096x4096xf32, #tpu.memory_space<hbm>> -> memref<1x8x2048xf32, #tpu.memory_space<hbm>>
        %dma_wait3A_510 = tpu.memref_squeeze %dma_wait3A_509 : memref<1x8x2048xf32, #tpu.memory_space<hbm>> -> memref<8x2048xf32, #tpu.memory_space<hbm>>
        tpu.wait_dma2 semaphore(%arg12 : memref<!tpu.dma_semaphore, #tpu.memory_space<semaphore_mem>>) src(%arg7 : memref<8x2048xf32, #tpu.memory_space<vmem>>) dst(%dma_wait3A_510 : memref<8x2048xf32, #tpu.memory_space<hbm>>)
      } else {
      }
      %parallel_loop3A = arith.constant 0 : i32
      %parallel_loop3A_256 = arith.constant 128 : i32
      %parallel_loop3A_257 = arith.constant 1 : i32
      scf.for %parallel_loop3A_502 = %parallel_loop3A to %parallel_loop3A_256 step %parallel_loop3A_257  : i32 {
        %parallel_loop3A_503 = arith.constant 16 : i32
        %parallel_loop3A_504 = arith.muli %parallel_loop3A_502, %parallel_loop3A_503 : i32
        %parallel_loop3A_505 = arith.constant 0 : i32
        %parallel_loop3A_506 = arith.index_cast %parallel_loop3A_505 : i32 to index
        %parallel_loop3A_507 = arith.index_cast %parallel_loop3A_504 : i32 to index
        %parallel_loop3A_508 = tpu.vector_load %arg5[%parallel_loop3A_506, %parallel_loop3A_507] {strides = array<i32>} : memref<8x2048xf32, #tpu.memory_space<vmem>>, vector<1x16xf32>,
        %parallel_loop3A_509 = vector.shape_cast %parallel_loop3A_508 : vector<1x16xf32> to vector<16xf32>
        %parallel_loop3A_510 = arith.mulf %parallel_loop3A_509, %mul3A_198 : vector<16xf32>
        %parallel_loop3A_511 = arith.constant 0x4B400000 : f32
        %parallel_loop3A_512 = vector.broadcast %parallel_loop3A_511 : f32 to vector<16xf32>
        %parallel_loop3A_513 = arith.addf %parallel_loop3A_510, %parallel_loop3A_512 : vector<16xf32>
        %parallel_loop3A_514 = arith.constant 0x4B400000 : f32
        %parallel_loop3A_515 = vector.broadcast %parallel_loop3A_514 : f32 to vector<16xf32>
        %parallel_loop3A_516 = arith.subf %parallel_loop3A_513, %parallel_loop3A_515 : vector<16xf32>
        %parallel_loop3A_517 = arith.mulf %parallel_loop3A_516, %mul3A_175 : vector<16xf32>
        %parallel_loop3A_518 = arith.constant 0 : i32
        %parallel_loop3A_519 = arith.index_cast %parallel_loop3A_518 : i32 to index
        %parallel_loop3A_520 = arith.index_cast %parallel_loop3A_504 : i32 to index
        %parallel_loop3A_521 = tpu.vector_load %arg7[%parallel_loop3A_519, %parallel_loop3A_520] {strides = array<i32>} : memref<8x2048xf32, #tpu.memory_space<vmem>>, vector<1x16xf32>,
        %parallel_loop3A_522 = vector.shape_cast %parallel_loop3A_521 : vector<1x16xf32> to vector<16xf32>
        %parallel_loop3A_523 = vector.shape_cast %parallel_loop3A_517 : vector<16xf32> to vector<1x16xf32>
        tpu.vector_store %arg7[%parallel_loop3A_519, %parallel_loop3A_520], %parallel_loop3A_523 {strides = array<i32>} : memref<8x2048xf32, #tpu.memory_space<vmem>>, vector<1x16xf32>,
      } {sc.loop_unroll_factor = 8 : i64, sc.parallel_access}
      %parallel_loop3A_258 = arith.constant 0 : i32
      %parallel_loop3A_259 = arith.constant 128 : i32
      %parallel_loop3A_260 = arith.constant 1 : i32
      scf.for %parallel_loop3A_502 = %parallel_loop3A_258 to %parallel_loop3A_259 step %parallel_loop3A_260  : i32 {
        %parallel_loop3A_503 = arith.constant 16 : i32
        %parallel_loop3A_504 = arith.muli %parallel_loop3A_502, %parallel_loop3A_503 : i32
        %parallel_loop3A_505 = arith.constant 1 : i32
        %parallel_loop3A_506 = arith.index_cast %parallel_loop3A_505 : i32 to index
        %parallel_loop3A_507 = arith.index_cast %parallel_loop3A_504 : i32 to index
        %parallel_loop3A_508 = tpu.vector_load %arg5[%parallel_loop3A_506, %parallel_loop3A_507] {strides = array<i32>} : memref<8x2048xf32, #tpu.memory_space<vmem>>, vector<1x16xf32>,
        %parallel_loop3A_509 = vector.shape_cast %parallel_loop3A_508 : vector<1x16xf32> to vector<16xf32>
        %parallel_loop3A_510 = arith.mulf %parallel_loop3A_509, %mul3A_198 : vector<16xf32>
        %parallel_loop3A_511 = arith.constant 0x4B400000 : f32
        %parallel_loop3A_512 = vector.broadcast %parallel_loop3A_511 : f32 to vector<16xf32>
        %parallel_loop3A_513 = arith.addf %parallel_loop3A_510, %parallel_loop3A_512 : vector<16xf32>
        %parallel_loop3A_514 = arith.constant 0x4B400000 : f32
        %parallel_loop3A_515 = vector.broadcast %parallel_loop3A_514 : f32 to vector<16xf32>
        %parallel_loop3A_516 = arith.subf %parallel_loop3A_513, %parallel_loop3A_515 : vector<16xf32>
        %parallel_loop3A_517 = arith.mulf %parallel_loop3A_516, %mul3A_175 : vector<16xf32>
        %parallel_loop3A_518 = arith.constant 1 : i32
        %parallel_loop3A_519 = arith.index_cast %parallel_loop3A_518 : i32 to index
        %parallel_loop3A_520 = arith.index_cast %parallel_loop3A_504 : i32 to index
        %parallel_loop3A_521 = tpu.vector_load %arg7[%parallel_loop3A_519, %parallel_loop3A_520] {strides = array<i32>} : memref<8x2048xf32, #tpu.memory_space<vmem>>, vector<1x16xf32>,
        %parallel_loop3A_522 = vector.shape_cast %parallel_loop3A_521 : vector<1x16xf32> to vector<16xf32>
        %parallel_loop3A_523 = vector.shape_cast %parallel_loop3A_517 : vector<16xf32> to vector<1x16xf32>
        tpu.vector_store %arg7[%parallel_loop3A_519, %parallel_loop3A_520], %parallel_loop3A_523 {strides = array<i32>} : memref<8x2048xf32, #tpu.memory_space<vmem>>, vector<1x16xf32>,
      } {sc.loop_unroll_factor = 8 : i64, sc.parallel_access}
      %parallel_loop3A_261 = arith.constant 0 : i32
      %parallel_loop3A_262 = arith.constant 128 : i32
      %parallel_loop3A_263 = arith.constant 1 : i32
      scf.for %parallel_loop3A_502 = %parallel_loop3A_261 to %parallel_loop3A_262 step %parallel_loop3A_263  : i32 {
        %parallel_loop3A_503 = arith.constant 16 : i32
        %parallel_loop3A_504 = arith.muli %parallel_loop3A_502, %parallel_loop3A_503 : i32
        %parallel_loop3A_505 = arith.constant 2 : i32
        %parallel_loop3A_506 = arith.index_cast %parallel_loop3A_505 : i32 to index
        %parallel_loop3A_507 = arith.index_cast %parallel_loop3A_504 : i32 to index
        %parallel_loop3A_508 = tpu.vector_load %arg5[%parallel_loop3A_506, %parallel_loop3A_507] {strides = array<i32>} : memref<8x2048xf32, #tpu.memory_space<vmem>>, vector<1x16xf32>,
        %parallel_loop3A_509 = vector.shape_cast %parallel_loop3A_508 : vector<1x16xf32> to vector<16xf32>
        %parallel_loop3A_510 = arith.mulf %parallel_loop3A_509, %mul3A_198 : vector<16xf32>
        %parallel_loop3A_511 = arith.constant 0x4B400000 : f32
        %parallel_loop3A_512 = vector.broadcast %parallel_loop3A_511 : f32 to vector<16xf32>
        %parallel_loop3A_513 = arith.addf %parallel_loop3A_510, %parallel_loop3A_512 : vector<16xf32>
        %parallel_loop3A_514 = arith.constant 0x4B400000 : f32
        %parallel_loop3A_515 = vector.broadcast %parallel_loop3A_514 : f32 to vector<16xf32>
        %parallel_loop3A_516 = arith.subf %parallel_loop3A_513, %parallel_loop3A_515 : vector<16xf32>
        %parallel_loop3A_517 = arith.mulf %parallel_loop3A_516, %mul3A_175 : vector<16xf32>
        %parallel_loop3A_518 = arith.constant 2 : i32
        %parallel_loop3A_519 = arith.index_cast %parallel_loop3A_518 : i32 to index
        %parallel_loop3A_520 = arith.index_cast %parallel_loop3A_504 : i32 to index
        %parallel_loop3A_521 = tpu.vector_load %arg7[%parallel_loop3A_519, %parallel_loop3A_520] {strides = array<i32>} : memref<8x2048xf32, #tpu.memory_space<vmem>>, vector<1x16xf32>,
        %parallel_loop3A_522 = vector.shape_cast %parallel_loop3A_521 : vector<1x16xf32> to vector<16xf32>
        %parallel_loop3A_523 = vector.shape_cast %parallel_loop3A_517 : vector<16xf32> to vector<1x16xf32>
        tpu.vector_store %arg7[%parallel_loop3A_519, %parallel_loop3A_520], %parallel_loop3A_523 {strides = array<i32>} : memref<8x2048xf32, #tpu.memory_space<vmem>>, vector<1x16xf32>,
      } {sc.loop_unroll_factor = 8 : i64, sc.parallel_access}
      %parallel_loop3A_264 = arith.constant 0 : i32
      %parallel_loop3A_265 = arith.constant 128 : i32
      %parallel_loop3A_266 = arith.constant 1 : i32
      scf.for %parallel_loop3A_502 = %parallel_loop3A_264 to %parallel_loop3A_265 step %parallel_loop3A_266  : i32 {
        %parallel_loop3A_503 = arith.constant 16 : i32
        %parallel_loop3A_504 = arith.muli %parallel_loop3A_502, %parallel_loop3A_503 : i32
        %parallel_loop3A_505 = arith.constant 3 : i32
        %parallel_loop3A_506 = arith.index_cast %parallel_loop3A_505 : i32 to index
        %parallel_loop3A_507 = arith.index_cast %parallel_loop3A_504 : i32 to index
        %parallel_loop3A_508 = tpu.vector_load %arg5[%parallel_loop3A_506, %parallel_loop3A_507] {strides = array<i32>} : memref<8x2048xf32, #tpu.memory_space<vmem>>, vector<1x16xf32>,
        %parallel_loop3A_509 = vector.shape_cast %parallel_loop3A_508 : vector<1x16xf32> to vector<16xf32>
        %parallel_loop3A_510 = arith.mulf %parallel_loop3A_509, %mul3A_198 : vector<16xf32>
        %parallel_loop3A_511 = arith.constant 0x4B400000 : f32
        %parallel_loop3A_512 = vector.broadcast %parallel_loop3A_511 : f32 to vector<16xf32>
        %parallel_loop3A_513 = arith.addf %parallel_loop3A_510, %parallel_loop3A_512 : vector<16xf32>
        %parallel_loop3A_514 = arith.constant 0x4B400000 : f32
        %parallel_loop3A_515 = vector.broadcast %parallel_loop3A_514 : f32 to vector<16xf32>
        %parallel_loop3A_516 = arith.subf %parallel_loop3A_513, %parallel_loop3A_515 : vector<16xf32>
        %parallel_loop3A_517 = arith.mulf %parallel_loop3A_516, %mul3A_175 : vector<16xf32>
        %parallel_loop3A_518 = arith.constant 3 : i32
        %parallel_loop3A_519 = arith.index_cast %parallel_loop3A_518 : i32 to index
        %parallel_loop3A_520 = arith.index_cast %parallel_loop3A_504 : i32 to index
        %parallel_loop3A_521 = tpu.vector_load %arg7[%parallel_loop3A_519, %parallel_loop3A_520] {strides = array<i32>} : memref<8x2048xf32, #tpu.memory_space<vmem>>, vector<1x16xf32>,
        %parallel_loop3A_522 = vector.shape_cast %parallel_loop3A_521 : vector<1x16xf32> to vector<16xf32>
        %parallel_loop3A_523 = vector.shape_cast %parallel_loop3A_517 : vector<16xf32> to vector<1x16xf32>
        tpu.vector_store %arg7[%parallel_loop3A_519, %parallel_loop3A_520], %parallel_loop3A_523 {strides = array<i32>} : memref<8x2048xf32, #tpu.memory_space<vmem>>, vector<1x16xf32>,
      } {sc.loop_unroll_factor = 8 : i64, sc.parallel_access}
      %parallel_loop3A_267 = arith.constant 0 : i32
      %parallel_loop3A_268 = arith.constant 128 : i32
      %parallel_loop3A_269 = arith.constant 1 : i32
      scf.for %parallel_loop3A_502 = %parallel_loop3A_267 to %parallel_loop3A_268 step %parallel_loop3A_269  : i32 {
        %parallel_loop3A_503 = arith.constant 16 : i32
        %parallel_loop3A_504 = arith.muli %parallel_loop3A_502, %parallel_loop3A_503 : i32
        %parallel_loop3A_505 = arith.constant 4 : i32
        %parallel_loop3A_506 = arith.index_cast %parallel_loop3A_505 : i32 to index
        %parallel_loop3A_507 = arith.index_cast %parallel_loop3A_504 : i32 to index
        %parallel_loop3A_508 = tpu.vector_load %arg5[%parallel_loop3A_506, %parallel_loop3A_507] {strides = array<i32>} : memref<8x2048xf32, #tpu.memory_space<vmem>>, vector<1x16xf32>,
        %parallel_loop3A_509 = vector.shape_cast %parallel_loop3A_508 : vector<1x16xf32> to vector<16xf32>
        %parallel_loop3A_510 = arith.mulf %parallel_loop3A_509, %mul3A_198 : vector<16xf32>
        %parallel_loop3A_511 = arith.constant 0x4B400000 : f32
        %parallel_loop3A_512 = vector.broadcast %parallel_loop3A_511 : f32 to vector<16xf32>
        %parallel_loop3A_513 = arith.addf %parallel_loop3A_510, %parallel_loop3A_512 : vector<16xf32>
        %parallel_loop3A_514 = arith.constant 0x4B400000 : f32
        %parallel_loop3A_515 = vector.broadcast %parallel_loop3A_514 : f32 to vector<16xf32>
        %parallel_loop3A_516 = arith.subf %parallel_loop3A_513, %parallel_loop3A_515 : vector<16xf32>
        %parallel_loop3A_517 = arith.mulf %parallel_loop3A_516, %mul3A_175 : vector<16xf32>
        %parallel_loop3A_518 = arith.constant 4 : i32
        %parallel_loop3A_519 = arith.index_cast %parallel_loop3A_518 : i32 to index
        %parallel_loop3A_520 = arith.index_cast %parallel_loop3A_504 : i32 to index
        %parallel_loop3A_521 = tpu.vector_load %arg7[%parallel_loop3A_519, %parallel_loop3A_520] {strides = array<i32>} : memref<8x2048xf32, #tpu.memory_space<vmem>>, vector<1x16xf32>,
        %parallel_loop3A_522 = vector.shape_cast %parallel_loop3A_521 : vector<1x16xf32> to vector<16xf32>
        %parallel_loop3A_523 = vector.shape_cast %parallel_loop3A_517 : vector<16xf32> to vector<1x16xf32>
        tpu.vector_store %arg7[%parallel_loop3A_519, %parallel_loop3A_520], %parallel_loop3A_523 {strides = array<i32>} : memref<8x2048xf32, #tpu.memory_space<vmem>>, vector<1x16xf32>,
      } {sc.loop_unroll_factor = 8 : i64, sc.parallel_access}
      %parallel_loop3A_270 = arith.constant 0 : i32
      %parallel_loop3A_271 = arith.constant 128 : i32
      %parallel_loop3A_272 = arith.constant 1 : i32
      scf.for %parallel_loop3A_502 = %parallel_loop3A_270 to %parallel_loop3A_271 step %parallel_loop3A_272  : i32 {
        %parallel_loop3A_503 = arith.constant 16 : i32
        %parallel_loop3A_504 = arith.muli %parallel_loop3A_502, %parallel_loop3A_503 : i32
        %parallel_loop3A_505 = arith.constant 5 : i32
        %parallel_loop3A_506 = arith.index_cast %parallel_loop3A_505 : i32 to index
        %parallel_loop3A_507 = arith.index_cast %parallel_loop3A_504 : i32 to index
        %parallel_loop3A_508 = tpu.vector_load %arg5[%parallel_loop3A_506, %parallel_loop3A_507] {strides = array<i32>} : memref<8x2048xf32, #tpu.memory_space<vmem>>, vector<1x16xf32>,
        %parallel_loop3A_509 = vector.shape_cast %parallel_loop3A_508 : vector<1x16xf32> to vector<16xf32>
        %parallel_loop3A_510 = arith.mulf %parallel_loop3A_509, %mul3A_198 : vector<16xf32>
        %parallel_loop3A_511 = arith.constant 0x4B400000 : f32
        %parallel_loop3A_512 = vector.broadcast %parallel_loop3A_511 : f32 to vector<16xf32>
        %parallel_loop3A_513 = arith.addf %parallel_loop3A_510, %parallel_loop3A_512 : vector<16xf32>
        %parallel_loop3A_514 = arith.constant 0x4B400000 : f32
        %parallel_loop3A_515 = vector.broadcast %parallel_loop3A_514 : f32 to vector<16xf32>
        %parallel_loop3A_516 = arith.subf %parallel_loop3A_513, %parallel_loop3A_515 : vector<16xf32>
        %parallel_loop3A_517 = arith.mulf %parallel_loop3A_516, %mul3A_175 : vector<16xf32>
        %parallel_loop3A_518 = arith.constant 5 : i32
        %parallel_loop3A_519 = arith.index_cast %parallel_loop3A_518 : i32 to index
        %parallel_loop3A_520 = arith.index_cast %parallel_loop3A_504 : i32 to index
        %parallel_loop3A_521 = tpu.vector_load %arg7[%parallel_loop3A_519, %parallel_loop3A_520] {strides = array<i32>} : memref<8x2048xf32, #tpu.memory_space<vmem>>, vector<1x16xf32>,
        %parallel_loop3A_522 = vector.shape_cast %parallel_loop3A_521 : vector<1x16xf32> to vector<16xf32>
        %parallel_loop3A_523 = vector.shape_cast %parallel_loop3A_517 : vector<16xf32> to vector<1x16xf32>
        tpu.vector_store %arg7[%parallel_loop3A_519, %parallel_loop3A_520], %parallel_loop3A_523 {strides = array<i32>} : memref<8x2048xf32, #tpu.memory_space<vmem>>, vector<1x16xf32>,
      } {sc.loop_unroll_factor = 8 : i64, sc.parallel_access}
      %parallel_loop3A_273 = arith.constant 0 : i32
      %parallel_loop3A_274 = arith.constant 128 : i32
      %parallel_loop3A_275 = arith.constant 1 : i32
      scf.for %parallel_loop3A_502 = %parallel_loop3A_273 to %parallel_loop3A_274 step %parallel_loop3A_275  : i32 {
        %parallel_loop3A_503 = arith.constant 16 : i32
        %parallel_loop3A_504 = arith.muli %parallel_loop3A_502, %parallel_loop3A_503 : i32
        %parallel_loop3A_505 = arith.constant 6 : i32
        %parallel_loop3A_506 = arith.index_cast %parallel_loop3A_505 : i32 to index
        %parallel_loop3A_507 = arith.index_cast %parallel_loop3A_504 : i32 to index
        %parallel_loop3A_508 = tpu.vector_load %arg5[%parallel_loop3A_506, %parallel_loop3A_507] {strides = array<i32>} : memref<8x2048xf32, #tpu.memory_space<vmem>>, vector<1x16xf32>,
        %parallel_loop3A_509 = vector.shape_cast %parallel_loop3A_508 : vector<1x16xf32> to vector<16xf32>
        %parallel_loop3A_510 = arith.mulf %parallel_loop3A_509, %mul3A_198 : vector<16xf32>
        %parallel_loop3A_511 = arith.constant 0x4B400000 : f32
        %parallel_loop3A_512 = vector.broadcast %parallel_loop3A_511 : f32 to vector<16xf32>
        %parallel_loop3A_513 = arith.addf %parallel_loop3A_510, %parallel_loop3A_512 : vector<16xf32>
        %parallel_loop3A_514 = arith.constant 0x4B400000 : f32
        %parallel_loop3A_515 = vector.broadcast %parallel_loop3A_514 : f32 to vector<16xf32>
        %parallel_loop3A_516 = arith.subf %parallel_loop3A_513, %parallel_loop3A_515 : vector<16xf32>
        %parallel_loop3A_517 = arith.mulf %parallel_loop3A_516, %mul3A_175 : vector<16xf32>
        %parallel_loop3A_518 = arith.constant 6 : i32
        %parallel_loop3A_519 = arith.index_cast %parallel_loop3A_518 : i32 to index
        %parallel_loop3A_520 = arith.index_cast %parallel_loop3A_504 : i32 to index
        %parallel_loop3A_521 = tpu.vector_load %arg7[%parallel_loop3A_519, %parallel_loop3A_520] {strides = array<i32>} : memref<8x2048xf32, #tpu.memory_space<vmem>>, vector<1x16xf32>,
        %parallel_loop3A_522 = vector.shape_cast %parallel_loop3A_521 : vector<1x16xf32> to vector<16xf32>
        %parallel_loop3A_523 = vector.shape_cast %parallel_loop3A_517 : vector<16xf32> to vector<1x16xf32>
        tpu.vector_store %arg7[%parallel_loop3A_519, %parallel_loop3A_520], %parallel_loop3A_523 {strides = array<i32>} : memref<8x2048xf32, #tpu.memory_space<vmem>>, vector<1x16xf32>,
      } {sc.loop_unroll_factor = 8 : i64, sc.parallel_access}
      %parallel_loop3A_276 = arith.constant 0 : i32
      %parallel_loop3A_277 = arith.constant 128 : i32
      %parallel_loop3A_278 = arith.constant 1 : i32
      scf.for %parallel_loop3A_502 = %parallel_loop3A_276 to %parallel_loop3A_277 step %parallel_loop3A_278  : i32 {
        %parallel_loop3A_503 = arith.constant 16 : i32
        %parallel_loop3A_504 = arith.muli %parallel_loop3A_502, %parallel_loop3A_503 : i32
        %parallel_loop3A_505 = arith.constant 7 : i32
        %parallel_loop3A_506 = arith.index_cast %parallel_loop3A_505 : i32 to index
        %parallel_loop3A_507 = arith.index_cast %parallel_loop3A_504 : i32 to index
        %parallel_loop3A_508 = tpu.vector_load %arg5[%parallel_loop3A_506, %parallel_loop3A_507] {strides = array<i32>} : memref<8x2048xf32, #tpu.memory_space<vmem>>, vector<1x16xf32>,
        %parallel_loop3A_509 = vector.shape_cast %parallel_loop3A_508 : vector<1x16xf32> to vector<16xf32>
        %parallel_loop3A_510 = arith.mulf %parallel_loop3A_509, %mul3A_198 : vector<16xf32>
        %parallel_loop3A_511 = arith.constant 0x4B400000 : f32
        %parallel_loop3A_512 = vector.broadcast %parallel_loop3A_511 : f32 to vector<16xf32>
        %parallel_loop3A_513 = arith.addf %parallel_loop3A_510, %parallel_loop3A_512 : vector<16xf32>
        %parallel_loop3A_514 = arith.constant 0x4B400000 : f32
        %parallel_loop3A_515 = vector.broadcast %parallel_loop3A_514 : f32 to vector<16xf32>
        %parallel_loop3A_516 = arith.subf %parallel_loop3A_513, %parallel_loop3A_515 : vector<16xf32>
        %parallel_loop3A_517 = arith.mulf %parallel_loop3A_516, %mul3A_175 : vector<16xf32>
        %parallel_loop3A_518 = arith.constant 7 : i32
        %parallel_loop3A_519 = arith.index_cast %parallel_loop3A_518 : i32 to index
        %parallel_loop3A_520 = arith.index_cast %parallel_loop3A_504 : i32 to index
        %parallel_loop3A_521 = tpu.vector_load %arg7[%parallel_loop3A_519, %parallel_loop3A_520] {strides = array<i32>} : memref<8x2048xf32, #tpu.memory_space<vmem>>, vector<1x16xf32>,
        %parallel_loop3A_522 = vector.shape_cast %parallel_loop3A_521 : vector<1x16xf32> to vector<16xf32>
        %parallel_loop3A_523 = vector.shape_cast %parallel_loop3A_517 : vector<16xf32> to vector<1x16xf32>
        tpu.vector_store %arg7[%parallel_loop3A_519, %parallel_loop3A_520], %parallel_loop3A_523 {strides = array<i32>} : memref<8x2048xf32, #tpu.memory_space<vmem>>, vector<1x16xf32>,
      } {sc.loop_unroll_factor = 8 : i64, sc.parallel_access}
      %jit3A = arith.constant 32 : i32
      %div3A = arith.divsi %add3A_244, %jit3A : i32
      %sign3A = arith.constant 0 : i32
      %sign3A_279 = arith.cmpi sgt, %add3A_244, %sign3A : i32
      %sign3A_280 = arith.extui %sign3A_279 : i1 to i32
      %sign3A_281 = arith.constant 0 : i32
      %sign3A_282 = arith.cmpi slt, %add3A_244, %sign3A_281 : i32
      %sign3A_283 = arith.extui %sign3A_282 : i1 to i32
      %sign3A_284 = arith.subi %sign3A_280, %sign3A_283 : i32
      %sign3A_285 = arith.constant 0 : i32
      %sign3A_286 = arith.cmpi sgt, %jit3A, %sign3A_285 : i32
      %sign3A_287 = arith.extui %sign3A_286 : i1 to i32
      %sign3A_288 = arith.constant 0 : i32
      %sign3A_289 = arith.cmpi slt, %jit3A, %sign3A_288 : i32
      %sign3A_290 = arith.extui %sign3A_289 : i1 to i32
      %sign3A_291 = arith.subi %sign3A_287, %sign3A_290 : i32
      %ne3A = arith.cmpi ne, %sign3A_284, %sign3A_291 : i32
      %rem3A = arith.remsi %add3A_244, %jit3A : i32
      %ne3A_292 = arith.constant 0 : i32
      %ne3A_293 = arith.cmpi ne, %rem3A, %ne3A_292 : i32
      %and3A = arith.andi %ne3A, %ne3A_293 : i1
      %sub3A_294 = arith.constant 1 : i32
      %sub3A_295 = arith.subi %div3A, %sub3A_294 : i32
      %select_n3A = arith.select %and3A, %sub3A_295, %div3A : i32
      %jit3A_296 = arith.constant 32 : i32
      %eq3A = arith.constant 0 : i32
      %eq3A_297 = arith.cmpi eq, %jit3A_296, %eq3A : i32
      %jit3A_298 = arith.constant 1 : i32
      %select_n3A_299 = arith.select %eq3A_297, %jit3A_298, %jit3A_296 : i32
      %rem3A_300 = arith.remsi %add3A_244, %select_n3A_299 : i32
      %ne3A_301 = arith.constant 0 : i32
      %ne3A_302 = arith.cmpi ne, %rem3A_300, %ne3A_301 : i32
      %lt3A = arith.constant 0 : i32
      %lt3A_303 = arith.cmpi slt, %rem3A_300, %lt3A : i32
      %lt3A_304 = arith.constant 0 : i32
      %lt3A_305 = arith.cmpi slt, %select_n3A_299, %lt3A_304 : i32
      %ne3A_306 = arith.xori %lt3A_303, %lt3A_305 : i1
      %and3A_307 = arith.andi %ne3A_306, %ne3A_302 : i1
      %add3A_308 = arith.addi %rem3A_300, %select_n3A_299 : i32
      %select_n3A_309 = arith.select %and3A_307, %add3A_308, %rem3A_300 : i32
      %jit3A_310 = arith.constant 2 : i32
      %div3A_311 = arith.divsi %select_n3A_309, %jit3A_310 : i32
      %sign3A_312 = arith.constant 0 : i32
      %sign3A_313 = arith.cmpi sgt, %select_n3A_309, %sign3A_312 : i32
      %sign3A_314 = arith.extui %sign3A_313 : i1 to i32
      %sign3A_315 = arith.constant 0 : i32
      %sign3A_316 = arith.cmpi slt, %select_n3A_309, %sign3A_315 : i32
      %sign3A_317 = arith.extui %sign3A_316 : i1 to i32
      %sign3A_318 = arith.subi %sign3A_314, %sign3A_317 : i32
      %sign3A_319 = arith.constant 0 : i32
      %sign3A_320 = arith.cmpi sgt, %jit3A_310, %sign3A_319 : i32
      %sign3A_321 = arith.extui %sign3A_320 : i1 to i32
      %sign3A_322 = arith.constant 0 : i32
      %sign3A_323 = arith.cmpi slt, %jit3A_310, %sign3A_322 : i32
      %sign3A_324 = arith.extui %sign3A_323 : i1 to i32
      %sign3A_325 = arith.subi %sign3A_321, %sign3A_324 : i32
      %ne3A_326 = arith.cmpi ne, %sign3A_318, %sign3A_325 : i32
      %rem3A_327 = arith.remsi %select_n3A_309, %jit3A_310 : i32
      %ne3A_328 = arith.constant 0 : i32
      %ne3A_329 = arith.cmpi ne, %rem3A_327, %ne3A_328 : i32
      %and3A_330 = arith.andi %ne3A_326, %ne3A_329 : i1
      %sub3A_331 = arith.constant 1 : i32
      %sub3A_332 = arith.subi %div3A_311, %sub3A_331 : i32
      %select_n3A_333 = arith.select %and3A_330, %sub3A_332, %div3A_311 : i32
      %mul3A_334 = arith.constant 8 : i32
      %mul3A_335 = arith.muli %select_n3A_333, %mul3A_334 : i32
      %add3A_336 = arith.addi %mul3A_2, %mul3A_335 : i32
      %jit3A_337 = arith.constant 2 : i32
      %eq3A_338 = arith.constant 0 : i32
      %eq3A_339 = arith.cmpi eq, %jit3A_337, %eq3A_338 : i32
      %jit3A_340 = arith.constant 1 : i32
      %select_n3A_341 = arith.select %eq3A_339, %jit3A_340, %jit3A_337 : i32
      %rem3A_342 = arith.remsi %select_n3A_309, %select_n3A_341 : i32
      %ne3A_343 = arith.constant 0 : i32
      %ne3A_344 = arith.cmpi ne, %rem3A_342, %ne3A_343 : i32
      %lt3A_345 = arith.constant 0 : i32
      %lt3A_346 = arith.cmpi slt, %rem3A_342, %lt3A_345 : i32
      %lt3A_347 = arith.constant 0 : i32
      %lt3A_348 = arith.cmpi slt, %select_n3A_341, %lt3A_347 : i32
      %ne3A_349 = arith.xori %lt3A_346, %lt3A_348 : i1
      %and3A_350 = arith.andi %ne3A_349, %ne3A_344 : i1
      %add3A_351 = arith.addi %rem3A_342, %select_n3A_341 : i32
      %select_n3A_352 = arith.select %and3A_350, %add3A_351, %rem3A_342 : i32
      %mul3A_353 = arith.constant 2048 : i32
      %mul3A_354 = arith.muli %select_n3A_352, %mul3A_353 : i32
      %dma_start3A_355 = tpu.memref_slice %arg4[%select_n3A, %add3A_336, %mul3A_354] : memref<2x4096x4096xf32, #tpu.memory_space<hbm>> -> memref<1x8x2048xf32, #tpu.memory_space<hbm>>
      %dma_start3A_356 = tpu.memref_squeeze %dma_start3A_355 : memref<1x8x2048xf32, #tpu.memory_space<hbm>> -> memref<8x2048xf32, #tpu.memory_space<hbm>>
      %dma_start3A_357 = tpu.memref_slice %arg4[%select_n3A, %add3A_336, %mul3A_354] : memref<2x4096x4096xf32, #tpu.memory_space<hbm>> -> memref<1x8x2048xf32, #tpu.memory_space<hbm>>
      %dma_start3A_358 = tpu.memref_squeeze %dma_start3A_357 : memref<1x8x2048xf32, #tpu.memory_space<hbm>> -> memref<8x2048xf32, #tpu.memory_space<hbm>>
      tpu.enqueue_dma source(%arg7 : memref<8x2048xf32, #tpu.memory_space<vmem>>) target(%dma_start3A_358 : memref<8x2048xf32, #tpu.memory_space<hbm>>) target_semaphore(%arg12 : memref<!tpu.dma_semaphore, #tpu.memory_space<semaphore_mem>>)
      %add3A_359 = arith.constant 2 : i32
      %add3A_360 = arith.addi %add3A_244, %add3A_359 : i32
      %lt3A_361 = arith.constant 64 : i32
      %lt3A_362 = arith.cmpi slt, %add3A_360, %lt3A_361 : i32
      %convert_element_type3A_363 = arith.extui %lt3A_362 : i1 to i32
      %cond3A_364 = arith.constant 0 : i32
      %cond3A_365 = arith.cmpi ne, %convert_element_type3A_363, %cond3A_364 : i32
      scf.if %cond3A_365 {
        %jit3A_502 = arith.constant 32 : i32
        %div3A_503 = arith.divsi %add3A_360, %jit3A_502 : i32
        %sign3A_504 = arith.constant 0 : i32
        %sign3A_505 = arith.cmpi sgt, %add3A_360, %sign3A_504 : i32
        %sign3A_506 = arith.extui %sign3A_505 : i1 to i32
        %sign3A_507 = arith.constant 0 : i32
        %sign3A_508 = arith.cmpi slt, %add3A_360, %sign3A_507 : i32
        %sign3A_509 = arith.extui %sign3A_508 : i1 to i32
        %sign3A_510 = arith.subi %sign3A_506, %sign3A_509 : i32
        %sign3A_511 = arith.constant 0 : i32
        %sign3A_512 = arith.cmpi sgt, %jit3A_502, %sign3A_511 : i32
        %sign3A_513 = arith.extui %sign3A_512 : i1 to i32
        %sign3A_514 = arith.constant 0 : i32
        %sign3A_515 = arith.cmpi slt, %jit3A_502, %sign3A_514 : i32
        %sign3A_516 = arith.extui %sign3A_515 : i1 to i32
        %sign3A_517 = arith.subi %sign3A_513, %sign3A_516 : i32
        %ne3A_518 = arith.cmpi ne, %sign3A_510, %sign3A_517 : i32
        %rem3A_519 = arith.remsi %add3A_360, %jit3A_502 : i32
        %ne3A_520 = arith.constant 0 : i32
        %ne3A_521 = arith.cmpi ne, %rem3A_519, %ne3A_520 : i32
        %and3A_522 = arith.andi %ne3A_518, %ne3A_521 : i1
        %sub3A_523 = arith.constant 1 : i32
        %sub3A_524 = arith.subi %div3A_503, %sub3A_523 : i32
        %select_n3A_525 = arith.select %and3A_522, %sub3A_524, %div3A_503 : i32
        %jit3A_526 = arith.constant 32 : i32
        %eq3A_527 = arith.constant 0 : i32
        %eq3A_528 = arith.cmpi eq, %jit3A_526, %eq3A_527 : i32
        %jit3A_529 = arith.constant 1 : i32
        %select_n3A_530 = arith.select %eq3A_528, %jit3A_529, %jit3A_526 : i32
        %rem3A_531 = arith.remsi %add3A_360, %select_n3A_530 : i32
        %ne3A_532 = arith.constant 0 : i32
        %ne3A_533 = arith.cmpi ne, %rem3A_531, %ne3A_532 : i32
        %lt3A_534 = arith.constant 0 : i32
        %lt3A_535 = arith.cmpi slt, %rem3A_531, %lt3A_534 : i32
        %lt3A_536 = arith.constant 0 : i32
        %lt3A_537 = arith.cmpi slt, %select_n3A_530, %lt3A_536 : i32
        %ne3A_538 = arith.xori %lt3A_535, %lt3A_537 : i1
        %and3A_539 = arith.andi %ne3A_538, %ne3A_533 : i1
        %add3A_540 = arith.addi %rem3A_531, %select_n3A_530 : i32
        %select_n3A_541 = arith.select %and3A_539, %add3A_540, %rem3A_531 : i32
        %jit3A_542 = arith.constant 2 : i32
        %div3A_543 = arith.divsi %select_n3A_541, %jit3A_542 : i32
        %sign3A_544 = arith.constant 0 : i32
        %sign3A_545 = arith.cmpi sgt, %select_n3A_541, %sign3A_544 : i32
        %sign3A_546 = arith.extui %sign3A_545 : i1 to i32
        %sign3A_547 = arith.constant 0 : i32
        %sign3A_548 = arith.cmpi slt, %select_n3A_541, %sign3A_547 : i32
        %sign3A_549 = arith.extui %sign3A_548 : i1 to i32
        %sign3A_550 = arith.subi %sign3A_546, %sign3A_549 : i32
        %sign3A_551 = arith.constant 0 : i32
        %sign3A_552 = arith.cmpi sgt, %jit3A_542, %sign3A_551 : i32
        %sign3A_553 = arith.extui %sign3A_552 : i1 to i32
        %sign3A_554 = arith.constant 0 : i32
        %sign3A_555 = arith.cmpi slt, %jit3A_542, %sign3A_554 : i32
        %sign3A_556 = arith.extui %sign3A_555 : i1 to i32
        %sign3A_557 = arith.subi %sign3A_553, %sign3A_556 : i32
        %ne3A_558 = arith.cmpi ne, %sign3A_550, %sign3A_557 : i32
        %rem3A_559 = arith.remsi %select_n3A_541, %jit3A_542 : i32
        %ne3A_560 = arith.constant 0 : i32
        %ne3A_561 = arith.cmpi ne, %rem3A_559, %ne3A_560 : i32
        %and3A_562 = arith.andi %ne3A_558, %ne3A_561 : i1
        %sub3A_563 = arith.constant 1 : i32
        %sub3A_564 = arith.subi %div3A_543, %sub3A_563 : i32
        %select_n3A_565 = arith.select %and3A_562, %sub3A_564, %div3A_543 : i32
        %mul3A_566 = arith.constant 8 : i32
        %mul3A_567 = arith.muli %select_n3A_565, %mul3A_566 : i32
        %add3A_568 = arith.addi %mul3A_2, %mul3A_567 : i32
        %jit3A_569 = arith.constant 2 : i32
        %eq3A_570 = arith.constant 0 : i32
        %eq3A_571 = arith.cmpi eq, %jit3A_569, %eq3A_570 : i32
        %jit3A_572 = arith.constant 1 : i32
        %select_n3A_573 = arith.select %eq3A_571, %jit3A_572, %jit3A_569 : i32
        %rem3A_574 = arith.remsi %select_n3A_541, %select_n3A_573 : i32
        %ne3A_575 = arith.constant 0 : i32
        %ne3A_576 = arith.cmpi ne, %rem3A_574, %ne3A_575 : i32
        %lt3A_577 = arith.constant 0 : i32
        %lt3A_578 = arith.cmpi slt, %rem3A_574, %lt3A_577 : i32
        %lt3A_579 = arith.constant 0 : i32
        %lt3A_580 = arith.cmpi slt, %select_n3A_573, %lt3A_579 : i32
        %ne3A_581 = arith.xori %lt3A_578, %lt3A_580 : i1
        %and3A_582 = arith.andi %ne3A_581, %ne3A_576 : i1
        %add3A_583 = arith.addi %rem3A_574, %select_n3A_573 : i32
        %select_n3A_584 = arith.select %and3A_582, %add3A_583, %rem3A_574 : i32
        %mul3A_585 = arith.constant 2048 : i32
        %mul3A_586 = arith.muli %select_n3A_584, %mul3A_585 : i32
        %dma_start3A_587 = tpu.memref_slice %arg2[%select_n3A_525, %add3A_568, %mul3A_586] : memref<2x4096x4096xf32, #tpu.memory_space<hbm>> -> memref<1x8x2048xf32, #tpu.memory_space<hbm>>
        %dma_start3A_588 = tpu.memref_squeeze %dma_start3A_587 : memref<1x8x2048xf32, #tpu.memory_space<hbm>> -> memref<8x2048xf32, #tpu.memory_space<hbm>>
        %dma_start3A_589 = tpu.memref_slice %arg2[%select_n3A_525, %add3A_568, %mul3A_586] : memref<2x4096x4096xf32, #tpu.memory_space<hbm>> -> memref<1x8x2048xf32, #tpu.memory_space<hbm>>
        %dma_start3A_590 = tpu.memref_squeeze %dma_start3A_589 : memref<1x8x2048xf32, #tpu.memory_space<hbm>> -> memref<8x2048xf32, #tpu.memory_space<hbm>>
        tpu.enqueue_dma source(%dma_start3A_590 : memref<8x2048xf32, #tpu.memory_space<hbm>>) target(%arg5 : memref<8x2048xf32, #tpu.memory_space<vmem>>) target_semaphore(%arg10 : memref<!tpu.dma_semaphore, #tpu.memory_space<semaphore_mem>>)
      } else {
      }
      %add3A_366 = arith.constant 1 : i32
      %add3A_367 = arith.addi %add3A_242, %add3A_366 : i32
      %add3A_368 = arith.constant 0 : i32
      %add3A_369 = arith.addi %mul3A_2, %add3A_368 : i32
      %dma_wait3A_370 = arith.constant 0 : i32
      %dma_wait3A_371 = arith.constant 0 : i32
      %dma_wait3A_372 = tpu.memref_slice %arg2[%dma_wait3A_370, %add3A_369, %dma_wait3A_371] : memref<2x4096x4096xf32, #tpu.memory_space<hbm>> -> memref<1x8x2048xf32, #tpu.memory_space<hbm>>
      %dma_wait3A_373 = tpu.memref_squeeze %dma_wait3A_372 : memref<1x8x2048xf32, #tpu.memory_space<hbm>> -> memref<8x2048xf32, #tpu.memory_space<hbm>>
      %dma_wait3A_374 = arith.constant 0 : i32
      %dma_wait3A_375 = tpu.memref_slice %arg2[%dma_wait3A_370, %add3A_369, %dma_wait3A_374] : memref<2x4096x4096xf32, #tpu.memory_space<hbm>> -> memref<1x8x2048xf32, #tpu.memory_space<hbm>>
      %dma_wait3A_376 = tpu.memref_squeeze %dma_wait3A_375 : memref<1x8x2048xf32, #tpu.memory_space<hbm>> -> memref<8x2048xf32, #tpu.memory_space<hbm>>
      tpu.wait_dma2 semaphore(%arg11 : memref<!tpu.dma_semaphore, #tpu.memory_space<semaphore_mem>>) src(%dma_wait3A_376 : memref<8x2048xf32, #tpu.memory_space<hbm>>) dst(%arg6 : memref<8x2048xf32, #tpu.memory_space<vmem>>)
      %ge3A_377 = arith.constant 2 : i32
      %ge3A_378 = arith.cmpi sge, %add3A_367, %ge3A_377 : i32
      %convert_element_type3A_379 = arith.extui %ge3A_378 : i1 to i32
      %cond3A_380 = arith.constant 0 : i32
      %cond3A_381 = arith.cmpi ne, %convert_element_type3A_379, %cond3A_380 : i32
      scf.if %cond3A_381 {
        %add3A_502 = arith.constant 0 : i32
        %add3A_503 = arith.addi %mul3A_2, %add3A_502 : i32
        %dma_wait3A_504 = arith.constant 0 : i32
        %dma_wait3A_505 = arith.constant 0 : i32
        %dma_wait3A_506 = tpu.memref_slice %arg4[%dma_wait3A_504, %add3A_503, %dma_wait3A_505] : memref<2x4096x4096xf32, #tpu.memory_space<hbm>> -> memref<1x8x2048xf32, #tpu.memory_space<hbm>>
        %dma_wait3A_507 = tpu.memref_squeeze %dma_wait3A_506 : memref<1x8x2048xf32, #tpu.memory_space<hbm>> -> memref<8x2048xf32, #tpu.memory_space<hbm>>
        %dma_wait3A_508 = arith.constant 0 : i32
        %dma_wait3A_509 = tpu.memref_slice %arg4[%dma_wait3A_504, %add3A_503, %dma_wait3A_508] : memref<2x4096x4096xf32, #tpu.memory_space<hbm>> -> memref<1x8x2048xf32, #tpu.memory_space<hbm>>
        %dma_wait3A_510 = tpu.memref_squeeze %dma_wait3A_509 : memref<1x8x2048xf32, #tpu.memory_space<hbm>> -> memref<8x2048xf32, #tpu.memory_space<hbm>>
        tpu.wait_dma2 semaphore(%arg13 : memref<!tpu.dma_semaphore, #tpu.memory_space<semaphore_mem>>) src(%arg8 : memref<8x2048xf32, #tpu.memory_space<vmem>>) dst(%dma_wait3A_510 : memref<8x2048xf32, #tpu.memory_space<hbm>>)
      } else {
      }
      %parallel_loop3A_382 = arith.constant 0 : i32
      %parallel_loop3A_383 = arith.constant 128 : i32
      %parallel_loop3A_384 = arith.constant 1 : i32
      scf.for %parallel_loop3A_502 = %parallel_loop3A_382 to %parallel_loop3A_383 step %parallel_loop3A_384  : i32 {
        %parallel_loop3A_503 = arith.constant 16 : i32
        %parallel_loop3A_504 = arith.muli %parallel_loop3A_502, %parallel_loop3A_503 : i32
        %parallel_loop3A_505 = arith.constant 0 : i32
        %parallel_loop3A_506 = arith.index_cast %parallel_loop3A_505 : i32 to index
        %parallel_loop3A_507 = arith.index_cast %parallel_loop3A_504 : i32 to index
        %parallel_loop3A_508 = tpu.vector_load %arg6[%parallel_loop3A_506, %parallel_loop3A_507] {strides = array<i32>} : memref<8x2048xf32, #tpu.memory_space<vmem>>, vector<1x16xf32>,
        %parallel_loop3A_509 = vector.shape_cast %parallel_loop3A_508 : vector<1x16xf32> to vector<16xf32>
        %parallel_loop3A_510 = arith.mulf %parallel_loop3A_509, %mul3A_198 : vector<16xf32>
        %parallel_loop3A_511 = arith.constant 0x4B400000 : f32
        %parallel_loop3A_512 = vector.broadcast %parallel_loop3A_511 : f32 to vector<16xf32>
        %parallel_loop3A_513 = arith.addf %parallel_loop3A_510, %parallel_loop3A_512 : vector<16xf32>
        %parallel_loop3A_514 = arith.constant 0x4B400000 : f32
        %parallel_loop3A_515 = vector.broadcast %parallel_loop3A_514 : f32 to vector<16xf32>
        %parallel_loop3A_516 = arith.subf %parallel_loop3A_513, %parallel_loop3A_515 : vector<16xf32>
        %parallel_loop3A_517 = arith.mulf %parallel_loop3A_516, %mul3A_175 : vector<16xf32>
        %parallel_loop3A_518 = arith.constant 0 : i32
        %parallel_loop3A_519 = arith.index_cast %parallel_loop3A_518 : i32 to index
        %parallel_loop3A_520 = arith.index_cast %parallel_loop3A_504 : i32 to index
        %parallel_loop3A_521 = tpu.vector_load %arg8[%parallel_loop3A_519, %parallel_loop3A_520] {strides = array<i32>} : memref<8x2048xf32, #tpu.memory_space<vmem>>, vector<1x16xf32>,
        %parallel_loop3A_522 = vector.shape_cast %parallel_loop3A_521 : vector<1x16xf32> to vector<16xf32>
        %parallel_loop3A_523 = vector.shape_cast %parallel_loop3A_517 : vector<16xf32> to vector<1x16xf32>
        tpu.vector_store %arg8[%parallel_loop3A_519, %parallel_loop3A_520], %parallel_loop3A_523 {strides = array<i32>} : memref<8x2048xf32, #tpu.memory_space<vmem>>, vector<1x16xf32>,
      } {sc.loop_unroll_factor = 8 : i64, sc.parallel_access}
      %parallel_loop3A_385 = arith.constant 0 : i32
      %parallel_loop3A_386 = arith.constant 128 : i32
      %parallel_loop3A_387 = arith.constant 1 : i32
      scf.for %parallel_loop3A_502 = %parallel_loop3A_385 to %parallel_loop3A_386 step %parallel_loop3A_387  : i32 {
        %parallel_loop3A_503 = arith.constant 16 : i32
        %parallel_loop3A_504 = arith.muli %parallel_loop3A_502, %parallel_loop3A_503 : i32
        %parallel_loop3A_505 = arith.constant 1 : i32
        %parallel_loop3A_506 = arith.index_cast %parallel_loop3A_505 : i32 to index
        %parallel_loop3A_507 = arith.index_cast %parallel_loop3A_504 : i32 to index
        %parallel_loop3A_508 = tpu.vector_load %arg6[%parallel_loop3A_506, %parallel_loop3A_507] {strides = array<i32>} : memref<8x2048xf32, #tpu.memory_space<vmem>>, vector<1x16xf32>,
        %parallel_loop3A_509 = vector.shape_cast %parallel_loop3A_508 : vector<1x16xf32> to vector<16xf32>
        %parallel_loop3A_510 = arith.mulf %parallel_loop3A_509, %mul3A_198 : vector<16xf32>
        %parallel_loop3A_511 = arith.constant 0x4B400000 : f32
        %parallel_loop3A_512 = vector.broadcast %parallel_loop3A_511 : f32 to vector<16xf32>
        %parallel_loop3A_513 = arith.addf %parallel_loop3A_510, %parallel_loop3A_512 : vector<16xf32>
        %parallel_loop3A_514 = arith.constant 0x4B400000 : f32
        %parallel_loop3A_515 = vector.broadcast %parallel_loop3A_514 : f32 to vector<16xf32>
        %parallel_loop3A_516 = arith.subf %parallel_loop3A_513, %parallel_loop3A_515 : vector<16xf32>
        %parallel_loop3A_517 = arith.mulf %parallel_loop3A_516, %mul3A_175 : vector<16xf32>
        %parallel_loop3A_518 = arith.constant 1 : i32
        %parallel_loop3A_519 = arith.index_cast %parallel_loop3A_518 : i32 to index
        %parallel_loop3A_520 = arith.index_cast %parallel_loop3A_504 : i32 to index
        %parallel_loop3A_521 = tpu.vector_load %arg8[%parallel_loop3A_519, %parallel_loop3A_520] {strides = array<i32>} : memref<8x2048xf32, #tpu.memory_space<vmem>>, vector<1x16xf32>,
        %parallel_loop3A_522 = vector.shape_cast %parallel_loop3A_521 : vector<1x16xf32> to vector<16xf32>
        %parallel_loop3A_523 = vector.shape_cast %parallel_loop3A_517 : vector<16xf32> to vector<1x16xf32>
        tpu.vector_store %arg8[%parallel_loop3A_519, %parallel_loop3A_520], %parallel_loop3A_523 {strides = array<i32>} : memref<8x2048xf32, #tpu.memory_space<vmem>>, vector<1x16xf32>,
      } {sc.loop_unroll_factor = 8 : i64, sc.parallel_access}
      %parallel_loop3A_388 = arith.constant 0 : i32
      %parallel_loop3A_389 = arith.constant 128 : i32
      %parallel_loop3A_390 = arith.constant 1 : i32
      scf.for %parallel_loop3A_502 = %parallel_loop3A_388 to %parallel_loop3A_389 step %parallel_loop3A_390  : i32 {
        %parallel_loop3A_503 = arith.constant 16 : i32
        %parallel_loop3A_504 = arith.muli %parallel_loop3A_502, %parallel_loop3A_503 : i32
        %parallel_loop3A_505 = arith.constant 2 : i32
        %parallel_loop3A_506 = arith.index_cast %parallel_loop3A_505 : i32 to index
        %parallel_loop3A_507 = arith.index_cast %parallel_loop3A_504 : i32 to index
        %parallel_loop3A_508 = tpu.vector_load %arg6[%parallel_loop3A_506, %parallel_loop3A_507] {strides = array<i32>} : memref<8x2048xf32, #tpu.memory_space<vmem>>, vector<1x16xf32>,
        %parallel_loop3A_509 = vector.shape_cast %parallel_loop3A_508 : vector<1x16xf32> to vector<16xf32>
        %parallel_loop3A_510 = arith.mulf %parallel_loop3A_509, %mul3A_198 : vector<16xf32>
        %parallel_loop3A_511 = arith.constant 0x4B400000 : f32
        %parallel_loop3A_512 = vector.broadcast %parallel_loop3A_511 : f32 to vector<16xf32>
        %parallel_loop3A_513 = arith.addf %parallel_loop3A_510, %parallel_loop3A_512 : vector<16xf32>
        %parallel_loop3A_514 = arith.constant 0x4B400000 : f32
        %parallel_loop3A_515 = vector.broadcast %parallel_loop3A_514 : f32 to vector<16xf32>
        %parallel_loop3A_516 = arith.subf %parallel_loop3A_513, %parallel_loop3A_515 : vector<16xf32>
        %parallel_loop3A_517 = arith.mulf %parallel_loop3A_516, %mul3A_175 : vector<16xf32>
        %parallel_loop3A_518 = arith.constant 2 : i32
        %parallel_loop3A_519 = arith.index_cast %parallel_loop3A_518 : i32 to index
        %parallel_loop3A_520 = arith.index_cast %parallel_loop3A_504 : i32 to index
        %parallel_loop3A_521 = tpu.vector_load %arg8[%parallel_loop3A_519, %parallel_loop3A_520] {strides = array<i32>} : memref<8x2048xf32, #tpu.memory_space<vmem>>, vector<1x16xf32>,
        %parallel_loop3A_522 = vector.shape_cast %parallel_loop3A_521 : vector<1x16xf32> to vector<16xf32>
        %parallel_loop3A_523 = vector.shape_cast %parallel_loop3A_517 : vector<16xf32> to vector<1x16xf32>
        tpu.vector_store %arg8[%parallel_loop3A_519, %parallel_loop3A_520], %parallel_loop3A_523 {strides = array<i32>} : memref<8x2048xf32, #tpu.memory_space<vmem>>, vector<1x16xf32>,
      } {sc.loop_unroll_factor = 8 : i64, sc.parallel_access}
      %parallel_loop3A_391 = arith.constant 0 : i32
      %parallel_loop3A_392 = arith.constant 128 : i32
      %parallel_loop3A_393 = arith.constant 1 : i32
      scf.for %parallel_loop3A_502 = %parallel_loop3A_391 to %parallel_loop3A_392 step %parallel_loop3A_393  : i32 {
        %parallel_loop3A_503 = arith.constant 16 : i32
        %parallel_loop3A_504 = arith.muli %parallel_loop3A_502, %parallel_loop3A_503 : i32
        %parallel_loop3A_505 = arith.constant 3 : i32
        %parallel_loop3A_506 = arith.index_cast %parallel_loop3A_505 : i32 to index
        %parallel_loop3A_507 = arith.index_cast %parallel_loop3A_504 : i32 to index
        %parallel_loop3A_508 = tpu.vector_load %arg6[%parallel_loop3A_506, %parallel_loop3A_507] {strides = array<i32>} : memref<8x2048xf32, #tpu.memory_space<vmem>>, vector<1x16xf32>,
        %parallel_loop3A_509 = vector.shape_cast %parallel_loop3A_508 : vector<1x16xf32> to vector<16xf32>
        %parallel_loop3A_510 = arith.mulf %parallel_loop3A_509, %mul3A_198 : vector<16xf32>
        %parallel_loop3A_511 = arith.constant 0x4B400000 : f32
        %parallel_loop3A_512 = vector.broadcast %parallel_loop3A_511 : f32 to vector<16xf32>
        %parallel_loop3A_513 = arith.addf %parallel_loop3A_510, %parallel_loop3A_512 : vector<16xf32>
        %parallel_loop3A_514 = arith.constant 0x4B400000 : f32
        %parallel_loop3A_515 = vector.broadcast %parallel_loop3A_514 : f32 to vector<16xf32>
        %parallel_loop3A_516 = arith.subf %parallel_loop3A_513, %parallel_loop3A_515 : vector<16xf32>
        %parallel_loop3A_517 = arith.mulf %parallel_loop3A_516, %mul3A_175 : vector<16xf32>
        %parallel_loop3A_518 = arith.constant 3 : i32
        %parallel_loop3A_519 = arith.index_cast %parallel_loop3A_518 : i32 to index
        %parallel_loop3A_520 = arith.index_cast %parallel_loop3A_504 : i32 to index
        %parallel_loop3A_521 = tpu.vector_load %arg8[%parallel_loop3A_519, %parallel_loop3A_520] {strides = array<i32>} : memref<8x2048xf32, #tpu.memory_space<vmem>>, vector<1x16xf32>,
        %parallel_loop3A_522 = vector.shape_cast %parallel_loop3A_521 : vector<1x16xf32> to vector<16xf32>
        %parallel_loop3A_523 = vector.shape_cast %parallel_loop3A_517 : vector<16xf32> to vector<1x16xf32>
        tpu.vector_store %arg8[%parallel_loop3A_519, %parallel_loop3A_520], %parallel_loop3A_523 {strides = array<i32>} : memref<8x2048xf32, #tpu.memory_space<vmem>>, vector<1x16xf32>,
      } {sc.loop_unroll_factor = 8 : i64, sc.parallel_access}
      %parallel_loop3A_394 = arith.constant 0 : i32
      %parallel_loop3A_395 = arith.constant 128 : i32
      %parallel_loop3A_396 = arith.constant 1 : i32
      scf.for %parallel_loop3A_502 = %parallel_loop3A_394 to %parallel_loop3A_395 step %parallel_loop3A_396  : i32 {
        %parallel_loop3A_503 = arith.constant 16 : i32
        %parallel_loop3A_504 = arith.muli %parallel_loop3A_502, %parallel_loop3A_503 : i32
        %parallel_loop3A_505 = arith.constant 4 : i32
        %parallel_loop3A_506 = arith.index_cast %parallel_loop3A_505 : i32 to index
        %parallel_loop3A_507 = arith.index_cast %parallel_loop3A_504 : i32 to index
        %parallel_loop3A_508 = tpu.vector_load %arg6[%parallel_loop3A_506, %parallel_loop3A_507] {strides = array<i32>} : memref<8x2048xf32, #tpu.memory_space<vmem>>, vector<1x16xf32>,
        %parallel_loop3A_509 = vector.shape_cast %parallel_loop3A_508 : vector<1x16xf32> to vector<16xf32>
        %parallel_loop3A_510 = arith.mulf %parallel_loop3A_509, %mul3A_198 : vector<16xf32>
        %parallel_loop3A_511 = arith.constant 0x4B400000 : f32
        %parallel_loop3A_512 = vector.broadcast %parallel_loop3A_511 : f32 to vector<16xf32>
        %parallel_loop3A_513 = arith.addf %parallel_loop3A_510, %parallel_loop3A_512 : vector<16xf32>
        %parallel_loop3A_514 = arith.constant 0x4B400000 : f32
        %parallel_loop3A_515 = vector.broadcast %parallel_loop3A_514 : f32 to vector<16xf32>
        %parallel_loop3A_516 = arith.subf %parallel_loop3A_513, %parallel_loop3A_515 : vector<16xf32>
        %parallel_loop3A_517 = arith.mulf %parallel_loop3A_516, %mul3A_175 : vector<16xf32>
        %parallel_loop3A_518 = arith.constant 4 : i32
        %parallel_loop3A_519 = arith.index_cast %parallel_loop3A_518 : i32 to index
        %parallel_loop3A_520 = arith.index_cast %parallel_loop3A_504 : i32 to index
        %parallel_loop3A_521 = tpu.vector_load %arg8[%parallel_loop3A_519, %parallel_loop3A_520] {strides = array<i32>} : memref<8x2048xf32, #tpu.memory_space<vmem>>, vector<1x16xf32>,
        %parallel_loop3A_522 = vector.shape_cast %parallel_loop3A_521 : vector<1x16xf32> to vector<16xf32>
        %parallel_loop3A_523 = vector.shape_cast %parallel_loop3A_517 : vector<16xf32> to vector<1x16xf32>
        tpu.vector_store %arg8[%parallel_loop3A_519, %parallel_loop3A_520], %parallel_loop3A_523 {strides = array<i32>} : memref<8x2048xf32, #tpu.memory_space<vmem>>, vector<1x16xf32>,
      } {sc.loop_unroll_factor = 8 : i64, sc.parallel_access}
      %parallel_loop3A_397 = arith.constant 0 : i32
      %parallel_loop3A_398 = arith.constant 128 : i32
      %parallel_loop3A_399 = arith.constant 1 : i32
      scf.for %parallel_loop3A_502 = %parallel_loop3A_397 to %parallel_loop3A_398 step %parallel_loop3A_399  : i32 {
        %parallel_loop3A_503 = arith.constant 16 : i32
        %parallel_loop3A_504 = arith.muli %parallel_loop3A_502, %parallel_loop3A_503 : i32
        %parallel_loop3A_505 = arith.constant 5 : i32
        %parallel_loop3A_506 = arith.index_cast %parallel_loop3A_505 : i32 to index
        %parallel_loop3A_507 = arith.index_cast %parallel_loop3A_504 : i32 to index
        %parallel_loop3A_508 = tpu.vector_load %arg6[%parallel_loop3A_506, %parallel_loop3A_507] {strides = array<i32>} : memref<8x2048xf32, #tpu.memory_space<vmem>>, vector<1x16xf32>,
        %parallel_loop3A_509 = vector.shape_cast %parallel_loop3A_508 : vector<1x16xf32> to vector<16xf32>
        %parallel_loop3A_510 = arith.mulf %parallel_loop3A_509, %mul3A_198 : vector<16xf32>
        %parallel_loop3A_511 = arith.constant 0x4B400000 : f32
        %parallel_loop3A_512 = vector.broadcast %parallel_loop3A_511 : f32 to vector<16xf32>
        %parallel_loop3A_513 = arith.addf %parallel_loop3A_510, %parallel_loop3A_512 : vector<16xf32>
        %parallel_loop3A_514 = arith.constant 0x4B400000 : f32
        %parallel_loop3A_515 = vector.broadcast %parallel_loop3A_514 : f32 to vector<16xf32>
        %parallel_loop3A_516 = arith.subf %parallel_loop3A_513, %parallel_loop3A_515 : vector<16xf32>
        %parallel_loop3A_517 = arith.mulf %parallel_loop3A_516, %mul3A_175 : vector<16xf32>
        %parallel_loop3A_518 = arith.constant 5 : i32
        %parallel_loop3A_519 = arith.index_cast %parallel_loop3A_518 : i32 to index
        %parallel_loop3A_520 = arith.index_cast %parallel_loop3A_504 : i32 to index
        %parallel_loop3A_521 = tpu.vector_load %arg8[%parallel_loop3A_519, %parallel_loop3A_520] {strides = array<i32>} : memref<8x2048xf32, #tpu.memory_space<vmem>>, vector<1x16xf32>,
        %parallel_loop3A_522 = vector.shape_cast %parallel_loop3A_521 : vector<1x16xf32> to vector<16xf32>
        %parallel_loop3A_523 = vector.shape_cast %parallel_loop3A_517 : vector<16xf32> to vector<1x16xf32>
        tpu.vector_store %arg8[%parallel_loop3A_519, %parallel_loop3A_520], %parallel_loop3A_523 {strides = array<i32>} : memref<8x2048xf32, #tpu.memory_space<vmem>>, vector<1x16xf32>,
      } {sc.loop_unroll_factor = 8 : i64, sc.parallel_access}
      %parallel_loop3A_400 = arith.constant 0 : i32
      %parallel_loop3A_401 = arith.constant 128 : i32
      %parallel_loop3A_402 = arith.constant 1 : i32
      scf.for %parallel_loop3A_502 = %parallel_loop3A_400 to %parallel_loop3A_401 step %parallel_loop3A_402  : i32 {
        %parallel_loop3A_503 = arith.constant 16 : i32
        %parallel_loop3A_504 = arith.muli %parallel_loop3A_502, %parallel_loop3A_503 : i32
        %parallel_loop3A_505 = arith.constant 6 : i32
        %parallel_loop3A_506 = arith.index_cast %parallel_loop3A_505 : i32 to index
        %parallel_loop3A_507 = arith.index_cast %parallel_loop3A_504 : i32 to index
        %parallel_loop3A_508 = tpu.vector_load %arg6[%parallel_loop3A_506, %parallel_loop3A_507] {strides = array<i32>} : memref<8x2048xf32, #tpu.memory_space<vmem>>, vector<1x16xf32>,
        %parallel_loop3A_509 = vector.shape_cast %parallel_loop3A_508 : vector<1x16xf32> to vector<16xf32>
        %parallel_loop3A_510 = arith.mulf %parallel_loop3A_509, %mul3A_198 : vector<16xf32>
        %parallel_loop3A_511 = arith.constant 0x4B400000 : f32
        %parallel_loop3A_512 = vector.broadcast %parallel_loop3A_511 : f32 to vector<16xf32>
        %parallel_loop3A_513 = arith.addf %parallel_loop3A_510, %parallel_loop3A_512 : vector<16xf32>
        %parallel_loop3A_514 = arith.constant 0x4B400000 : f32
        %parallel_loop3A_515 = vector.broadcast %parallel_loop3A_514 : f32 to vector<16xf32>
        %parallel_loop3A_516 = arith.subf %parallel_loop3A_513, %parallel_loop3A_515 : vector<16xf32>
        %parallel_loop3A_517 = arith.mulf %parallel_loop3A_516, %mul3A_175 : vector<16xf32>
        %parallel_loop3A_518 = arith.constant 6 : i32
        %parallel_loop3A_519 = arith.index_cast %parallel_loop3A_518 : i32 to index
        %parallel_loop3A_520 = arith.index_cast %parallel_loop3A_504 : i32 to index
        %parallel_loop3A_521 = tpu.vector_load %arg8[%parallel_loop3A_519, %parallel_loop3A_520] {strides = array<i32>} : memref<8x2048xf32, #tpu.memory_space<vmem>>, vector<1x16xf32>,
        %parallel_loop3A_522 = vector.shape_cast %parallel_loop3A_521 : vector<1x16xf32> to vector<16xf32>
        %parallel_loop3A_523 = vector.shape_cast %parallel_loop3A_517 : vector<16xf32> to vector<1x16xf32>
        tpu.vector_store %arg8[%parallel_loop3A_519, %parallel_loop3A_520], %parallel_loop3A_523 {strides = array<i32>} : memref<8x2048xf32, #tpu.memory_space<vmem>>, vector<1x16xf32>,
      } {sc.loop_unroll_factor = 8 : i64, sc.parallel_access}
      %parallel_loop3A_403 = arith.constant 0 : i32
      %parallel_loop3A_404 = arith.constant 128 : i32
      %parallel_loop3A_405 = arith.constant 1 : i32
      scf.for %parallel_loop3A_502 = %parallel_loop3A_403 to %parallel_loop3A_404 step %parallel_loop3A_405  : i32 {
        %parallel_loop3A_503 = arith.constant 16 : i32
        %parallel_loop3A_504 = arith.muli %parallel_loop3A_502, %parallel_loop3A_503 : i32
        %parallel_loop3A_505 = arith.constant 7 : i32
        %parallel_loop3A_506 = arith.index_cast %parallel_loop3A_505 : i32 to index
        %parallel_loop3A_507 = arith.index_cast %parallel_loop3A_504 : i32 to index
        %parallel_loop3A_508 = tpu.vector_load %arg6[%parallel_loop3A_506, %parallel_loop3A_507] {strides = array<i32>} : memref<8x2048xf32, #tpu.memory_space<vmem>>, vector<1x16xf32>,
        %parallel_loop3A_509 = vector.shape_cast %parallel_loop3A_508 : vector<1x16xf32> to vector<16xf32>
        %parallel_loop3A_510 = arith.mulf %parallel_loop3A_509, %mul3A_198 : vector<16xf32>
        %parallel_loop3A_511 = arith.constant 0x4B400000 : f32
        %parallel_loop3A_512 = vector.broadcast %parallel_loop3A_511 : f32 to vector<16xf32>
        %parallel_loop3A_513 = arith.addf %parallel_loop3A_510, %parallel_loop3A_512 : vector<16xf32>
        %parallel_loop3A_514 = arith.constant 0x4B400000 : f32
        %parallel_loop3A_515 = vector.broadcast %parallel_loop3A_514 : f32 to vector<16xf32>
        %parallel_loop3A_516 = arith.subf %parallel_loop3A_513, %parallel_loop3A_515 : vector<16xf32>
        %parallel_loop3A_517 = arith.mulf %parallel_loop3A_516, %mul3A_175 : vector<16xf32>
        %parallel_loop3A_518 = arith.constant 7 : i32
        %parallel_loop3A_519 = arith.index_cast %parallel_loop3A_518 : i32 to index
        %parallel_loop3A_520 = arith.index_cast %parallel_loop3A_504 : i32 to index
        %parallel_loop3A_521 = tpu.vector_load %arg8[%parallel_loop3A_519, %parallel_loop3A_520] {strides = array<i32>} : memref<8x2048xf32, #tpu.memory_space<vmem>>, vector<1x16xf32>,
        %parallel_loop3A_522 = vector.shape_cast %parallel_loop3A_521 : vector<1x16xf32> to vector<16xf32>
        %parallel_loop3A_523 = vector.shape_cast %parallel_loop3A_517 : vector<16xf32> to vector<1x16xf32>
        tpu.vector_store %arg8[%parallel_loop3A_519, %parallel_loop3A_520], %parallel_loop3A_523 {strides = array<i32>} : memref<8x2048xf32, #tpu.memory_space<vmem>>, vector<1x16xf32>,
      } {sc.loop_unroll_factor = 8 : i64, sc.parallel_access}
      %jit3A_406 = arith.constant 32 : i32
      %div3A_407 = arith.divsi %add3A_367, %jit3A_406 : i32
      %sign3A_408 = arith.constant 0 : i32
      %sign3A_409 = arith.cmpi sgt, %add3A_367, %sign3A_408 : i32
      %sign3A_410 = arith.extui %sign3A_409 : i1 to i32
      %sign3A_411 = arith.constant 0 : i32
      %sign3A_412 = arith.cmpi slt, %add3A_367, %sign3A_411 : i32
      %sign3A_413 = arith.extui %sign3A_412 : i1 to i32
      %sign3A_414 = arith.subi %sign3A_410, %sign3A_413 : i32
      %sign3A_415 = arith.constant 0 : i32
      %sign3A_416 = arith.cmpi sgt, %jit3A_406, %sign3A_415 : i32
      %sign3A_417 = arith.extui %sign3A_416 : i1 to i32
      %sign3A_418 = arith.constant 0 : i32
      %sign3A_419 = arith.cmpi slt, %jit3A_406, %sign3A_418 : i32
      %sign3A_420 = arith.extui %sign3A_419 : i1 to i32
      %sign3A_421 = arith.subi %sign3A_417, %sign3A_420 : i32
      %ne3A_422 = arith.cmpi ne, %sign3A_414, %sign3A_421 : i32
      %rem3A_423 = arith.remsi %add3A_367, %jit3A_406 : i32
      %ne3A_424 = arith.constant 0 : i32
      %ne3A_425 = arith.cmpi ne, %rem3A_423, %ne3A_424 : i32
      %and3A_426 = arith.andi %ne3A_422, %ne3A_425 : i1
      %sub3A_427 = arith.constant 1 : i32
      %sub3A_428 = arith.subi %div3A_407, %sub3A_427 : i32
      %select_n3A_429 = arith.select %and3A_426, %sub3A_428, %div3A_407 : i32
      %jit3A_430 = arith.constant 32 : i32
      %eq3A_431 = arith.constant 0 : i32
      %eq3A_432 = arith.cmpi eq, %jit3A_430, %eq3A_431 : i32
      %jit3A_433 = arith.constant 1 : i32
      %select_n3A_434 = arith.select %eq3A_432, %jit3A_433, %jit3A_430 : i32
      %rem3A_435 = arith.remsi %add3A_367, %select_n3A_434 : i32
      %ne3A_436 = arith.constant 0 : i32
      %ne3A_437 = arith.cmpi ne, %rem3A_435, %ne3A_436 : i32
      %lt3A_438 = arith.constant 0 : i32
      %lt3A_439 = arith.cmpi slt, %rem3A_435, %lt3A_438 : i32
      %lt3A_440 = arith.constant 0 : i32
      %lt3A_441 = arith.cmpi slt, %select_n3A_434, %lt3A_440 : i32
      %ne3A_442 = arith.xori %lt3A_439, %lt3A_441 : i1
      %and3A_443 = arith.andi %ne3A_442, %ne3A_437 : i1
      %add3A_444 = arith.addi %rem3A_435, %select_n3A_434 : i32
      %select_n3A_445 = arith.select %and3A_443, %add3A_444, %rem3A_435 : i32
      %jit3A_446 = arith.constant 2 : i32
      %div3A_447 = arith.divsi %select_n3A_445, %jit3A_446 : i32
      %sign3A_448 = arith.constant 0 : i32
      %sign3A_449 = arith.cmpi sgt, %select_n3A_445, %sign3A_448 : i32
      %sign3A_450 = arith.extui %sign3A_449 : i1 to i32
      %sign3A_451 = arith.constant 0 : i32
      %sign3A_452 = arith.cmpi slt, %select_n3A_445, %sign3A_451 : i32
      %sign3A_453 = arith.extui %sign3A_452 : i1 to i32
      %sign3A_454 = arith.subi %sign3A_450, %sign3A_453 : i32
      %sign3A_455 = arith.constant 0 : i32
      %sign3A_456 = arith.cmpi sgt, %jit3A_446, %sign3A_455 : i32
      %sign3A_457 = arith.extui %sign3A_456 : i1 to i32
      %sign3A_458 = arith.constant 0 : i32
      %sign3A_459 = arith.cmpi slt, %jit3A_446, %sign3A_458 : i32
      %sign3A_460 = arith.extui %sign3A_459 : i1 to i32
      %sign3A_461 = arith.subi %sign3A_457, %sign3A_460 : i32
      %ne3A_462 = arith.cmpi ne, %sign3A_454, %sign3A_461 : i32
      %rem3A_463 = arith.remsi %select_n3A_445, %jit3A_446 : i32
      %ne3A_464 = arith.constant 0 : i32
      %ne3A_465 = arith.cmpi ne, %rem3A_463, %ne3A_464 : i32
      %and3A_466 = arith.andi %ne3A_462, %ne3A_465 : i1
      %sub3A_467 = arith.constant 1 : i32
      %sub3A_468 = arith.subi %div3A_447, %sub3A_467 : i32
      %select_n3A_469 = arith.select %and3A_466, %sub3A_468, %div3A_447 : i32
      %mul3A_470 = arith.constant 8 : i32
      %mul3A_471 = arith.muli %select_n3A_469, %mul3A_470 : i32
      %add3A_472 = arith.addi %mul3A_2, %mul3A_471 : i32
      %jit3A_473 = arith.constant 2 : i32
      %eq3A_474 = arith.constant 0 : i32
      %eq3A_475 = arith.cmpi eq, %jit3A_473, %eq3A_474 : i32
      %jit3A_476 = arith.constant 1 : i32
      %select_n3A_477 = arith.select %eq3A_475, %jit3A_476, %jit3A_473 : i32
      %rem3A_478 = arith.remsi %select_n3A_445, %select_n3A_477 : i32
      %ne3A_479 = arith.constant 0 : i32
      %ne3A_480 = arith.cmpi ne, %rem3A_478, %ne3A_479 : i32
      %lt3A_481 = arith.constant 0 : i32
      %lt3A_482 = arith.cmpi slt, %rem3A_478, %lt3A_481 : i32
      %lt3A_483 = arith.constant 0 : i32
      %lt3A_484 = arith.cmpi slt, %select_n3A_477, %lt3A_483 : i32
      %ne3A_485 = arith.xori %lt3A_482, %lt3A_484 : i1
      %and3A_486 = arith.andi %ne3A_485, %ne3A_480 : i1
      %add3A_487 = arith.addi %rem3A_478, %select_n3A_477 : i32
      %select_n3A_488 = arith.select %and3A_486, %add3A_487, %rem3A_478 : i32
      %mul3A_489 = arith.constant 2048 : i32
      %mul3A_490 = arith.muli %select_n3A_488, %mul3A_489 : i32
      %dma_start3A_491 = tpu.memref_slice %arg4[%select_n3A_429, %add3A_472, %mul3A_490] : memref<2x4096x4096xf32, #tpu.memory_space<hbm>> -> memref<1x8x2048xf32, #tpu.memory_space<hbm>>
      %dma_start3A_492 = tpu.memref_squeeze %dma_start3A_491 : memref<1x8x2048xf32, #tpu.memory_space<hbm>> -> memref<8x2048xf32, #tpu.memory_space<hbm>>
      %dma_start3A_493 = tpu.memref_slice %arg4[%select_n3A_429, %add3A_472, %mul3A_490] : memref<2x4096x4096xf32, #tpu.memory_space<hbm>> -> memref<1x8x2048xf32, #tpu.memory_space<hbm>>
      %dma_start3A_494 = tpu.memref_squeeze %dma_start3A_493 : memref<1x8x2048xf32, #tpu.memory_space<hbm>> -> memref<8x2048xf32, #tpu.memory_space<hbm>>
      tpu.enqueue_dma source(%arg8 : memref<8x2048xf32, #tpu.memory_space<vmem>>) target(%dma_start3A_494 : memref<8x2048xf32, #tpu.memory_space<hbm>>) target_semaphore(%arg13 : memref<!tpu.dma_semaphore, #tpu.memory_space<semaphore_mem>>)
      %add3A_495 = arith.constant 2 : i32
      %add3A_496 = arith.addi %add3A_367, %add3A_495 : i32
      %lt3A_497 = arith.constant 64 : i32
      %lt3A_498 = arith.cmpi slt, %add3A_496, %lt3A_497 : i32
      %convert_element_type3A_499 = arith.extui %lt3A_498 : i1 to i32
      %cond3A_500 = arith.constant 0 : i32
      %cond3A_501 = arith.cmpi ne, %convert_element_type3A_499, %cond3A_500 : i32
      scf.if %cond3A_501 {
        %jit3A_502 = arith.constant 32 : i32
        %div3A_503 = arith.divsi %add3A_496, %jit3A_502 : i32
        %sign3A_504 = arith.constant 0 : i32
        %sign3A_505 = arith.cmpi sgt, %add3A_496, %sign3A_504 : i32
        %sign3A_506 = arith.extui %sign3A_505 : i1 to i32
        %sign3A_507 = arith.constant 0 : i32
        %sign3A_508 = arith.cmpi slt, %add3A_496, %sign3A_507 : i32
        %sign3A_509 = arith.extui %sign3A_508 : i1 to i32
        %sign3A_510 = arith.subi %sign3A_506, %sign3A_509 : i32
        %sign3A_511 = arith.constant 0 : i32
        %sign3A_512 = arith.cmpi sgt, %jit3A_502, %sign3A_511 : i32
        %sign3A_513 = arith.extui %sign3A_512 : i1 to i32
        %sign3A_514 = arith.constant 0 : i32
        %sign3A_515 = arith.cmpi slt, %jit3A_502, %sign3A_514 : i32
        %sign3A_516 = arith.extui %sign3A_515 : i1 to i32
        %sign3A_517 = arith.subi %sign3A_513, %sign3A_516 : i32
        %ne3A_518 = arith.cmpi ne, %sign3A_510, %sign3A_517 : i32
        %rem3A_519 = arith.remsi %add3A_496, %jit3A_502 : i32
        %ne3A_520 = arith.constant 0 : i32
        %ne3A_521 = arith.cmpi ne, %rem3A_519, %ne3A_520 : i32
        %and3A_522 = arith.andi %ne3A_518, %ne3A_521 : i1
        %sub3A_523 = arith.constant 1 : i32
        %sub3A_524 = arith.subi %div3A_503, %sub3A_523 : i32
        %select_n3A_525 = arith.select %and3A_522, %sub3A_524, %div3A_503 : i32
        %jit3A_526 = arith.constant 32 : i32
        %eq3A_527 = arith.constant 0 : i32
        %eq3A_528 = arith.cmpi eq, %jit3A_526, %eq3A_527 : i32
        %jit3A_529 = arith.constant 1 : i32
        %select_n3A_530 = arith.select %eq3A_528, %jit3A_529, %jit3A_526 : i32
        %rem3A_531 = arith.remsi %add3A_496, %select_n3A_530 : i32
        %ne3A_532 = arith.constant 0 : i32
        %ne3A_533 = arith.cmpi ne, %rem3A_531, %ne3A_532 : i32
        %lt3A_534 = arith.constant 0 : i32
        %lt3A_535 = arith.cmpi slt, %rem3A_531, %lt3A_534 : i32
        %lt3A_536 = arith.constant 0 : i32
        %lt3A_537 = arith.cmpi slt, %select_n3A_530, %lt3A_536 : i32
        %ne3A_538 = arith.xori %lt3A_535, %lt3A_537 : i1
        %and3A_539 = arith.andi %ne3A_538, %ne3A_533 : i1
        %add3A_540 = arith.addi %rem3A_531, %select_n3A_530 : i32
        %select_n3A_541 = arith.select %and3A_539, %add3A_540, %rem3A_531 : i32
        %jit3A_542 = arith.constant 2 : i32
        %div3A_543 = arith.divsi %select_n3A_541, %jit3A_542 : i32
        %sign3A_544 = arith.constant 0 : i32
        %sign3A_545 = arith.cmpi sgt, %select_n3A_541, %sign3A_544 : i32
        %sign3A_546 = arith.extui %sign3A_545 : i1 to i32
        %sign3A_547 = arith.constant 0 : i32
        %sign3A_548 = arith.cmpi slt, %select_n3A_541, %sign3A_547 : i32
        %sign3A_549 = arith.extui %sign3A_548 : i1 to i32
        %sign3A_550 = arith.subi %sign3A_546, %sign3A_549 : i32
        %sign3A_551 = arith.constant 0 : i32
        %sign3A_552 = arith.cmpi sgt, %jit3A_542, %sign3A_551 : i32
        %sign3A_553 = arith.extui %sign3A_552 : i1 to i32
        %sign3A_554 = arith.constant 0 : i32
        %sign3A_555 = arith.cmpi slt, %jit3A_542, %sign3A_554 : i32
        %sign3A_556 = arith.extui %sign3A_555 : i1 to i32
        %sign3A_557 = arith.subi %sign3A_553, %sign3A_556 : i32
        %ne3A_558 = arith.cmpi ne, %sign3A_550, %sign3A_557 : i32
        %rem3A_559 = arith.remsi %select_n3A_541, %jit3A_542 : i32
        %ne3A_560 = arith.constant 0 : i32
        %ne3A_561 = arith.cmpi ne, %rem3A_559, %ne3A_560 : i32
        %and3A_562 = arith.andi %ne3A_558, %ne3A_561 : i1
        %sub3A_563 = arith.constant 1 : i32
        %sub3A_564 = arith.subi %div3A_543, %sub3A_563 : i32
        %select_n3A_565 = arith.select %and3A_562, %sub3A_564, %div3A_543 : i32
        %mul3A_566 = arith.constant 8 : i32
        %mul3A_567 = arith.muli %select_n3A_565, %mul3A_566 : i32
        %add3A_568 = arith.addi %mul3A_2, %mul3A_567 : i32
        %jit3A_569 = arith.constant 2 : i32
        %eq3A_570 = arith.constant 0 : i32
        %eq3A_571 = arith.cmpi eq, %jit3A_569, %eq3A_570 : i32
        %jit3A_572 = arith.constant 1 : i32
        %select_n3A_573 = arith.select %eq3A_571, %jit3A_572, %jit3A_569 : i32
        %rem3A_574 = arith.remsi %select_n3A_541, %select_n3A_573 : i32
        %ne3A_575 = arith.constant 0 : i32
        %ne3A_576 = arith.cmpi ne, %rem3A_574, %ne3A_575 : i32
        %lt3A_577 = arith.constant 0 : i32
        %lt3A_578 = arith.cmpi slt, %rem3A_574, %lt3A_577 : i32
        %lt3A_579 = arith.constant 0 : i32
        %lt3A_580 = arith.cmpi slt, %select_n3A_573, %lt3A_579 : i32
        %ne3A_581 = arith.xori %lt3A_578, %lt3A_580 : i1
        %and3A_582 = arith.andi %ne3A_581, %ne3A_576 : i1
        %add3A_583 = arith.addi %rem3A_574, %select_n3A_573 : i32
        %select_n3A_584 = arith.select %and3A_582, %add3A_583, %rem3A_574 : i32
        %mul3A_585 = arith.constant 2048 : i32
        %mul3A_586 = arith.muli %select_n3A_584, %mul3A_585 : i32
        %dma_start3A_587 = tpu.memref_slice %arg2[%select_n3A_525, %add3A_568, %mul3A_586] : memref<2x4096x4096xf32, #tpu.memory_space<hbm>> -> memref<1x8x2048xf32, #tpu.memory_space<hbm>>
        %dma_start3A_588 = tpu.memref_squeeze %dma_start3A_587 : memref<1x8x2048xf32, #tpu.memory_space<hbm>> -> memref<8x2048xf32, #tpu.memory_space<hbm>>
        %dma_start3A_589 = tpu.memref_slice %arg2[%select_n3A_525, %add3A_568, %mul3A_586] : memref<2x4096x4096xf32, #tpu.memory_space<hbm>> -> memref<1x8x2048xf32, #tpu.memory_space<hbm>>
        %dma_start3A_590 = tpu.memref_squeeze %dma_start3A_589 : memref<1x8x2048xf32, #tpu.memory_space<hbm>> -> memref<8x2048xf32, #tpu.memory_space<hbm>>
        tpu.enqueue_dma source(%dma_start3A_590 : memref<8x2048xf32, #tpu.memory_space<hbm>>) target(%arg6 : memref<8x2048xf32, #tpu.memory_space<vmem>>) target_semaphore(%arg11 : memref<!tpu.dma_semaphore, #tpu.memory_space<semaphore_mem>>)
      } else {
      }
    }
    %scan3A_220 = arith.constant 32 : i32
    %add3A_221 = arith.constant 0 : i32
    %add3A_222 = arith.addi %mul3A_2, %add3A_221 : i32
    %dma_wait3A = arith.constant 0 : i32
    %dma_wait3A_223 = arith.constant 0 : i32
    %dma_wait3A_224 = tpu.memref_slice %arg4[%dma_wait3A, %add3A_222, %dma_wait3A_223] : memref<2x4096x4096xf32, #tpu.memory_space<hbm>> -> memref<1x8x2048xf32, #tpu.memory_space<hbm>>
    %dma_wait3A_225 = tpu.memref_squeeze %dma_wait3A_224 : memref<1x8x2048xf32, #tpu.memory_space<hbm>> -> memref<8x2048xf32, #tpu.memory_space<hbm>>
    %dma_wait3A_226 = arith.constant 0 : i32
    %dma_wait3A_227 = tpu.memref_slice %arg4[%dma_wait3A, %add3A_222, %dma_wait3A_226] : memref<2x4096x4096xf32, #tpu.memory_space<hbm>> -> memref<1x8x2048xf32, #tpu.memory_space<hbm>>
    %dma_wait3A_228 = tpu.memref_squeeze %dma_wait3A_227 : memref<1x8x2048xf32, #tpu.memory_space<hbm>> -> memref<8x2048xf32, #tpu.memory_space<hbm>>
    tpu.wait_dma2 semaphore(%arg12 : memref<!tpu.dma_semaphore, #tpu.memory_space<semaphore_mem>>) src(%arg7 : memref<8x2048xf32, #tpu.memory_space<vmem>>) dst(%dma_wait3A_228 : memref<8x2048xf32, #tpu.memory_space<hbm>>)
    %add3A_229 = arith.constant 0 : i32
    %add3A_230 = arith.addi %mul3A_2, %add3A_229 : i32
    %dma_wait3A_231 = arith.constant 0 : i32
    %dma_wait3A_232 = arith.constant 0 : i32
    %dma_wait3A_233 = tpu.memref_slice %arg4[%dma_wait3A_231, %add3A_230, %dma_wait3A_232] : memref<2x4096x4096xf32, #tpu.memory_space<hbm>> -> memref<1x8x2048xf32, #tpu.memory_space<hbm>>
    %dma_wait3A_234 = tpu.memref_squeeze %dma_wait3A_233 : memref<1x8x2048xf32, #tpu.memory_space<hbm>> -> memref<8x2048xf32, #tpu.memory_space<hbm>>
    %dma_wait3A_235 = arith.constant 0 : i32
    %dma_wait3A_236 = tpu.memref_slice %arg4[%dma_wait3A_231, %add3A_230, %dma_wait3A_235] : memref<2x4096x4096xf32, #tpu.memory_space<hbm>> -> memref<1x8x2048xf32, #tpu.memory_space<hbm>>
    %dma_wait3A_237 = tpu.memref_squeeze %dma_wait3A_236 : memref<1x8x2048xf32, #tpu.memory_space<hbm>> -> memref<8x2048xf32, #tpu.memory_space<hbm>>
    tpu.wait_dma2 semaphore(%arg13 : memref<!tpu.dma_semaphore, #tpu.memory_space<semaphore_mem>>) src(%arg8 : memref<8x2048xf32, #tpu.memory_space<vmem>>) dst(%dma_wait3A_237 : memref<8x2048xf32, #tpu.memory_space<hbm>>)
    return
  }
}

#map = affine_map<(d0, d1) -> (0, 0, 0)>
#map1 = affine_map<(d0, d1) -> (0)>
module attributes {stable_mosaic.version = 14 : i64} {
  func.func @_absmax_kernel(%arg0: i32, %arg1: i32, %arg2: memref<2x4096x4096xf32, #tpu.memory_space<hbm>>, %arg3: memref<512xf32, #tpu.memory_space<hbm>>, %arg4: memref<8x4096xf32, #tpu.memory_space<vmem>>, %arg5: memref<8x4096xf32, #tpu.memory_space<vmem>>, %arg6: memref<16xf32, #tpu.memory_space<vmem>>, %arg7: memref<!tpu.dma_semaphore, #tpu.memory_space<semaphore_mem>>, %arg8: memref<!tpu.dma_semaphore, #tpu.memory_space<semaphore_mem>>) attributes {dimension_semantics = [#tpu.dimension_semantics<core_parallel>, #tpu.dimension_semantics<subcore_parallel>], iteration_bounds = array<i64: 2, 16>, scalar_prefetch = 0 : i64, scratch_operands = 5 : i64, tpu.core_type = #tpu.core_type<sc_vector_subcore>, window_params = [{transform_indices = #map}, {transform_indices = #map1}]} {
    %mul3A = arith.constant 2 : i32
    %mul3A_0 = arith.muli %arg1, %mul3A : i32
    %add3A = arith.addi %mul3A_0, %arg0 : i32
    %mul3A_1 = arith.constant 128 : i32
    %mul3A_2 = arith.muli %add3A, %mul3A_1 : i32
    %add3A_3 = arith.constant 0 : i32
    %add3A_4 = arith.addi %mul3A_2, %add3A_3 : i32
    %dma_start3A = arith.constant 0 : i32
    %dma_start3A_5 = arith.constant 0 : i32
    %dma_start3A_6 = tpu.memref_slice %arg2[%dma_start3A, %add3A_4, %dma_start3A_5] : memref<2x4096x4096xf32, #tpu.memory_space<hbm>> -> memref<1x8x4096xf32, #tpu.memory_space<hbm>>
    %dma_start3A_7 = tpu.memref_squeeze %dma_start3A_6 : memref<1x8x4096xf32, #tpu.memory_space<hbm>> -> memref<8x4096xf32, #tpu.memory_space<hbm>>
    %dma_start3A_8 = arith.constant 0 : i32
    %dma_start3A_9 = tpu.memref_slice %arg2[%dma_start3A, %add3A_4, %dma_start3A_8] : memref<2x4096x4096xf32, #tpu.memory_space<hbm>> -> memref<1x8x4096xf32, #tpu.memory_space<hbm>>
    %dma_start3A_10 = tpu.memref_squeeze %dma_start3A_9 : memref<1x8x4096xf32, #tpu.memory_space<hbm>> -> memref<8x4096xf32, #tpu.memory_space<hbm>>
    tpu.enqueue_dma source(%dma_start3A_10 : memref<8x4096xf32, #tpu.memory_space<hbm>>) target(%arg4 : memref<8x4096xf32, #tpu.memory_space<vmem>>) target_semaphore(%arg7 : memref<!tpu.dma_semaphore, #tpu.memory_space<semaphore_mem>>)
    %add3A_11 = arith.constant 8 : i32
    %add3A_12 = arith.addi %mul3A_2, %add3A_11 : i32
    %dma_start3A_13 = arith.constant 0 : i32
    %dma_start3A_14 = arith.constant 0 : i32
    %dma_start3A_15 = tpu.memref_slice %arg2[%dma_start3A_13, %add3A_12, %dma_start3A_14] : memref<2x4096x4096xf32, #tpu.memory_space<hbm>> -> memref<1x8x4096xf32, #tpu.memory_space<hbm>>
    %dma_start3A_16 = tpu.memref_squeeze %dma_start3A_15 : memref<1x8x4096xf32, #tpu.memory_space<hbm>> -> memref<8x4096xf32, #tpu.memory_space<hbm>>
    %dma_start3A_17 = arith.constant 0 : i32
    %dma_start3A_18 = tpu.memref_slice %arg2[%dma_start3A_13, %add3A_12, %dma_start3A_17] : memref<2x4096x4096xf32, #tpu.memory_space<hbm>> -> memref<1x8x4096xf32, #tpu.memory_space<hbm>>
    %dma_start3A_19 = tpu.memref_squeeze %dma_start3A_18 : memref<1x8x4096xf32, #tpu.memory_space<hbm>> -> memref<8x4096xf32, #tpu.memory_space<hbm>>
    tpu.enqueue_dma source(%dma_start3A_19 : memref<8x4096xf32, #tpu.memory_space<hbm>>) target(%arg5 : memref<8x4096xf32, #tpu.memory_space<vmem>>) target_semaphore(%arg8 : memref<!tpu.dma_semaphore, #tpu.memory_space<semaphore_mem>>)
    %broadcast_in_dim3A = arith.constant 0.000000e+00 : f32
    %broadcast_in_dim3A_20 = vector.broadcast %broadcast_in_dim3A : f32 to vector<16xf32>
    %scan3A = arith.constant 0 : i32
    %scan3A_21 = arith.constant 16 : i32
    %scan3A_22 = arith.addi %scan3A, %scan3A_21 : i32
    %scan3A_23 = arith.constant 1 : i32
    %scan3A_24 = scf.for %scan3A_31 = %scan3A to %scan3A_22 step %scan3A_23 iter_args(%scan3A_32 = %broadcast_in_dim3A_20) -> (vector<16xf32>)  : i32 {
      %mul3A_33 = arith.constant 2 : i32
      %mul3A_34 = arith.muli %scan3A_31, %mul3A_33 : i32
      %add3A_35 = arith.constant 0 : i32
      %add3A_36 = arith.addi %add3A_35, %mul3A_34 : i32
      %add3A_37 = arith.constant 0 : i32
      %add3A_38 = arith.addi %add3A_36, %add3A_37 : i32
      %add3A_39 = arith.constant 0 : i32
      %add3A_40 = arith.addi %mul3A_2, %add3A_39 : i32
      %dma_wait3A = arith.constant 0 : i32
      %dma_wait3A_41 = arith.constant 0 : i32
      %dma_wait3A_42 = tpu.memref_slice %arg2[%dma_wait3A, %add3A_40, %dma_wait3A_41] : memref<2x4096x4096xf32, #tpu.memory_space<hbm>> -> memref<1x8x4096xf32, #tpu.memory_space<hbm>>
      %dma_wait3A_43 = tpu.memref_squeeze %dma_wait3A_42 : memref<1x8x4096xf32, #tpu.memory_space<hbm>> -> memref<8x4096xf32, #tpu.memory_space<hbm>>
      %dma_wait3A_44 = arith.constant 0 : i32
      %dma_wait3A_45 = tpu.memref_slice %arg2[%dma_wait3A, %add3A_40, %dma_wait3A_44] : memref<2x4096x4096xf32, #tpu.memory_space<hbm>> -> memref<1x8x4096xf32, #tpu.memory_space<hbm>>
      %dma_wait3A_46 = tpu.memref_squeeze %dma_wait3A_45 : memref<1x8x4096xf32, #tpu.memory_space<hbm>> -> memref<8x4096xf32, #tpu.memory_space<hbm>>
      tpu.wait_dma2 semaphore(%arg7 : memref<!tpu.dma_semaphore, #tpu.memory_space<semaphore_mem>>) src(%dma_wait3A_46 : memref<8x4096xf32, #tpu.memory_space<hbm>>) dst(%arg4 : memref<8x4096xf32, #tpu.memory_space<vmem>>)
      %scan3A_47 = arith.constant 0 : i32
      %scan3A_48 = arith.constant 8 : i32
      %scan3A_49 = arith.addi %scan3A_47, %scan3A_48 : i32
      %scan3A_50 = arith.constant 1 : i32
      %scan3A_51 = scf.for %scan3A_81 = %scan3A_47 to %scan3A_49 step %scan3A_50 iter_args(%scan3A_82 = %scan3A_32) -> (vector<16xf32>)  : i32 {
        %scan3A_83 = arith.constant 0 : i32
        %scan3A_84 = arith.constant 32 : i32
        %scan3A_85 = arith.addi %scan3A_83, %scan3A_84 : i32
        %scan3A_86 = arith.constant 1 : i32
        %scan3A_87 = scf.for %scan3A_89 = %scan3A_83 to %scan3A_85 step %scan3A_86 iter_args(%scan3A_90 = %scan3A_82) -> (vector<16xf32>)  : i32 {
          %mul3A_91 = arith.constant 8 : i32
          %mul3A_92 = arith.muli %scan3A_89, %mul3A_91 : i32
          %add3A_93 = arith.constant 0 : i32
          %add3A_94 = arith.addi %mul3A_92, %add3A_93 : i32
          %mul3A_95 = arith.constant 16 : i32
          %mul3A_96 = arith.muli %add3A_94, %mul3A_95 : i32
          %get3A = arith.index_cast %scan3A_81 : i32 to index
          %get3A_97 = arith.index_cast %mul3A_96 : i32 to index
          %get3A_98 = tpu.vector_load %arg4[%get3A, %get3A_97] {strides = array<i32>} : memref<8x4096xf32, #tpu.memory_space<vmem>>, vector<1x16xf32>,
          %get3A_99 = vector.shape_cast %get3A_98 : vector<1x16xf32> to vector<16xf32>
          %abs3A = math.absf %get3A_99 : vector<16xf32>
          %max3A = arith.maximumf %scan3A_90, %abs3A : vector<16xf32>
          %mul3A_100 = arith.constant 8 : i32
          %mul3A_101 = arith.muli %scan3A_89, %mul3A_100 : i32
          %add3A_102 = arith.constant 1 : i32
          %add3A_103 = arith.addi %mul3A_101, %add3A_102 : i32
          %mul3A_104 = arith.constant 16 : i32
          %mul3A_105 = arith.muli %add3A_103, %mul3A_104 : i32
          %get3A_106 = arith.index_cast %scan3A_81 : i32 to index
          %get3A_107 = arith.index_cast %mul3A_105 : i32 to index
          %get3A_108 = tpu.vector_load %arg4[%get3A_106, %get3A_107] {strides = array<i32>} : memref<8x4096xf32, #tpu.memory_space<vmem>>, vector<1x16xf32>,
          %get3A_109 = vector.shape_cast %get3A_108 : vector<1x16xf32> to vector<16xf32>
          %abs3A_110 = math.absf %get3A_109 : vector<16xf32>
          %max3A_111 = arith.maximumf %max3A, %abs3A_110 : vector<16xf32>
          %mul3A_112 = arith.constant 8 : i32
          %mul3A_113 = arith.muli %scan3A_89, %mul3A_112 : i32
          %add3A_114 = arith.constant 2 : i32
          %add3A_115 = arith.addi %mul3A_113, %add3A_114 : i32
          %mul3A_116 = arith.constant 16 : i32
          %mul3A_117 = arith.muli %add3A_115, %mul3A_116 : i32
          %get3A_118 = arith.index_cast %scan3A_81 : i32 to index
          %get3A_119 = arith.index_cast %mul3A_117 : i32 to index
          %get3A_120 = tpu.vector_load %arg4[%get3A_118, %get3A_119] {strides = array<i32>} : memref<8x4096xf32, #tpu.memory_space<vmem>>, vector<1x16xf32>,
          %get3A_121 = vector.shape_cast %get3A_120 : vector<1x16xf32> to vector<16xf32>
          %abs3A_122 = math.absf %get3A_121 : vector<16xf32>
          %max3A_123 = arith.maximumf %max3A_111, %abs3A_122 : vector<16xf32>
          %mul3A_124 = arith.constant 8 : i32
          %mul3A_125 = arith.muli %scan3A_89, %mul3A_124 : i32
          %add3A_126 = arith.constant 3 : i32
          %add3A_127 = arith.addi %mul3A_125, %add3A_126 : i32
          %mul3A_128 = arith.constant 16 : i32
          %mul3A_129 = arith.muli %add3A_127, %mul3A_128 : i32
          %get3A_130 = arith.index_cast %scan3A_81 : i32 to index
          %get3A_131 = arith.index_cast %mul3A_129 : i32 to index
          %get3A_132 = tpu.vector_load %arg4[%get3A_130, %get3A_131] {strides = array<i32>} : memref<8x4096xf32, #tpu.memory_space<vmem>>, vector<1x16xf32>,
          %get3A_133 = vector.shape_cast %get3A_132 : vector<1x16xf32> to vector<16xf32>
          %abs3A_134 = math.absf %get3A_133 : vector<16xf32>
          %max3A_135 = arith.maximumf %max3A_123, %abs3A_134 : vector<16xf32>
          %mul3A_136 = arith.constant 8 : i32
          %mul3A_137 = arith.muli %scan3A_89, %mul3A_136 : i32
          %add3A_138 = arith.constant 4 : i32
          %add3A_139 = arith.addi %mul3A_137, %add3A_138 : i32
          %mul3A_140 = arith.constant 16 : i32
          %mul3A_141 = arith.muli %add3A_139, %mul3A_140 : i32
          %get3A_142 = arith.index_cast %scan3A_81 : i32 to index
          %get3A_143 = arith.index_cast %mul3A_141 : i32 to index
          %get3A_144 = tpu.vector_load %arg4[%get3A_142, %get3A_143] {strides = array<i32>} : memref<8x4096xf32, #tpu.memory_space<vmem>>, vector<1x16xf32>,
          %get3A_145 = vector.shape_cast %get3A_144 : vector<1x16xf32> to vector<16xf32>
          %abs3A_146 = math.absf %get3A_145 : vector<16xf32>
          %max3A_147 = arith.maximumf %max3A_135, %abs3A_146 : vector<16xf32>
          %mul3A_148 = arith.constant 8 : i32
          %mul3A_149 = arith.muli %scan3A_89, %mul3A_148 : i32
          %add3A_150 = arith.constant 5 : i32
          %add3A_151 = arith.addi %mul3A_149, %add3A_150 : i32
          %mul3A_152 = arith.constant 16 : i32
          %mul3A_153 = arith.muli %add3A_151, %mul3A_152 : i32
          %get3A_154 = arith.index_cast %scan3A_81 : i32 to index
          %get3A_155 = arith.index_cast %mul3A_153 : i32 to index
          %get3A_156 = tpu.vector_load %arg4[%get3A_154, %get3A_155] {strides = array<i32>} : memref<8x4096xf32, #tpu.memory_space<vmem>>, vector<1x16xf32>,
          %get3A_157 = vector.shape_cast %get3A_156 : vector<1x16xf32> to vector<16xf32>
          %abs3A_158 = math.absf %get3A_157 : vector<16xf32>
          %max3A_159 = arith.maximumf %max3A_147, %abs3A_158 : vector<16xf32>
          %mul3A_160 = arith.constant 8 : i32
          %mul3A_161 = arith.muli %scan3A_89, %mul3A_160 : i32
          %add3A_162 = arith.constant 6 : i32
          %add3A_163 = arith.addi %mul3A_161, %add3A_162 : i32
          %mul3A_164 = arith.constant 16 : i32
          %mul3A_165 = arith.muli %add3A_163, %mul3A_164 : i32
          %get3A_166 = arith.index_cast %scan3A_81 : i32 to index
          %get3A_167 = arith.index_cast %mul3A_165 : i32 to index
          %get3A_168 = tpu.vector_load %arg4[%get3A_166, %get3A_167] {strides = array<i32>} : memref<8x4096xf32, #tpu.memory_space<vmem>>, vector<1x16xf32>,
          %get3A_169 = vector.shape_cast %get3A_168 : vector<1x16xf32> to vector<16xf32>
          %abs3A_170 = math.absf %get3A_169 : vector<16xf32>
          %max3A_171 = arith.maximumf %max3A_159, %abs3A_170 : vector<16xf32>
          %mul3A_172 = arith.constant 8 : i32
          %mul3A_173 = arith.muli %scan3A_89, %mul3A_172 : i32
          %add3A_174 = arith.constant 7 : i32
          %add3A_175 = arith.addi %mul3A_173, %add3A_174 : i32
          %mul3A_176 = arith.constant 16 : i32
          %mul3A_177 = arith.muli %add3A_175, %mul3A_176 : i32
          %get3A_178 = arith.index_cast %scan3A_81 : i32 to index
          %get3A_179 = arith.index_cast %mul3A_177 : i32 to index
          %get3A_180 = tpu.vector_load %arg4[%get3A_178, %get3A_179] {strides = array<i32>} : memref<8x4096xf32, #tpu.memory_space<vmem>>, vector<1x16xf32>,
          %get3A_181 = vector.shape_cast %get3A_180 : vector<1x16xf32> to vector<16xf32>
          %abs3A_182 = math.absf %get3A_181 : vector<16xf32>
          %max3A_183 = arith.maximumf %max3A_171, %abs3A_182 : vector<16xf32>
          scf.yield %max3A_183 : vector<16xf32>
        }
        %scan3A_88 = arith.constant 32 : i32
        scf.yield %scan3A_87 : vector<16xf32>
      }
      %scan3A_52 = arith.constant 8 : i32
      %add3A_53 = arith.constant 2 : i32
      %add3A_54 = arith.addi %add3A_38, %add3A_53 : i32
      %lt3A = arith.constant 32 : i32
      %lt3A_55 = arith.cmpi slt, %add3A_54, %lt3A : i32
      %convert_element_type3A = arith.extui %lt3A_55 : i1 to i32
      %cond3A = arith.constant 0 : i32
      %cond3A_56 = arith.cmpi ne, %convert_element_type3A, %cond3A : i32
      scf.if %cond3A_56 {
        %jit3A = arith.constant 16 : i32
        %div3A = arith.divsi %add3A_54, %jit3A : i32
        %sign3A = arith.constant 0 : i32
        %sign3A_81 = arith.cmpi sgt, %add3A_54, %sign3A : i32
        %sign3A_82 = arith.extui %sign3A_81 : i1 to i32
        %sign3A_83 = arith.constant 0 : i32
        %sign3A_84 = arith.cmpi slt, %add3A_54, %sign3A_83 : i32
        %sign3A_85 = arith.extui %sign3A_84 : i1 to i32
        %sign3A_86 = arith.subi %sign3A_82, %sign3A_85 : i32
        %sign3A_87 = arith.constant 0 : i32
        %sign3A_88 = arith.cmpi sgt, %jit3A, %sign3A_87 : i32
        %sign3A_89 = arith.extui %sign3A_88 : i1 to i32
        %sign3A_90 = arith.constant 0 : i32
        %sign3A_91 = arith.cmpi slt, %jit3A, %sign3A_90 : i32
        %sign3A_92 = arith.extui %sign3A_91 : i1 to i32
        %sign3A_93 = arith.subi %sign3A_89, %sign3A_92 : i32
        %ne3A = arith.cmpi ne, %sign3A_86, %sign3A_93 : i32
        %rem3A = arith.remsi %add3A_54, %jit3A : i32
        %ne3A_94 = arith.constant 0 : i32
        %ne3A_95 = arith.cmpi ne, %rem3A, %ne3A_94 : i32
        %and3A = arith.andi %ne3A, %ne3A_95 : i1
        %sub3A = arith.constant 1 : i32
        %sub3A_96 = arith.subi %div3A, %sub3A : i32
        %select_n3A = arith.select %and3A, %sub3A_96, %div3A : i32
        %jit3A_97 = arith.constant 16 : i32
        %eq3A = arith.constant 0 : i32
        %eq3A_98 = arith.cmpi eq, %jit3A_97, %eq3A : i32
        %jit3A_99 = arith.constant 1 : i32
        %select_n3A_100 = arith.select %eq3A_98, %jit3A_99, %jit3A_97 : i32
        %rem3A_101 = arith.remsi %add3A_54, %select_n3A_100 : i32
        %ne3A_102 = arith.constant 0 : i32
        %ne3A_103 = arith.cmpi ne, %rem3A_101, %ne3A_102 : i32
        %lt3A_104 = arith.constant 0 : i32
        %lt3A_105 = arith.cmpi slt, %rem3A_101, %lt3A_104 : i32
        %lt3A_106 = arith.constant 0 : i32
        %lt3A_107 = arith.cmpi slt, %select_n3A_100, %lt3A_106 : i32
        %ne3A_108 = arith.xori %lt3A_105, %lt3A_107 : i1
        %and3A_109 = arith.andi %ne3A_108, %ne3A_103 : i1
        %add3A_110 = arith.addi %rem3A_101, %select_n3A_100 : i32
        %select_n3A_111 = arith.select %and3A_109, %add3A_110, %rem3A_101 : i32
        %mul3A_112 = arith.constant 8 : i32
        %mul3A_113 = arith.muli %select_n3A_111, %mul3A_112 : i32
        %add3A_114 = arith.addi %mul3A_2, %mul3A_113 : i32
        %dma_start3A_115 = arith.constant 0 : i32
        %dma_start3A_116 = tpu.memref_slice %arg2[%select_n3A, %add3A_114, %dma_start3A_115] : memref<2x4096x4096xf32, #tpu.memory_space<hbm>> -> memref<1x8x4096xf32, #tpu.memory_space<hbm>>
        %dma_start3A_117 = tpu.memref_squeeze %dma_start3A_116 : memref<1x8x4096xf32, #tpu.memory_space<hbm>> -> memref<8x4096xf32, #tpu.memory_space<hbm>>
        %dma_start3A_118 = arith.constant 0 : i32
        %dma_start3A_119 = tpu.memref_slice %arg2[%select_n3A, %add3A_114, %dma_start3A_118] : memref<2x4096x4096xf32, #tpu.memory_space<hbm>> -> memref<1x8x4096xf32, #tpu.memory_space<hbm>>
        %dma_start3A_120 = tpu.memref_squeeze %dma_start3A_119 : memref<1x8x4096xf32, #tpu.memory_space<hbm>> -> memref<8x4096xf32, #tpu.memory_space<hbm>>
        tpu.enqueue_dma source(%dma_start3A_120 : memref<8x4096xf32, #tpu.memory_space<hbm>>) target(%arg4 : memref<8x4096xf32, #tpu.memory_space<vmem>>) target_semaphore(%arg7 : memref<!tpu.dma_semaphore, #tpu.memory_space<semaphore_mem>>)
      } else {
      }
      %add3A_57 = arith.constant 1 : i32
      %add3A_58 = arith.addi %add3A_36, %add3A_57 : i32
      %add3A_59 = arith.constant 0 : i32
      %add3A_60 = arith.addi %mul3A_2, %add3A_59 : i32
      %dma_wait3A_61 = arith.constant 0 : i32
      %dma_wait3A_62 = arith.constant 0 : i32
      %dma_wait3A_63 = tpu.memref_slice %arg2[%dma_wait3A_61, %add3A_60, %dma_wait3A_62] : memref<2x4096x4096xf32, #tpu.memory_space<hbm>> -> memref<1x8x4096xf32, #tpu.memory_space<hbm>>
      %dma_wait3A_64 = tpu.memref_squeeze %dma_wait3A_63 : memref<1x8x4096xf32, #tpu.memory_space<hbm>> -> memref<8x4096xf32, #tpu.memory_space<hbm>>
      %dma_wait3A_65 = arith.constant 0 : i32
      %dma_wait3A_66 = tpu.memref_slice %arg2[%dma_wait3A_61, %add3A_60, %dma_wait3A_65] : memref<2x4096x4096xf32, #tpu.memory_space<hbm>> -> memref<1x8x4096xf32, #tpu.memory_space<hbm>>
      %dma_wait3A_67 = tpu.memref_squeeze %dma_wait3A_66 : memref<1x8x4096xf32, #tpu.memory_space<hbm>> -> memref<8x4096xf32, #tpu.memory_space<hbm>>
      tpu.wait_dma2 semaphore(%arg8 : memref<!tpu.dma_semaphore, #tpu.memory_space<semaphore_mem>>) src(%dma_wait3A_67 : memref<8x4096xf32, #tpu.memory_space<hbm>>) dst(%arg5 : memref<8x4096xf32, #tpu.memory_space<vmem>>)
      %scan3A_68 = arith.constant 0 : i32
      %scan3A_69 = arith.constant 8 : i32
      %scan3A_70 = arith.addi %scan3A_68, %scan3A_69 : i32
      %scan3A_71 = arith.constant 1 : i32
      %scan3A_72 = scf.for %scan3A_81 = %scan3A_68 to %scan3A_70 step %scan3A_71 iter_args(%scan3A_82 = %scan3A_51) -> (vector<16xf32>)  : i32 {
        %scan3A_83 = arith.constant 0 : i32
        %scan3A_84 = arith.constant 32 : i32
        %scan3A_85 = arith.addi %scan3A_83, %scan3A_84 : i32
        %scan3A_86 = arith.constant 1 : i32
        %scan3A_87 = scf.for %scan3A_89 = %scan3A_83 to %scan3A_85 step %scan3A_86 iter_args(%scan3A_90 = %scan3A_82) -> (vector<16xf32>)  : i32 {
          %mul3A_91 = arith.constant 8 : i32
          %mul3A_92 = arith.muli %scan3A_89, %mul3A_91 : i32
          %add3A_93 = arith.constant 0 : i32
          %add3A_94 = arith.addi %mul3A_92, %add3A_93 : i32
          %mul3A_95 = arith.constant 16 : i32
          %mul3A_96 = arith.muli %add3A_94, %mul3A_95 : i32
          %get3A = arith.index_cast %scan3A_81 : i32 to index
          %get3A_97 = arith.index_cast %mul3A_96 : i32 to index
          %get3A_98 = tpu.vector_load %arg5[%get3A, %get3A_97] {strides = array<i32>} : memref<8x4096xf32, #tpu.memory_space<vmem>>, vector<1x16xf32>,
          %get3A_99 = vector.shape_cast %get3A_98 : vector<1x16xf32> to vector<16xf32>
          %abs3A = math.absf %get3A_99 : vector<16xf32>
          %max3A = arith.maximumf %scan3A_90, %abs3A : vector<16xf32>
          %mul3A_100 = arith.constant 8 : i32
          %mul3A_101 = arith.muli %scan3A_89, %mul3A_100 : i32
          %add3A_102 = arith.constant 1 : i32
          %add3A_103 = arith.addi %mul3A_101, %add3A_102 : i32
          %mul3A_104 = arith.constant 16 : i32
          %mul3A_105 = arith.muli %add3A_103, %mul3A_104 : i32
          %get3A_106 = arith.index_cast %scan3A_81 : i32 to index
          %get3A_107 = arith.index_cast %mul3A_105 : i32 to index
          %get3A_108 = tpu.vector_load %arg5[%get3A_106, %get3A_107] {strides = array<i32>} : memref<8x4096xf32, #tpu.memory_space<vmem>>, vector<1x16xf32>,
          %get3A_109 = vector.shape_cast %get3A_108 : vector<1x16xf32> to vector<16xf32>
          %abs3A_110 = math.absf %get3A_109 : vector<16xf32>
          %max3A_111 = arith.maximumf %max3A, %abs3A_110 : vector<16xf32>
          %mul3A_112 = arith.constant 8 : i32
          %mul3A_113 = arith.muli %scan3A_89, %mul3A_112 : i32
          %add3A_114 = arith.constant 2 : i32
          %add3A_115 = arith.addi %mul3A_113, %add3A_114 : i32
          %mul3A_116 = arith.constant 16 : i32
          %mul3A_117 = arith.muli %add3A_115, %mul3A_116 : i32
          %get3A_118 = arith.index_cast %scan3A_81 : i32 to index
          %get3A_119 = arith.index_cast %mul3A_117 : i32 to index
          %get3A_120 = tpu.vector_load %arg5[%get3A_118, %get3A_119] {strides = array<i32>} : memref<8x4096xf32, #tpu.memory_space<vmem>>, vector<1x16xf32>,
          %get3A_121 = vector.shape_cast %get3A_120 : vector<1x16xf32> to vector<16xf32>
          %abs3A_122 = math.absf %get3A_121 : vector<16xf32>
          %max3A_123 = arith.maximumf %max3A_111, %abs3A_122 : vector<16xf32>
          %mul3A_124 = arith.constant 8 : i32
          %mul3A_125 = arith.muli %scan3A_89, %mul3A_124 : i32
          %add3A_126 = arith.constant 3 : i32
          %add3A_127 = arith.addi %mul3A_125, %add3A_126 : i32
          %mul3A_128 = arith.constant 16 : i32
          %mul3A_129 = arith.muli %add3A_127, %mul3A_128 : i32
          %get3A_130 = arith.index_cast %scan3A_81 : i32 to index
          %get3A_131 = arith.index_cast %mul3A_129 : i32 to index
          %get3A_132 = tpu.vector_load %arg5[%get3A_130, %get3A_131] {strides = array<i32>} : memref<8x4096xf32, #tpu.memory_space<vmem>>, vector<1x16xf32>,
          %get3A_133 = vector.shape_cast %get3A_132 : vector<1x16xf32> to vector<16xf32>
          %abs3A_134 = math.absf %get3A_133 : vector<16xf32>
          %max3A_135 = arith.maximumf %max3A_123, %abs3A_134 : vector<16xf32>
          %mul3A_136 = arith.constant 8 : i32
          %mul3A_137 = arith.muli %scan3A_89, %mul3A_136 : i32
          %add3A_138 = arith.constant 4 : i32
          %add3A_139 = arith.addi %mul3A_137, %add3A_138 : i32
          %mul3A_140 = arith.constant 16 : i32
          %mul3A_141 = arith.muli %add3A_139, %mul3A_140 : i32
          %get3A_142 = arith.index_cast %scan3A_81 : i32 to index
          %get3A_143 = arith.index_cast %mul3A_141 : i32 to index
          %get3A_144 = tpu.vector_load %arg5[%get3A_142, %get3A_143] {strides = array<i32>} : memref<8x4096xf32, #tpu.memory_space<vmem>>, vector<1x16xf32>,
          %get3A_145 = vector.shape_cast %get3A_144 : vector<1x16xf32> to vector<16xf32>
          %abs3A_146 = math.absf %get3A_145 : vector<16xf32>
          %max3A_147 = arith.maximumf %max3A_135, %abs3A_146 : vector<16xf32>
          %mul3A_148 = arith.constant 8 : i32
          %mul3A_149 = arith.muli %scan3A_89, %mul3A_148 : i32
          %add3A_150 = arith.constant 5 : i32
          %add3A_151 = arith.addi %mul3A_149, %add3A_150 : i32
          %mul3A_152 = arith.constant 16 : i32
          %mul3A_153 = arith.muli %add3A_151, %mul3A_152 : i32
          %get3A_154 = arith.index_cast %scan3A_81 : i32 to index
          %get3A_155 = arith.index_cast %mul3A_153 : i32 to index
          %get3A_156 = tpu.vector_load %arg5[%get3A_154, %get3A_155] {strides = array<i32>} : memref<8x4096xf32, #tpu.memory_space<vmem>>, vector<1x16xf32>,
          %get3A_157 = vector.shape_cast %get3A_156 : vector<1x16xf32> to vector<16xf32>
          %abs3A_158 = math.absf %get3A_157 : vector<16xf32>
          %max3A_159 = arith.maximumf %max3A_147, %abs3A_158 : vector<16xf32>
          %mul3A_160 = arith.constant 8 : i32
          %mul3A_161 = arith.muli %scan3A_89, %mul3A_160 : i32
          %add3A_162 = arith.constant 6 : i32
          %add3A_163 = arith.addi %mul3A_161, %add3A_162 : i32
          %mul3A_164 = arith.constant 16 : i32
          %mul3A_165 = arith.muli %add3A_163, %mul3A_164 : i32
          %get3A_166 = arith.index_cast %scan3A_81 : i32 to index
          %get3A_167 = arith.index_cast %mul3A_165 : i32 to index
          %get3A_168 = tpu.vector_load %arg5[%get3A_166, %get3A_167] {strides = array<i32>} : memref<8x4096xf32, #tpu.memory_space<vmem>>, vector<1x16xf32>,
          %get3A_169 = vector.shape_cast %get3A_168 : vector<1x16xf32> to vector<16xf32>
          %abs3A_170 = math.absf %get3A_169 : vector<16xf32>
          %max3A_171 = arith.maximumf %max3A_159, %abs3A_170 : vector<16xf32>
          %mul3A_172 = arith.constant 8 : i32
          %mul3A_173 = arith.muli %scan3A_89, %mul3A_172 : i32
          %add3A_174 = arith.constant 7 : i32
          %add3A_175 = arith.addi %mul3A_173, %add3A_174 : i32
          %mul3A_176 = arith.constant 16 : i32
          %mul3A_177 = arith.muli %add3A_175, %mul3A_176 : i32
          %get3A_178 = arith.index_cast %scan3A_81 : i32 to index
          %get3A_179 = arith.index_cast %mul3A_177 : i32 to index
          %get3A_180 = tpu.vector_load %arg5[%get3A_178, %get3A_179] {strides = array<i32>} : memref<8x4096xf32, #tpu.memory_space<vmem>>, vector<1x16xf32>,
          %get3A_181 = vector.shape_cast %get3A_180 : vector<1x16xf32> to vector<16xf32>
          %abs3A_182 = math.absf %get3A_181 : vector<16xf32>
          %max3A_183 = arith.maximumf %max3A_171, %abs3A_182 : vector<16xf32>
          scf.yield %max3A_183 : vector<16xf32>
        }
        %scan3A_88 = arith.constant 32 : i32
        scf.yield %scan3A_87 : vector<16xf32>
      }
      %scan3A_73 = arith.constant 8 : i32
      %add3A_74 = arith.constant 2 : i32
      %add3A_75 = arith.addi %add3A_58, %add3A_74 : i32
      %lt3A_76 = arith.constant 32 : i32
      %lt3A_77 = arith.cmpi slt, %add3A_75, %lt3A_76 : i32
      %convert_element_type3A_78 = arith.extui %lt3A_77 : i1 to i32
      %cond3A_79 = arith.constant 0 : i32
      %cond3A_80 = arith.cmpi ne, %convert_element_type3A_78, %cond3A_79 : i32
      scf.if %cond3A_80 {
        %jit3A = arith.constant 16 : i32
        %div3A = arith.divsi %add3A_75, %jit3A : i32
        %sign3A = arith.constant 0 : i32
        %sign3A_81 = arith.cmpi sgt, %add3A_75, %sign3A : i32
        %sign3A_82 = arith.extui %sign3A_81 : i1 to i32
        %sign3A_83 = arith.constant 0 : i32
        %sign3A_84 = arith.cmpi slt, %add3A_75, %sign3A_83 : i32
        %sign3A_85 = arith.extui %sign3A_84 : i1 to i32
        %sign3A_86 = arith.subi %sign3A_82, %sign3A_85 : i32
        %sign3A_87 = arith.constant 0 : i32
        %sign3A_88 = arith.cmpi sgt, %jit3A, %sign3A_87 : i32
        %sign3A_89 = arith.extui %sign3A_88 : i1 to i32
        %sign3A_90 = arith.constant 0 : i32
        %sign3A_91 = arith.cmpi slt, %jit3A, %sign3A_90 : i32
        %sign3A_92 = arith.extui %sign3A_91 : i1 to i32
        %sign3A_93 = arith.subi %sign3A_89, %sign3A_92 : i32
        %ne3A = arith.cmpi ne, %sign3A_86, %sign3A_93 : i32
        %rem3A = arith.remsi %add3A_75, %jit3A : i32
        %ne3A_94 = arith.constant 0 : i32
        %ne3A_95 = arith.cmpi ne, %rem3A, %ne3A_94 : i32
        %and3A = arith.andi %ne3A, %ne3A_95 : i1
        %sub3A = arith.constant 1 : i32
        %sub3A_96 = arith.subi %div3A, %sub3A : i32
        %select_n3A = arith.select %and3A, %sub3A_96, %div3A : i32
        %jit3A_97 = arith.constant 16 : i32
        %eq3A = arith.constant 0 : i32
        %eq3A_98 = arith.cmpi eq, %jit3A_97, %eq3A : i32
        %jit3A_99 = arith.constant 1 : i32
        %select_n3A_100 = arith.select %eq3A_98, %jit3A_99, %jit3A_97 : i32
        %rem3A_101 = arith.remsi %add3A_75, %select_n3A_100 : i32
        %ne3A_102 = arith.constant 0 : i32
        %ne3A_103 = arith.cmpi ne, %rem3A_101, %ne3A_102 : i32
        %lt3A_104 = arith.constant 0 : i32
        %lt3A_105 = arith.cmpi slt, %rem3A_101, %lt3A_104 : i32
        %lt3A_106 = arith.constant 0 : i32
        %lt3A_107 = arith.cmpi slt, %select_n3A_100, %lt3A_106 : i32
        %ne3A_108 = arith.xori %lt3A_105, %lt3A_107 : i1
        %and3A_109 = arith.andi %ne3A_108, %ne3A_103 : i1
        %add3A_110 = arith.addi %rem3A_101, %select_n3A_100 : i32
        %select_n3A_111 = arith.select %and3A_109, %add3A_110, %rem3A_101 : i32
        %mul3A_112 = arith.constant 8 : i32
        %mul3A_113 = arith.muli %select_n3A_111, %mul3A_112 : i32
        %add3A_114 = arith.addi %mul3A_2, %mul3A_113 : i32
        %dma_start3A_115 = arith.constant 0 : i32
        %dma_start3A_116 = tpu.memref_slice %arg2[%select_n3A, %add3A_114, %dma_start3A_115] : memref<2x4096x4096xf32, #tpu.memory_space<hbm>> -> memref<1x8x4096xf32, #tpu.memory_space<hbm>>
        %dma_start3A_117 = tpu.memref_squeeze %dma_start3A_116 : memref<1x8x4096xf32, #tpu.memory_space<hbm>> -> memref<8x4096xf32, #tpu.memory_space<hbm>>
        %dma_start3A_118 = arith.constant 0 : i32
        %dma_start3A_119 = tpu.memref_slice %arg2[%select_n3A, %add3A_114, %dma_start3A_118] : memref<2x4096x4096xf32, #tpu.memory_space<hbm>> -> memref<1x8x4096xf32, #tpu.memory_space<hbm>>
        %dma_start3A_120 = tpu.memref_squeeze %dma_start3A_119 : memref<1x8x4096xf32, #tpu.memory_space<hbm>> -> memref<8x4096xf32, #tpu.memory_space<hbm>>
        tpu.enqueue_dma source(%dma_start3A_120 : memref<8x4096xf32, #tpu.memory_space<hbm>>) target(%arg5 : memref<8x4096xf32, #tpu.memory_space<vmem>>) target_semaphore(%arg8 : memref<!tpu.dma_semaphore, #tpu.memory_space<semaphore_mem>>)
      } else {
      }
      scf.yield %scan3A_72 : vector<16xf32>
    }
    %scan3A_25 = arith.constant 16 : i32
    %swap3A = arith.constant 0 : index
    %swap3A_26 = tpu.vector_load %arg6[%swap3A] {strides = array<i32>} : memref<16xf32, #tpu.memory_space<vmem>>, vector<16xf32>,
    %swap3A_27 = vector.shape_cast %swap3A_26 : vector<16xf32> to vector<16xf32>
    %swap3A_28 = vector.shape_cast %scan3A_24 : vector<16xf32> to vector<16xf32>
    tpu.vector_store %arg6[%swap3A], %swap3A_28 {strides = array<i32>} : memref<16xf32, #tpu.memory_space<vmem>>, vector<16xf32>,
    %mul3A_29 = arith.constant 16 : i32
    %mul3A_30 = arith.muli %add3A, %mul3A_29 : i32
    "tpu.region"() ({
      %run_scoped3A = tpu.sem_alloc : memref<!tpu.dma_semaphore, #tpu.memory_space<semaphore_mem>>
      %dma_start3A_31 = tpu.memref_slice %arg3[%mul3A_30] : memref<512xf32, #tpu.memory_space<hbm>> -> memref<16xf32, #tpu.memory_space<hbm>>
      %dma_start3A_32 = tpu.memref_slice %arg3[%mul3A_30] : memref<512xf32, #tpu.memory_space<hbm>> -> memref<16xf32, #tpu.memory_space<hbm>>
      tpu.enqueue_dma source(%arg6 : memref<16xf32, #tpu.memory_space<vmem>>) target(%dma_start3A_32 : memref<16xf32, #tpu.memory_space<hbm>>) target_semaphore(%run_scoped3A : memref<!tpu.dma_semaphore, #tpu.memory_space<semaphore_mem>>)
      %dma_wait3A = tpu.memref_slice %arg3[%mul3A_30] : memref<512xf32, #tpu.memory_space<hbm>> -> memref<16xf32, #tpu.memory_space<hbm>>
      %dma_wait3A_33 = tpu.memref_slice %arg3[%mul3A_30] : memref<512xf32, #tpu.memory_space<hbm>> -> memref<16xf32, #tpu.memory_space<hbm>>
      tpu.wait_dma2 semaphore(%run_scoped3A : memref<!tpu.dma_semaphore, #tpu.memory_space<semaphore_mem>>) src(%arg6 : memref<16xf32, #tpu.memory_space<vmem>>) dst(%dma_wait3A_33 : memref<16xf32, #tpu.memory_space<hbm>>)
      tpu.yield
    }) : () -> ()
    return
  }
}

</mosaic_0001>

<sc_bundles>
// kernel: kernel.4.cloned.1.call-start
scs
__scs_entry_jumppad:
0x0: {  	(pc) =	sbr.rel $0x88, $3  }
0x1: {  	(tag) =	ssettag $0x0;
	lr =	simm.s32 $0x1  }
0x2: {  	[smem:$0x3FA0] =	sst lr;
	_ =	strace $0xD0000000  }
0x3: {  	_ = 	snop  }
0x4: {  	_ = 	snop  }
0x5: {  	_ = 	snop  }
0x6: {  	_ = 	snop  }
0x7: {  	_ = 	snop  }
__scs_overlays_trampoline_lowered:
0x8: {  	[smem:$0x3FAF] =	sst s0  }
0x9: {  	[smem:$0x3FB0] =	sst s1  }
0xa: {  	[smem:$0x3FB1] =	sst s2  }
0xb: {  	[smem:$0x3FB2] =	sst s3  }
0xc: {  	[smem:$0x3FB3] =	sst s4  }
0xd: {  	[smem:$0x3FB4] =	sst s5  }
0xe: {  	[smem:$0x3FB5] =	sst s6  }
0xf: {  	[smem:$0x3FB6] =	sst s7  }
0x10: {  	[smem:$0x3FB7] =	sst s8  }
0x11: {  	[smem:$0x3FB8] =	sst s9;
	s0 =	simm.s32 @!p0 $0x0  }
0x12: {  	s1 =	sld [smem:$0x3F9E];
	s0 =	simm.s32 @p0 $0x1  }
0x13: {  	[smem:$0x3FB9] =	sst s0;
	s0 =	simm.s32 @!p1 $0x0  }
0x14: {  	s2 =	sld [smem:$0x3F9D];
	s0 =	simm.s32 @p1 $0x1  }
0x15: {  	[smem:$0x3FBA] =	sst s0;
	s0 =	simm.s32 @!p2 $0x0  }
0x16: {  	s3 =	sld [smem:$0x3FDB];
	s0 =	simm.s32 @p2 $0x1  }
0x17: {  	s4 =	simm.s32 $0x1BF5;
	[smem:$0x3FBC] =	sst s0  }
0x18: {  	s0 =	sld [smem:$0x3F9F];
	_ =	swait.ge [sflag:s4], $0x0  }
0x19: {  	s7 =	sld [smem:$0x3FA0]  }
0x1a: {  	s8 =	sadd.s32 $0xFFFFE003, lr  }
0x1b: {  	s9 =	sadd.s32 $0xFFFFFEF7, lr;
	s5 =	simm.s32 $0xFFFFFFFF;
	p2 =	slt.u32 s8, $0xFFFFF086  }
0x1c: {  	p1 =	slt.u32 s9, $0xF7A;
	s5 =	simm.s32 @!p2 $0x0  }
0x1d: {  	s5 =	simm.s32 @p1 $0x1;
	p0 =	seq.s32 s7, s2  }
0x1e: {  	s7 =	smul.u32 @!p0 $0xF7A, s2;
	p2 =	seq.s32 @!p0 s5, $0x0  }
0x1f: {  	s9 =	smul.u32 $0xF7A, s1;
	s8 =	simm.s32 @!p0 $0x1BF5;
	p2 =	por !p2, p0  }
0x20: {  	[sflag:s8] =	ssyncset.s32 @!p0 $0xFFFFF086;
	s6 =	sadd.s32 @!p0 s3, s7;
	s7 =	simm.s32 @!p0 $0x108  }
0x21: {  	s3 =	sadd.s32 s3, s9;
	s6 =	sadd.s32 @!p0 $0x88, s6;
	s7 =	simm.s32 @p2 $0x1082  }
0x22: {  	[simem:s7], [sflag:s8] =	dma.local @!p0 [hbm:s6], $0xF7A  }
0x23: {  	s9 =	sor.u32 $0xD0000000, s2;
	s6 =	simm.s32 $0x108;
	_ =	swait.ge @!p0 [sflag:s8], $0x0  }
0x24: {  	s3 =	sadd.s32 $0x88, s3;
	s6 =	simm.s32 @!p1 $0x1082;
	[sflag:s4] =	ssyncset.s32 $0xFFFFF086  }
0x25: {  	[simem:s6], [sflag:s4] =	dma.local [hbm:s3], $0xF7A  }
0x26: {  	[smem:$0x3FA0] =	sst s1;
	(tag) =	ssettag s2;
	_ =	strace s9  }
0x27: {  	s1 =	sld [smem:$0x3FB0]  }
0x28: {  	s2 =	sld [smem:$0x3FB1]  }
0x29: {  	s4 =	sld [smem:$0x3FB3]  }
0x2a: {  	p0 =	seq.s32 s5, $0x0;
	s5 =	sld [smem:$0x3FB4]  }
0x2b: {  	s6 =	sld [smem:$0x3FB5]  }
0x2c: {  	s7 =	sld [smem:$0x3FB6]  }
0x2d: {  	s3 =	simm.s32 $0x108;
	s8 =	sld [smem:$0x3FB7]  }
0x2e: {  	s3 =	simm.s32 @!p0 $0x1082;
	s9 =	sld [smem:$0x3FB8]  }
0x2f: {  	lr =	sadd.s32 s0, s3;
	s0 =	sld [smem:$0x3FAF]  }
0x30: {  	s3 =	sld [smem:$0x3FB2]  }
0x31: {  	[smem:$0x3FBB] =	sst s10  }
0x32: {  	s10 =	sld [smem:$0x3FB9];
	_ =	sdelay $0x3  }
0x33: {  	p0 =	seq.s32 s10, $0x1;
	s10 =	sld [smem:$0x3FBB];
	_ =	sdelay $0x3  }
0x34: {  	[smem:$0x3FBB] =	sst s10  }
0x35: {  	s10 =	sld [smem:$0x3FBA];
	_ =	sdelay $0x3  }
0x36: {  	p1 =	seq.s32 s10, $0x1;
	s10 =	sld [smem:$0x3FBB];
	_ =	sdelay $0x3  }
0x37: {  	[smem:$0x3FBB] =	sst s10  }
0x38: {  	s10 =	sld [smem:$0x3FBC]  }
0x39: {  	_ = 	snop;
	(pc) =	sbr.ind lr, $3  }
0x3a: {  	_ = 	snop  }
0x3b: {  	_ = 	snop  }
0x3c: {  	p2 =	seq.s32 s10, $0x1;
	s10 =	sld [smem:$0x3FBB]  }
0x3d: {  	_ =	shalt  }
0x3e: {  	_ =	shalt  }
0x3f: {  	_ =	shalt  }
0x40: {  	_ =	shalt  }
0x41: {  	_ =	shalt  }
0x42: {  	_ =	shalt  }
0x43: {  	_ =	shalt  }
0x44: {  	_ =	shalt  }
0x45: {  	_ =	shalt  }
0x46: {  	_ =	shalt  }
0x47: {  	_ =	shalt  }
0x48: {  	_ =	shalt  }
0x49: {  	_ =	shalt  }
0x4a: {  	_ =	shalt  }
0x4b: {  	_ =	shalt  }
0x4c: {  	_ =	shalt  }
0x4d: {  	_ =	shalt  }
0x4e: {  	_ =	shalt  }
0x4f: {  	_ =	shalt  }
0x50: {  	_ =	shalt  }
0x51: {  	_ =	shalt  }
0x52: {  	_ =	shalt  }
0x53: {  	_ =	shalt  }
0x54: {  	_ =	shalt  }
0x55: {  	_ =	shalt  }
0x56: {  	_ =	shalt  }
0x57: {  	_ =	shalt  }
0x58: {  	_ =	shalt  }
0x59: {  	_ =	shalt  }
0x5a: {  	_ =	shalt  }
0x5b: {  	_ =	shalt  }
0x5c: {  	_ =	shalt  }
0x5d: {  	_ =	shalt  }
0x5e: {  	_ =	shalt  }
0x5f: {  	_ =	shalt  }
0x60: {  	_ =	shalt  }
0x61: {  	_ =	shalt  }
0x62: {  	_ =	shalt  }
0x63: {  	_ =	shalt  }
0x64: {  	_ =	shalt  }
0x65: {  	_ =	shalt  }
0x66: {  	_ =	shalt  }
0x67: {  	_ =	shalt  }
0x68: {  	_ =	shalt  }
0x69: {  	_ =	shalt  }
0x6a: {  	_ =	shalt  }
0x6b: {  	_ =	shalt  }
0x6c: {  	_ =	shalt  }
0x6d: {  	_ =	shalt  }
0x6e: {  	_ =	shalt  }
0x6f: {  	_ =	shalt  }
0x70: {  	_ =	shalt  }
0x71: {  	_ =	shalt  }
0x72: {  	_ =	shalt  }
0x73: {  	_ =	shalt  }
0x74: {  	_ =	shalt  }
0x75: {  	_ =	shalt  }
0x76: {  	_ =	shalt  }
0x77: {  	_ =	shalt  }
0x78: {  	_ =	shalt  }
0x79: {  	_ =	shalt  }
0x7a: {  	_ =	shalt  }
0x7b: {  	_ =	shalt  }
0x7c: {  	_ =	shalt  }
0x7d: {  	_ =	shalt  }
0x7e: {  	_ =	shalt  }
0x7f: {  	_ =	shalt  }
0x80: {  	_ =	shalt  }
0x81: {  	_ =	shalt  }
0x82: {  	_ =	shalt  }
0x83: {  	_ =	shalt  }
0x84: {  	_ =	shalt  }
0x85: {  	_ =	shalt  }
0x86: {  	_ =	shalt  }
0x87: {  	_ =	shalt  }
.Lfunc_end0:
.L_simem_size_0:
called_computation_lowered:
.L_overlay_start_0:
0x88: {  	s2 =	sld [smem:$0x3FD9]  }
0x89: {  	s3 =	sld [smem:$0x3FFE];
	_ =	sdelay $0x1  }
0x8a: {  	s1 =	srdreg.scid  }
0x8b: {  	s0 =	sand.u32 $0x1, s1  }
0x8c: {  	s17 =	sshll.u32 s0, $0xA;
	s2 =	sadd.s32 s3, s2  }
0x8d: {  	s2 =	sadd.s32 s2, s17  }
0x8e: {  	[smem:$0x3FC7] =	sst s2  }
0x8f: {  	_ = 	snop  }
0x90: {  	s2 =	sld [smem:$0x3FC9];
	(tm) =	ssettm $0x1  }
0x91: {  	s18 =	sld [smem:$0x3FFB];
	_ =	sdelay $0x3  }
0x92: {  	_ =	strace s18  }
0x93: {  	s3 =	sld [smem:$0x3FFC];
	_ =	sdelay $0x3  }
0x94: {  	_ =	strace s3  }
0x95: {  	s3 =	sld [smem:$0x3FFD];
	_ =	sdelay $0x3  }
0x96: {  	_ =	strace s3  }
0x97: {  	_ =	strace $0x8FFFFFFF  }
0x98: {  	s19 =	sld [smem:$0x3FDB];
	_ =	sdelay $0x1  }
0x99: {  	s4 =	simm.s32 $_scs_section_size  }
0x9a: {  	s5 =	simm.s32 $_size__tile_overlayer_lowered;
	s6 =	simm.s32 $_tile_overlayer_lowered  }
0x9b: {  	s22 =	simm.s32 $0x1BFF;
	s21 =	sshll.u32 s6, $0x1;
	s3 =	sadd.s32 s4, s19  }
0x9c: {  	s7 =	simm.s32 $0x0;
	s20 =	sshll.u32 s5, $0x1;
	s5 =	sadd.s32 s21, s3  }
0x9d: {  	[timem:s7], [sflag:s22] =	dma.local [hbm:s5], s20  }
0x9e: {  	_ =	swait.ge [sflag:s22], s20  }
0x9f: {  	s4 =	ssub.s32 $0x0, s20;
	[sflag:s22] =	ssyncset.done $0x0  }
0xa0: {  	[sflag:s22] =	ssyncadd.s32 s4;
	_ =	sdelay $0x1  }
0xa1: {  	s23 =	simm.s32 $0x1B8B  }
0xa2: {  	_ =	swait.ge [sflag:s23], $0x1  }
0xa3: {  	[sflag:s23] =	ssyncset.done $0x0  }
0xa4: {  	s25 =	simm.s32 $0x1B8E;
	s24 =	sld [smem:$0x3FFE];
	[sflag:s23] =	ssyncadd.s32 $0xFFFFFFFF  }
0xa5: {  	s26 =	simm.s32 $execute0_lowered;
	[smem:$0x3FD2] =	sst s25  }
0xa6: {  	s5 =	sshll.u32 s26, $0x1;
	_ =	strace $0x80000046;
	[dreg:$0x1] =	wrdreg $0xFFFFFFFF  }
0xa7: {  	s28 =	simm.s32 $_size_execute0_lowered;
	s3 =	sadd.s32 s3, s5;
	[dreg:$0x0] =	wrdreg $0x0  }
0xa8: {  	s5 =	sshll.u32 s28, $0x1;
	[dreg:$0x2] =	wrdreg s3  }
0xa9: {  	[dreg:$0x3] =	wrdreg s5  }
0xaa: {  	[dreg:$0x4] =	wrdreg $0xC0  }
0xab: {  	_ =	task [dreg:s7], $0x5FFFF  }
0xac: {  	[dreg:$0x1] =	wrdreg $0xFFFFFFFF  }
0xad: {  	[dreg:$0x0] =	wrdreg $0x60  }
0xae: {  	[dreg:$0x2] =	wrdreg s2  }
0xaf: {  	[dreg:$0x3] =	wrdreg s24  }
0xb0: {  	[dreg:$0x4] =	wrdreg $0x9  }
0xb1: {  	_ =	task.clear_ibuf [dreg:s7], $0x5FFFF;
	_ =	strace $0x90000046  }
0xb2: {  	s29 =	simm.s32 $0x9;
	_ =	strace $0x80000048  }
0xb3: {  	_ =	swait.ge [sflag:s29], $0x1  }
0xb4: {  	[sflag:s29] =	ssyncadd.s32 $0xFFFFFFFF  }
0xb5: {  	_ =	strace $0x90000048  }
0xb6: {  	_ =	sfence  }
0xb7: {  	s30 =	sld [smem:$0x0];
	_ =	sdelay $0x2  }
0xb8: {  	s31 =	sshll.u32 s1, $0xD;
	s1 =	sshrl.u32 s1, $0x2  }
0xb9: {  	s3 =	sand.u32 $0x4000, s31;
	s1 =	sadd.s32 s1, s30  }
0xba: {  	s0 =	sor.u32 s3, s0;
	s1 =	sshll.u32 s1, $0x11  }
0xbb: {  	s0 =	sor.u32 s1, s0  }
0xbc: {  	s0 =	sadd.s32 $0x8F2B, s0  }
0xbd: {  	[sflag:s0] =	ssyncadd.remote.s32 $0x1  }
0xbe: {  	_ =	sfence.sel $0xFFFF  }
0xbf: {  	[dreg:$0x0] =	wrdreg $0xFFFFFFFF;
	(pc) =	sbr.abs _section_cstart, $3  }
0xc0: {  	[dreg:$0x1] =	wrdreg $0xFFFFFFFF  }
0xc1: {  	_ =	task.clear_ibuf [dreg:s7], $0x2FFFF;
	_ =	strace $0x9FFFFFFF  }
0xc2: {  	(tm) =	ssettm $0x7FFFFFFF  }
0xc3: {  	_ =	shalt  }
tec
execute0_lowered:
.L_overlay_start_1:
0x0: {  	(tag) =	ssettag $0x1  }
0x1: {  	s2 =	rddreg [dreg:$0x0]  }
0x2: {  	s4 =	rddreg [dreg:$0x1]  }
0x3: {  	s0 =	rddreg [dreg:$0x2]  }
0x4: {  	s5 =	srdreg.scid;
	s1 =	stileid.u32;
	s3 =	simm.s32 $0x0  }
0x5: {  	s10 =	simm.s32 $0x1;
	s11 =	simm.s32 $0x2;
	s12 =	simm.s32 $0x10000  }
0x6: {  	s13 =	simm.s32 $0x3;
	s14 =	simm.s32 $0x0;
	s21 =	simm.s32 $0x0  }
0x7: {  	s5 =	sand.u32 $0x1, s5;
	s6 =	sshll.u32 s1, $0x1;
	[smem:$0x7FF] =	sst s3  }
.Ltmp0:
0x8: {  	s6 =	sor.u32 s5, s6;
	s5 =	ssub.s32 $0x2, s5;
	(pc) =	sbr.rel .LBB2_1-.Ltmp0, $4  }
0x9: {  	_ =	strace $0x80000047;
	s31 =	sshrl.u32 s5, $0x1;
	s8 =	sshll.u32 s6, $0x10  }
0xa: {  	s7 =	sshll.u32 s6, $0x1;
	s9 =	ssub.s32 s5, s31;
	s5 =	sadd.s32 s2, s8  }
0xb: {  	s7 =	sadd.s32 s7, s4;
	s4 =	sshll.u32 s6, $0x7;
	s6 =	sadd.s32 $0x1000, s5  }
0xc: {  	s7 =	sadd.s32 $0x800, s7;
	s8 =	smax.u32 s9, $0x1;
	s9 =	simm.s32 $0x8000  }
.LBB2_12:
0xd: {  	s14 =	sadd.s32 $0x1, s14  }
0xe: {  	p0 =	sne.s32 s14, s8  }
.Ltmp1:
0xf: {  	[tilespmem:$0x10000] =	vst v0;
	(pc) =	sbr.rel @!p0 .LBB2_13-.Ltmp1, $4  }
0x10: {  	[hbm4b:s7+s3] =	stream.linear.scatter [tilespmem:s12], [sflag:$0x3], $0x10, $0x38;
	[tilespmem:$0x10080] =	vst v63  }
0x11: {  	_ =	swait.ge [sflag:s13], $0x10  }
0x12: {  	[sflag:s13] =	ssyncset.done $0x0  }
0x13: {  	[sflag:s13] =	ssyncadd.s32 $0xFFFFFFF0  }
.LBB2_1:
0x14: {  	[tilespmem:s3], [sflag:$0x1] =	stream.linear.gather [hbm4b:s5+s3], $0x8000, $0x38;
	[tilespmem:$0x10080] =	vst v63  }
0x15: {  	s15 =	simm.s32 $0x0  }
0x16: {  	v0 =	vimm.f32 $0.0e+00;
	[tilespmem:s9], [sflag:$0x2] =	stream.linear.gather [hbm4b:s6+s3], $0x8000, $0x38;
	[tilespmem:$0x10080] =	vst v63  }
.LBB2_2:
0x17: {  	_ =	swait.ge [sflag:s10], $0x8000  }
0x18: {  	[sflag:s10] =	ssyncset.done $0x0  }
0x19: {  	s16 =	simm.s32 $0x0;
	s17 =	simm.s32 $0x40;
	[sflag:s10] =	ssyncadd.s32 $0xFFFF8000  }
.LBB2_3:
0x1a: {  	v1 =	vmov s17;
	_ =	sdelay $0x3  }
0x1b: {  	s20 =	simm.s32 $0x0  }
0x1c: {  	v3 =	vld.idx.msk [tilespmem:v1+s20+$0xFFFFFFC0 ss:$0x1], $0xffff  }
0x1d: {  	v8 =	vld.idx.msk [tilespmem:v1+s20+$0xFFFFFFD0 ss:$0x1], $0xffff  }
0x1e: {  	v6 =	vld.idx.msk [tilespmem:v1+s20+$0xFFFFFFE0 ss:$0x1], $0xffff  }
0x1f: {  	v5 =	vld.idx.msk [tilespmem:v1+s20+$0xFFFFFFF0 ss:$0x1], $0xffff  }
0x20: {  	v4 =	vld.idx.msk [tilespmem:v1+s20+$0x0 ss:$0x1], $0xffff  }
0x21: {  	v2 =	vld.idx.msk [tilespmem:v1+s20+$0x10 ss:$0x1], $0xffff  }
0x22: {  	v7 =	vand.u32 $0x7FFFFFFF, v3;
	v3 =	vld.idx.msk [tilespmem:v1+s20+$0x20 ss:$0x1], $0xffff  }
0x23: {  	s18 =	simm.s32 $0x400;
	s19 =	simm.s32 $0x2000;
	v8 =	vand.u32 $0x7FFFFFFF, v8;
	v7 =	vmax.f32 v0, v7;
	v0 =	vld.idx.msk [tilespmem:v1+s20+$0x30 ss:$0x1], $0xffff  }
.LBB2_4:
0x24: {  	p0 =	sne.s32 s19, $0x1F000;
	v9 =	vld.idx.msk [tilespmem:v1+s18+$0xFFFFFFC0 ss:$0x1], $0xffff;
	v7 =	vmax.f32 v7, v8;
	v6 =	vand.u32 $0x7FFFFFFF, v6  }
0x25: {  	v5 =	vand.u32 $0x7FFFFFFF, v5;
	v8 =	vld.idx.msk [tilespmem:v1+s18+$0xFFFFFFD0 ss:$0x1], $0xffff;
	v7 =	vmax.f32 v7, v6  }
0x26: {  	v4 =	vand.u32 $0x7FFFFFFF, v4;
	v6 =	vld.idx.msk [tilespmem:v1+s18+$0xFFFFFFE0 ss:$0x1], $0xffff;
	v7 =	vmax.f32 v7, v5  }
.Ltmp2:
0x27: {  	v2 =	vand.u32 $0x7FFFFFFF, v2;
	v5 =	vld.idx.msk [tilespmem:v1+s18+$0xFFFFFFF0 ss:$0x1], $0xffff;
	v7 =	vmax.f32 v7, v4;
	(pc) =	sbr.rel @p0 .LBB2_4-.Ltmp2, $4  }
0x28: {  	v3 =	vand.u32 $0x7FFFFFFF, v3;
	v4 =	vld.idx.msk [tilespmem:v1+s18+$0x0 ss:$0x1], $0xffff;
	v7 =	vmax.f32 v7, v2  }
0x29: {  	v0 =	vand.u32 $0x7FFFFFFF, v0;
	v2 =	vld.idx.msk [tilespmem:v1+s18+$0x10 ss:$0x1], $0xffff;
	v7 =	vmax.f32 v7, v3  }
0x2a: {  	v9 =	vand.u32 $0x7FFFFFFF, v9;
	v3 =	vld.idx.msk [tilespmem:v1+s18+$0x20 ss:$0x1], $0xffff;
	v0 =	vmax.f32 v7, v0  }
0x2b: {  	v8 =	vand.u32 $0x7FFFFFFF, v8;
	v7 =	vmax.f32 v0, v9;
	v0 =	vld.idx.msk [tilespmem:v1+s18+$0x30 ss:$0x1], $0xffff;
	s18 =	sshra.s32 s19, $0x2;
	s19 =	sadd.s32 $0x1000, s19  }
0x2c: {  	_ =	sdelay $0x2  }
0x2d: {  	v7 =	vmax.f32 v7, v8;
	v6 =	vand.u32 $0x7FFFFFFF, v6  }
0x2e: {  	v59 =	vld.idx.msk [tilespmem:v1+s18+$0xFFFFFFC0 ss:$0x1], $0xffff;
	v5 =	vand.u32 $0x7FFFFFFF, v5;
	v6 =	vmax.f32 v7, v6  }
0x2f: {  	v60 =	vld.idx.msk [tilespmem:v1+s18+$0xFFFFFFD0 ss:$0x1], $0xffff;
	v4 =	vand.u32 $0x7FFFFFFF, v4;
	v5 =	vmax.f32 v6, v5  }
0x30: {  	v61 =	vld.idx.msk [tilespmem:v1+s18+$0xFFFFFFE0 ss:$0x1], $0xffff;
	v2 =	vand.u32 $0x7FFFFFFF, v2;
	v4 =	vmax.f32 v5, v4  }
0x31: {  	v62 =	vld.idx.msk [tilespmem:v1+s18+$0xFFFFFFF0 ss:$0x1], $0xffff;
	v3 =	vand.u32 $0x7FFFFFFF, v3;
	v2 =	vmax.f32 v4, v2  }
0x32: {  	v63 =	vld.idx.msk [tilespmem:v1+s18+$0x0 ss:$0x1], $0xffff;
	v0 =	vand.u32 $0x7FFFFFFF, v0;
	v2 =	vmax.f32 v2, v3  }
0x33: {  	v3 =	vld.idx.msk [tilespmem:v1+s18+$0x10 ss:$0x1], $0xffff;
	v8 =	vand.u32 $0x7FFFFFFF, v59;
	v0 =	vmax.f32 v2, v0  }
0x34: {  	v7 =	vand.u32 $0x7FFFFFFF, v60;
	v2 =	vld.idx.msk [tilespmem:v1+s18+$0x20 ss:$0x1], $0xffff;
	v0 =	vmax.f32 v0, v8  }
0x35: {  	s16 =	sadd.s32 $0x1, s16;
	v6 =	vand.u32 $0x7FFFFFFF, v61;
	v1 =	vld.idx.msk [tilespmem:v1+s18+$0x30 ss:$0x1], $0xffff;
	v0 =	vmax.f32 v0, v7  }
0x36: {  	p0 =	sne.s32 s16, $0x8;
	v5 =	vand.u32 $0x7FFFFFFF, v62;
	v0 =	vmax.f32 v0, v6  }
.Ltmp3:
0x37: {  	v4 =	vand.u32 $0x7FFFFFFF, v63;
	v0 =	vmax.f32 v0, v5;
	(pc) =	sbr.rel @p0 .LBB2_3-.Ltmp3, $4  }
0x38: {  	v3 =	vand.u32 $0x7FFFFFFF, v3;
	v0 =	vmax.f32 v0, v4  }
0x39: {  	v2 =	vand.u32 $0x7FFFFFFF, v2;
	v0 =	vmax.f32 v0, v3  }
0x3a: {  	v1 =	vand.u32 $0x7FFFFFFF, v1;
	v0 =	vmax.f32 v0, v2  }
0x3b: {  	s17 =	sadd.s32 $0x80, s17;
	v0 =	vmax.f32 v0, v1  }
0x3c: {  	s16 =	sshll.u32 s15, $0x1;
	p0 =	seq.s32 s15, $0xF  }
0x3d: {  	s17 =	sadd.s32 @!p0 $0x2, s16  }
0x3e: {  	s18 =	sshll.u32 @!p0 s17, $0x3  }
0x3f: {  	s17 =	sshll.u32 @!p0 s17, $0x11;
	s18 =	sand.u32 @!p0 $0x70, s18  }
0x40: {  	s17 =	sand.u32 @!p0 $0x600000, s17;
	s18 =	sor.u32 @!p0 s4, s18  }
0x41: {  	s17 =	sadd.s32 @!p0 s2, s17;
	s18 =	sshll.u32 @!p0 s18, $0x9  }
0x42: {  	s17 =	sadd.s32 @!p0 s18, s17;
	s18 =	simm.s32 @!p0 $0x0  }
0x43: {  	[tilespmem:s18], [sflag:$0x1] =	stream.linear.gather @!p0 [hbm4b:s17+s18], $0x8000, $0x38;
	[tilespmem:$0x10080] =	vst v63  }
0x44: {  	_ =	swait.ge [sflag:s11], $0x8000  }
0x45: {  	[sflag:s11] =	ssyncset.done $0x0  }
0x46: {  	s17 =	simm.s32 $0x0;
	s18 =	simm.s32 $0x8040;
	[sflag:s11] =	ssyncadd.s32 $0xFFFF8000  }
.LBB2_7:
0x47: {  	v1 =	vmov s18;
	_ =	sdelay $0x4  }
0x48: {  	v3 =	vld.idx.msk [tilespmem:v1+s21+$0xFFFFFFC0 ss:$0x1], $0xffff  }
0x49: {  	v8 =	vld.idx.msk [tilespmem:v1+s21+$0xFFFFFFD0 ss:$0x1], $0xffff  }
0x4a: {  	v6 =	vld.idx.msk [tilespmem:v1+s21+$0xFFFFFFE0 ss:$0x1], $0xffff  }
0x4b: {  	v5 =	vld.idx.msk [tilespmem:v1+s21+$0xFFFFFFF0 ss:$0x1], $0xffff  }
0x4c: {  	v4 =	vld.idx.msk [tilespmem:v1+s21+$0x0 ss:$0x1], $0xffff  }
0x4d: {  	v2 =	vld.idx.msk [tilespmem:v1+s21+$0x10 ss:$0x1], $0xffff  }
0x4e: {  	v7 =	vand.u32 $0x7FFFFFFF, v3;
	v3 =	vld.idx.msk [tilespmem:v1+s21+$0x20 ss:$0x1], $0xffff  }
0x4f: {  	s19 =	simm.s32 $0x400;
	s20 =	simm.s32 $0x2000;
	v8 =	vand.u32 $0x7FFFFFFF, v8;
	v7 =	vmax.f32 v0, v7;
	v0 =	vld.idx.msk [tilespmem:v1+s21+$0x30 ss:$0x1], $0xffff  }
.LBB2_8:
0x50: {  	p1 =	sne.s32 s20, $0x1F000;
	v9 =	vld.idx.msk [tilespmem:v1+s19+$0xFFFFFFC0 ss:$0x1], $0xffff;
	v7 =	vmax.f32 v7, v8;
	v6 =	vand.u32 $0x7FFFFFFF, v6  }
0x51: {  	v5 =	vand.u32 $0x7FFFFFFF, v5;
	v8 =	vld.idx.msk [tilespmem:v1+s19+$0xFFFFFFD0 ss:$0x1], $0xffff;
	v7 =	vmax.f32 v7, v6  }
0x52: {  	v4 =	vand.u32 $0x7FFFFFFF, v4;
	v6 =	vld.idx.msk [tilespmem:v1+s19+$0xFFFFFFE0 ss:$0x1], $0xffff;
	v7 =	vmax.f32 v7, v5  }
.Ltmp4:
0x53: {  	v2 =	vand.u32 $0x7FFFFFFF, v2;
	v5 =	vld.idx.msk [tilespmem:v1+s19+$0xFFFFFFF0 ss:$0x1], $0xffff;
	v7 =	vmax.f32 v7, v4;
	(pc) =	sbr.rel @p1 .LBB2_8-.Ltmp4, $4  }
0x54: {  	v3 =	vand.u32 $0x7FFFFFFF, v3;
	v4 =	vld.idx.msk [tilespmem:v1+s19+$0x0 ss:$0x1], $0xffff;
	v7 =	vmax.f32 v7, v2  }
0x55: {  	v0 =	vand.u32 $0x7FFFFFFF, v0;
	v2 =	vld.idx.msk [tilespmem:v1+s19+$0x10 ss:$0x1], $0xffff;
	v7 =	vmax.f32 v7, v3  }
0x56: {  	v9 =	vand.u32 $0x7FFFFFFF, v9;
	v3 =	vld.idx.msk [tilespmem:v1+s19+$0x20 ss:$0x1], $0xffff;
	v0 =	vmax.f32 v7, v0  }
0x57: {  	v8 =	vand.u32 $0x7FFFFFFF, v8;
	v7 =	vmax.f32 v0, v9;
	v0 =	vld.idx.msk [tilespmem:v1+s19+$0x30 ss:$0x1], $0xffff;
	s19 =	sshra.s32 s20, $0x2;
	s20 =	sadd.s32 $0x1000, s20  }
0x58: {  	_ =	sdelay $0x2  }
0x59: {  	v7 =	vmax.f32 v7, v8;
	v6 =	vand.u32 $0x7FFFFFFF, v6  }
0x5a: {  	v59 =	vld.idx.msk [tilespmem:v1+s19+$0xFFFFFFC0 ss:$0x1], $0xffff;
	v5 =	vand.u32 $0x7FFFFFFF, v5;
	v6 =	vmax.f32 v7, v6  }
0x5b: {  	v60 =	vld.idx.msk [tilespmem:v1+s19+$0xFFFFFFD0 ss:$0x1], $0xffff;
	v4 =	vand.u32 $0x7FFFFFFF, v4;
	v5 =	vmax.f32 v6, v5  }
0x5c: {  	v61 =	vld.idx.msk [tilespmem:v1+s19+$0xFFFFFFE0 ss:$0x1], $0xffff;
	v2 =	vand.u32 $0x7FFFFFFF, v2;
	v4 =	vmax.f32 v5, v4  }
0x5d: {  	v62 =	vld.idx.msk [tilespmem:v1+s19+$0xFFFFFFF0 ss:$0x1], $0xffff;
	v3 =	vand.u32 $0x7FFFFFFF, v3;
	v2 =	vmax.f32 v4, v2  }
0x5e: {  	v63 =	vld.idx.msk [tilespmem:v1+s19+$0x0 ss:$0x1], $0xffff;
	v0 =	vand.u32 $0x7FFFFFFF, v0;
	v2 =	vmax.f32 v2, v3  }
0x5f: {  	v3 =	vld.idx.msk [tilespmem:v1+s19+$0x10 ss:$0x1], $0xffff;
	v8 =	vand.u32 $0x7FFFFFFF, v59;
	v0 =	vmax.f32 v2, v0  }
0x60: {  	v7 =	vand.u32 $0x7FFFFFFF, v60;
	v2 =	vld.idx.msk [tilespmem:v1+s19+$0x20 ss:$0x1], $0xffff;
	v0 =	vmax.f32 v0, v8  }
0x61: {  	s17 =	sadd.s32 $0x1, s17;
	v6 =	vand.u32 $0x7FFFFFFF, v61;
	v1 =	vld.idx.msk [tilespmem:v1+s19+$0x30 ss:$0x1], $0xffff;
	v0 =	vmax.f32 v0, v7  }
0x62: {  	p1 =	sne.s32 s17, $0x8;
	v5 =	vand.u32 $0x7FFFFFFF, v62;
	v0 =	vmax.f32 v0, v6  }
.Ltmp5:
0x63: {  	v4 =	vand.u32 $0x7FFFFFFF, v63;
	v0 =	vmax.f32 v0, v5;
	(pc) =	sbr.rel @p1 .LBB2_7-.Ltmp5, $4  }
0x64: {  	v3 =	vand.u32 $0x7FFFFFFF, v3;
	v0 =	vmax.f32 v0, v4  }
0x65: {  	v2 =	vand.u32 $0x7FFFFFFF, v2;
	v0 =	vmax.f32 v0, v3  }
0x66: {  	v1 =	vand.u32 $0x7FFFFFFF, v1;
	v0 =	vmax.f32 v0, v2  }
0x67: {  	s18 =	sadd.s32 $0x80, s18;
	v0 =	vmax.f32 v0, v1  }
.Ltmp6:
0x68: {  	(pc) =	sbr.rel @p0 .LBB2_12-.Ltmp6, $1  }
0x69: {  	_ =	sdelay $0x3  }
0x6a: {  	s16 =	sadd.s32 $0x3, s16  }
0x6b: {  	s17 =	sshll.u32 s16, $0x3  }
.Ltmp7:
0x6c: {  	s16 =	sshll.u32 s16, $0x11;
	s17 =	sand.u32 $0x78, s17;
	(pc) =	sbr.rel .LBB2_2-.Ltmp7, $4  }
0x6d: {  	s16 =	sand.u32 $0x600000, s16;
	s17 =	sor.u32 s4, s17  }
0x6e: {  	s16 =	sadd.s32 s2, s16;
	s17 =	sshll.u32 s17, $0x9  }
0x6f: {  	s15 =	sadd.s32 $0x1, s15;
	s16 =	sadd.s32 s17, s16  }
0x70: {  	[tilespmem:s9], [sflag:$0x2] =	stream.linear.gather [hbm4b:s16+s3], $0x8000, $0x38;
	[tilespmem:$0x10080] =	vst v63  }
.LBB2_13:
0x71: {  	_ =	sfence.sel $0x180000  }
0x72: {  	[bflag:$0x0] =	sbarrier.arrive $0xFFFF  }
0x73: {  	p0 =	sne.s32 s1, $0x0;
	_ =	strace $0x90000047  }
0x74: {  	s0 =	sadd.s32 @!p0 $0x100000, s0;
	[bflag:$0x2] =	sbarrier.arrive $0xFFFF  }
0x75: {  	[sflag:s0] =	ssyncadd.tile.s32 @!p0 $0x1;
	_ =	shalt  }
.Lfunc_end2:
_tile_overlayer_lowered:
.L_overlay_start_2:
0x76: {  	(tag) =	ssettag $0x2  }
0x77: {  	s0 =	rddreg [dreg:$0x0];
	s2 =	stileid.u32  }
0x78: {  	s1 =	rddreg [dreg:$0x1];
	p0 =	sne.s32 s2, $0x0  }
0x79: {  	s3 =	rddreg [dreg:$0x2];
	[bflag:$0x3] =	sbarrier.arrive $0xFFFF;
	s2 =	simm.s32 @!p0 $0x1C03  }
0x7a: {  	[timem:s3], [sflag:s2] =	dma.local @!p0 [hbm:s0], s1  }
0x7b: {  	s0 =	simm.s32 @!p0 $0x3  }
0x7c: {  	_ =	swait.ge @!p0 [sflag:s0], s1  }
0x7d: {  	s1 =	ssub.s32 @!p0 $0x0, s1;
	[sflag:s0] =	ssyncset.done @!p0 $0x0  }
0x7e: {  	[sflag:s0] =	ssyncadd.s32 @!p0 s1  }
0x7f: {  	[bflag:$0x3] =	sbarrier.arrive $0xFFFF  }
0x80: {  	_ =	shalt  }

// kernel: kernel.7.cloned.1.call-start
scs
__scs_entry_jumppad:
0x0: {  	(pc) =	sbr.rel $0x88, $3  }
0x1: {  	(tag) =	ssettag $0x0;
	lr =	simm.s32 $0x1  }
0x2: {  	[smem:$0x3FA0] =	sst lr;
	_ =	strace $0xD0000000  }
0x3: {  	_ = 	snop  }
0x4: {  	_ = 	snop  }
0x5: {  	_ = 	snop  }
0x6: {  	_ = 	snop  }
0x7: {  	_ = 	snop  }
__scs_overlays_trampoline_lowered:
0x8: {  	[smem:$0x3FAF] =	sst s0  }
0x9: {  	[smem:$0x3FB0] =	sst s1  }
0xa: {  	[smem:$0x3FB1] =	sst s2  }
0xb: {  	[smem:$0x3FB2] =	sst s3  }
0xc: {  	[smem:$0x3FB3] =	sst s4  }
0xd: {  	[smem:$0x3FB4] =	sst s5  }
0xe: {  	[smem:$0x3FB5] =	sst s6  }
0xf: {  	[smem:$0x3FB6] =	sst s7  }
0x10: {  	[smem:$0x3FB7] =	sst s8  }
0x11: {  	[smem:$0x3FB8] =	sst s9;
	s0 =	simm.s32 @!p0 $0x0  }
0x12: {  	s1 =	sld [smem:$0x3F9E];
	s0 =	simm.s32 @p0 $0x1  }
0x13: {  	[smem:$0x3FB9] =	sst s0;
	s0 =	simm.s32 @!p1 $0x0  }
0x14: {  	s2 =	sld [smem:$0x3F9D];
	s0 =	simm.s32 @p1 $0x1  }
0x15: {  	[smem:$0x3FBA] =	sst s0;
	s0 =	simm.s32 @!p2 $0x0  }
0x16: {  	s3 =	sld [smem:$0x3FDB];
	s0 =	simm.s32 @p2 $0x1  }
0x17: {  	s4 =	simm.s32 $0x1BF5;
	[smem:$0x3FBC] =	sst s0  }
0x18: {  	s0 =	sld [smem:$0x3F9F];
	_ =	swait.ge [sflag:s4], $0x0  }
0x19: {  	s7 =	sld [smem:$0x3FA0]  }
0x1a: {  	s8 =	sadd.s32 $0xFFFFE003, lr  }
0x1b: {  	s9 =	sadd.s32 $0xFFFFFEF7, lr;
	s5 =	simm.s32 $0xFFFFFFFF;
	p2 =	slt.u32 s8, $0xFFFFF086  }
0x1c: {  	p1 =	slt.u32 s9, $0xF7A;
	s5 =	simm.s32 @!p2 $0x0  }
0x1d: {  	s5 =	simm.s32 @p1 $0x1;
	p0 =	seq.s32 s7, s2  }
0x1e: {  	s7 =	smul.u32 @!p0 $0xF7A, s2;
	p2 =	seq.s32 @!p0 s5, $0x0  }
0x1f: {  	s9 =	smul.u32 $0xF7A, s1;
	s8 =	simm.s32 @!p0 $0x1BF5;
	p2 =	por !p2, p0  }
0x20: {  	[sflag:s8] =	ssyncset.s32 @!p0 $0xFFFFF086;
	s6 =	sadd.s32 @!p0 s3, s7;
	s7 =	simm.s32 @!p0 $0x108  }
0x21: {  	s3 =	sadd.s32 s3, s9;
	s6 =	sadd.s32 @!p0 $0x88, s6;
	s7 =	simm.s32 @p2 $0x1082  }
0x22: {  	[simem:s7], [sflag:s8] =	dma.local @!p0 [hbm:s6], $0xF7A  }
0x23: {  	s9 =	sor.u32 $0xD0000000, s2;
	s6 =	simm.s32 $0x108;
	_ =	swait.ge @!p0 [sflag:s8], $0x0  }
0x24: {  	s3 =	sadd.s32 $0x88, s3;
	s6 =	simm.s32 @!p1 $0x1082;
	[sflag:s4] =	ssyncset.s32 $0xFFFFF086  }
0x25: {  	[simem:s6], [sflag:s4] =	dma.local [hbm:s3], $0xF7A  }
0x26: {  	[smem:$0x3FA0] =	sst s1;
	(tag) =	ssettag s2;
	_ =	strace s9  }
0x27: {  	s1 =	sld [smem:$0x3FB0]  }
0x28: {  	s2 =	sld [smem:$0x3FB1]  }
0x29: {  	s4 =	sld [smem:$0x3FB3]  }
0x2a: {  	p0 =	seq.s32 s5, $0x0;
	s5 =	sld [smem:$0x3FB4]  }
0x2b: {  	s6 =	sld [smem:$0x3FB5]  }
0x2c: {  	s7 =	sld [smem:$0x3FB6]  }
0x2d: {  	s3 =	simm.s32 $0x108;
	s8 =	sld [smem:$0x3FB7]  }
0x2e: {  	s3 =	simm.s32 @!p0 $0x1082;
	s9 =	sld [smem:$0x3FB8]  }
0x2f: {  	lr =	sadd.s32 s0, s3;
	s0 =	sld [smem:$0x3FAF]  }
0x30: {  	s3 =	sld [smem:$0x3FB2]  }
0x31: {  	[smem:$0x3FBB] =	sst s10  }
0x32: {  	s10 =	sld [smem:$0x3FB9];
	_ =	sdelay $0x3  }
0x33: {  	p0 =	seq.s32 s10, $0x1;
	s10 =	sld [smem:$0x3FBB];
	_ =	sdelay $0x3  }
0x34: {  	[smem:$0x3FBB] =	sst s10  }
0x35: {  	s10 =	sld [smem:$0x3FBA];
	_ =	sdelay $0x3  }
0x36: {  	p1 =	seq.s32 s10, $0x1;
	s10 =	sld [smem:$0x3FBB];
	_ =	sdelay $0x3  }
0x37: {  	[smem:$0x3FBB] =	sst s10  }
0x38: {  	s10 =	sld [smem:$0x3FBC]  }
0x39: {  	_ = 	snop;
	(pc) =	sbr.ind lr, $3  }
0x3a: {  	_ = 	snop  }
0x3b: {  	_ = 	snop  }
0x3c: {  	p2 =	seq.s32 s10, $0x1;
	s10 =	sld [smem:$0x3FBB]  }
0x3d: {  	_ =	shalt  }
0x3e: {  	_ =	shalt  }
0x3f: {  	_ =	shalt  }
0x40: {  	_ =	shalt  }
0x41: {  	_ =	shalt  }
0x42: {  	_ =	shalt  }
0x43: {  	_ =	shalt  }
0x44: {  	_ =	shalt  }
0x45: {  	_ =	shalt  }
0x46: {  	_ =	shalt  }
0x47: {  	_ =	shalt  }
0x48: {  	_ =	shalt  }
0x49: {  	_ =	shalt  }
0x4a: {  	_ =	shalt  }
0x4b: {  	_ =	shalt  }
0x4c: {  	_ =	shalt  }
0x4d: {  	_ =	shalt  }
0x4e: {  	_ =	shalt  }
0x4f: {  	_ =	shalt  }
0x50: {  	_ =	shalt  }
0x51: {  	_ =	shalt  }
0x52: {  	_ =	shalt  }
0x53: {  	_ =	shalt  }
0x54: {  	_ =	shalt  }
0x55: {  	_ =	shalt  }
0x56: {  	_ =	shalt  }
0x57: {  	_ =	shalt  }
0x58: {  	_ =	shalt  }
0x59: {  	_ =	shalt  }
0x5a: {  	_ =	shalt  }
0x5b: {  	_ =	shalt  }
0x5c: {  	_ =	shalt  }
0x5d: {  	_ =	shalt  }
0x5e: {  	_ =	shalt  }
0x5f: {  	_ =	shalt  }
0x60: {  	_ =	shalt  }
0x61: {  	_ =	shalt  }
0x62: {  	_ =	shalt  }
0x63: {  	_ =	shalt  }
0x64: {  	_ =	shalt  }
0x65: {  	_ =	shalt  }
0x66: {  	_ =	shalt  }
0x67: {  	_ =	shalt  }
0x68: {  	_ =	shalt  }
0x69: {  	_ =	shalt  }
0x6a: {  	_ =	shalt  }
0x6b: {  	_ =	shalt  }
0x6c: {  	_ =	shalt  }
0x6d: {  	_ =	shalt  }
0x6e: {  	_ =	shalt  }
0x6f: {  	_ =	shalt  }
0x70: {  	_ =	shalt  }
0x71: {  	_ =	shalt  }
0x72: {  	_ =	shalt  }
0x73: {  	_ =	shalt  }
0x74: {  	_ =	shalt  }
0x75: {  	_ =	shalt  }
0x76: {  	_ =	shalt  }
0x77: {  	_ =	shalt  }
0x78: {  	_ =	shalt  }
0x79: {  	_ =	shalt  }
0x7a: {  	_ =	shalt  }
0x7b: {  	_ =	shalt  }
0x7c: {  	_ =	shalt  }
0x7d: {  	_ =	shalt  }
0x7e: {  	_ =	shalt  }
0x7f: {  	_ =	shalt  }
0x80: {  	_ =	shalt  }
0x81: {  	_ =	shalt  }
0x82: {  	_ =	shalt  }
0x83: {  	_ =	shalt  }
0x84: {  	_ =	shalt  }
0x85: {  	_ =	shalt  }
0x86: {  	_ =	shalt  }
0x87: {  	_ =	shalt  }
.Lfunc_end0:
.L_simem_size_0:
called_computation.1_lowered:
.L_overlay_start_0:
0x88: {  	s2 =	sld [smem:$0x3FD9]  }
0x89: {  	s3 =	sld [smem:$0x3FFE];
	_ =	sdelay $0x1  }
0x8a: {  	s1 =	srdreg.scid  }
0x8b: {  	s0 =	sand.u32 $0x1, s1  }
0x8c: {  	s17 =	sshll.u32 s0, $0xA;
	s2 =	sadd.s32 s3, s2  }
0x8d: {  	s2 =	sadd.s32 s2, s17  }
0x8e: {  	[smem:$0x3FC7] =	sst s2  }
0x8f: {  	_ = 	snop  }
0x90: {  	s2 =	sld [smem:$0x3FC9]  }
0x91: {  	s18 =	sld [smem:$0x3FD0];
	(tm) =	ssettm $0x1  }
0x92: {  	s4 =	sld [smem:$0x3FFB];
	_ =	sdelay $0x3  }
0x93: {  	_ =	strace s4  }
0x94: {  	s4 =	sld [smem:$0x3FFC];
	_ =	sdelay $0x3  }
0x95: {  	_ =	strace s4  }
0x96: {  	s4 =	sld [smem:$0x3FFD];
	_ =	sdelay $0x3  }
0x97: {  	_ =	strace s4  }
0x98: {  	_ =	strace $0x8FFFFFFF  }
0x99: {  	s19 =	sld [smem:$0x3FDB];
	_ =	sdelay $0x1  }
0x9a: {  	s5 =	simm.s32 $_scs_section_size  }
0x9b: {  	s6 =	simm.s32 $_size__tile_overlayer_lowered;
	s7 =	simm.s32 $_tile_overlayer_lowered  }
0x9c: {  	s22 =	simm.s32 $0x1BFF;
	s21 =	sshll.u32 s7, $0x1;
	s4 =	sadd.s32 s5, s19  }
0x9d: {  	s8 =	simm.s32 $0x0;
	s20 =	sshll.u32 s6, $0x1;
	s6 =	sadd.s32 s21, s4  }
0x9e: {  	[timem:s8], [sflag:s22] =	dma.local [hbm:s6], s20  }
0x9f: {  	_ =	swait.ge [sflag:s22], s20  }
0xa0: {  	s5 =	ssub.s32 $0x0, s20;
	[sflag:s22] =	ssyncset.done $0x0  }
0xa1: {  	[sflag:s22] =	ssyncadd.s32 s5;
	_ =	sdelay $0x1  }
0xa2: {  	s23 =	simm.s32 $0x1B8B  }
0xa3: {  	_ =	swait.ge [sflag:s23], $0x1  }
0xa4: {  	[sflag:s23] =	ssyncset.done $0x0  }
0xa5: {  	s25 =	simm.s32 $0x1B8E;
	s24 =	sld [smem:$0x3FFE];
	[sflag:s23] =	ssyncadd.s32 $0xFFFFFFFF  }
0xa6: {  	s26 =	simm.s32 $execute0_lowered;
	[smem:$0x3FD2] =	sst s25  }
0xa7: {  	s6 =	sshll.u32 s26, $0x1;
	_ =	strace $0x80000049;
	[dreg:$0x1] =	wrdreg $0xFFFFFFFF  }
0xa8: {  	s28 =	simm.s32 $_size_execute0_lowered;
	s4 =	sadd.s32 s4, s6;
	[dreg:$0x0] =	wrdreg $0x0  }
0xa9: {  	s6 =	sshll.u32 s28, $0x1;
	[dreg:$0x2] =	wrdreg s4  }
0xaa: {  	[dreg:$0x3] =	wrdreg s6  }
0xab: {  	[dreg:$0x4] =	wrdreg $0xC0  }
0xac: {  	_ =	task [dreg:s8], $0x5FFFF  }
0xad: {  	[dreg:$0x1] =	wrdreg $0xFFFFFFFF  }
0xae: {  	[dreg:$0x0] =	wrdreg $0x60  }
0xaf: {  	[dreg:$0x2] =	wrdreg s2  }
0xb0: {  	[dreg:$0x3] =	wrdreg s24  }
0xb1: {  	[dreg:$0x4] =	wrdreg s18  }
0xb2: {  	[dreg:$0x5] =	wrdreg $0x9  }
0xb3: {  	_ =	task.clear_ibuf [dreg:s8], $0x6FFFF;
	_ =	strace $0x90000049  }
0xb4: {  	s29 =	simm.s32 $0x9;
	_ =	strace $0x8000004B  }
0xb5: {  	_ =	swait.ge [sflag:s29], $0x1  }
0xb6: {  	[sflag:s29] =	ssyncadd.s32 $0xFFFFFFFF  }
0xb7: {  	_ =	strace $0x9000004B  }
0xb8: {  	_ =	sfence  }
0xb9: {  	s30 =	sld [smem:$0x0];
	_ =	sdelay $0x2  }
0xba: {  	s31 =	sshll.u32 s1, $0xD;
	s1 =	sshrl.u32 s1, $0x2  }
0xbb: {  	s3 =	sand.u32 $0x4000, s31;
	s1 =	sadd.s32 s1, s30  }
0xbc: {  	s0 =	sor.u32 s3, s0;
	s1 =	sshll.u32 s1, $0x11  }
0xbd: {  	s0 =	sor.u32 s1, s0  }
0xbe: {  	s0 =	sadd.s32 $0x8F2B, s0  }
0xbf: {  	[sflag:s0] =	ssyncadd.remote.s32 $0x1  }
0xc0: {  	_ =	sfence.sel $0xFFFF  }
0xc1: {  	[dreg:$0x0] =	wrdreg $0xFFFFFFFF;
	(pc) =	sbr.abs _section_cstart, $3  }
0xc2: {  	[dreg:$0x1] =	wrdreg $0xFFFFFFFF  }
0xc3: {  	_ =	task.clear_ibuf [dreg:s8], $0x2FFFF;
	_ =	strace $0x9FFFFFFF  }
0xc4: {  	(tm) =	ssettm $0x7FFFFFFF  }
0xc5: {  	_ =	shalt  }
tec
execute0_lowered:
.L_overlay_start_1:
0x0: {  	(tag) =	ssettag $0x1  }
0x1: {  	s1 =	rddreg [dreg:$0x0]  }
0x2: {  	s5 =	rddreg [dreg:$0x1]  }
0x3: {  	s2 =	rddreg [dreg:$0x2]  }
0x4: {  	s0 =	rddreg [dreg:$0x3]  }
0x5: {  	s4 =	simm.s32 $0x0;
	s6 =	srdreg.scid;
	s3 =	stileid.u32  }
0x6: {  	s12 =	simm.s32 $0x10000;
	s13 =	simm.s32 $0x5;
	s14 =	simm.s32 $0x4000  }
0x7: {  	s15 =	simm.s32 $0x1;
	s16 =	simm.s32 $0x8000;
	s17 =	simm.s32 $0x2  }
0x8: {  	s18 =	simm.s32 $0x4;
	s19 =	simm.s32 $0xC000;
	s20 =	simm.s32 $0x3  }
0x9: {  	s21 =	simm.s32 $0x0;
	[smem:$0x7FF] =	sst s4;
	s6 =	sand.u32 $0x1, s6  }
.Ltmp0:
0xa: {  	s7 =	sshll.u32 s3, $0x8;
	s8 =	sshll.u32 s6, $0x7;
	(pc) =	sbr.rel .LBB2_1-.Ltmp0, $4  }
0xb: {  	s5 =	sadd.s32 $0x800, s5;
	s9 =	ssub.s32 $0x2, s6;
	s6 =	sor.u32 s8, s7  }
0xc: {  	_ =	strace $0x8000004A;
	s31 =	sshrl.u32 s9, $0x1;
	s10 =	sshll.u32 s6, $0x9  }
0xd: {  	s7 =	sadd.s32 $0x800, s1;
	s11 =	ssub.s32 s9, s31;
	s8 =	sadd.s32 s1, s10  }
0xe: {  	s9 =	sadd.s32 s10, s7;
	s10 =	sadd.s32 $0x800, s2;
	s11 =	smax.u32 s11, $0x1  }
.LBB2_76:
0xf: {  	s21 =	sadd.s32 $0x1, s21  }
0x10: {  	_ =	swait.ge [sflag:s20], $0x4000;
	p0 =	sne.s32 s21, s11  }
.Ltmp1:
0x11: {  	[sflag:s20] =	ssyncset.done $0x0;
	(pc) =	sbr.rel @!p0 .LBB2_77-.Ltmp1, $4  }
0x12: {  	[sflag:s20] =	ssyncadd.s32 $0xFFFFC000  }
0x13: {  	_ =	swait.ge [sflag:s18], $0x4000  }
0x14: {  	[sflag:s18] =	ssyncset.done $0x0  }
0x15: {  	[sflag:s18] =	ssyncadd.s32 $0xFFFFC000  }
.LBB2_1:
0x16: {  	[tilespmem:s12], [sflag:$0x5] =	stream.linear.gather [hbm4b:s5+s4], $0x200, $0x38;
	[tilespmem:$0x10200] =	vst v63  }
0x17: {  	_ =	swait.ge [sflag:s13], $0x200  }
0x18: {  	[sflag:s13] =	ssyncset.done $0x0  }
0x19: {  	[sflag:s13] =	ssyncadd.s32 $0xFFFFFE00  }
0x1a: {  	v0 =	vld [tilespmem:$0x10000]  }
0x1b: {  	v1 =	vld [tilespmem:$0x10010]  }
0x1c: {  	v2 =	vld [tilespmem:$0x10020]  }
0x1d: {  	v3 =	vld [tilespmem:$0x10030]  }
0x1e: {  	v4 =	vld [tilespmem:$0x10040]  }
0x1f: {  	v5 =	vld [tilespmem:$0x10050]  }
0x20: {  	v0 =	vmax.f32 v0, v1;
	v1 =	vld [tilespmem:$0x10060]  }
0x21: {  	v0 =	vmax.f32 v0, v2;
	v2 =	vld [tilespmem:$0x10070]  }
0x22: {  	v0 =	vmax.f32 v0, v3;
	v3 =	vld [tilespmem:$0x10080]  }
0x23: {  	v54 =	vld [tilespmem:$0x10090];
	v0 =	vmax.f32 v0, v4  }
0x24: {  	v55 =	vld [tilespmem:$0x100A0];
	v0 =	vmax.f32 v0, v5  }
0x25: {  	v0 =	vmax.f32 v0, v1;
	v1 =	vld [tilespmem:$0x100B0]  }
0x26: {  	v0 =	vmax.f32 v0, v2;
	v2 =	vld [tilespmem:$0x100C0]  }
0x27: {  	v0 =	vmax.f32 v0, v3;
	v3 =	vld [tilespmem:$0x100D0]  }
0x28: {  	v56 =	vld [tilespmem:$0x100E0];
	v0 =	vmax.f32 v0, v54  }
0x29: {  	v57 =	vld [tilespmem:$0x100F0];
	v0 =	vmax.f32 v0, v55  }
0x2a: {  	v0 =	vmax.f32 v0, v1;
	v1 =	vld [tilespmem:$0x10100]  }
0x2b: {  	v0 =	vmax.f32 v0, v2;
	v2 =	vld [tilespmem:$0x10110]  }
0x2c: {  	v0 =	vmax.f32 v0, v3;
	v3 =	vld [tilespmem:$0x10120]  }
0x2d: {  	v58 =	vld [tilespmem:$0x10130];
	v0 =	vmax.f32 v0, v56  }
0x2e: {  	v59 =	vld [tilespmem:$0x10140];
	v0 =	vmax.f32 v0, v57  }
0x2f: {  	v0 =	vmax.f32 v0, v1;
	v1 =	vld [tilespmem:$0x10150]  }
0x30: {  	v0 =	vmax.f32 v0, v2;
	v2 =	vld [tilespmem:$0x10160]  }
0x31: {  	v0 =	vmax.f32 v0, v3;
	v3 =	vld [tilespmem:$0x10170]  }
0x32: {  	v60 =	vld [tilespmem:$0x10180];
	v0 =	vmax.f32 v0, v58  }
0x33: {  	v61 =	vld [tilespmem:$0x10190];
	v0 =	vmax.f32 v0, v59  }
0x34: {  	v0 =	vmax.f32 v0, v1;
	v1 =	vld [tilespmem:$0x101A0]  }
0x35: {  	v0 =	vmax.f32 v0, v2;
	v2 =	vld [tilespmem:$0x101B0]  }
0x36: {  	v0 =	vmax.f32 v0, v3;
	v3 =	vld [tilespmem:$0x101C0]  }
0x37: {  	v62 =	vld [tilespmem:$0x101D0];
	v0 =	vmax.f32 v0, v60  }
0x38: {  	v63 =	vld [tilespmem:$0x101E0];
	v0 =	vmax.f32 v0, v61  }
0x39: {  	v0 =	vmax.f32 v0, v1;
	v1 =	vld [tilespmem:$0x101F0]  }
0x3a: {  	v0 =	vmax.f32 v0, v2  }
0x3b: {  	v0 =	vmax.f32 v0, v3  }
0x3c: {  	v0 =	vmax.f32 v0, v62  }
0x3d: {  	v0 =	vmax.f32 v0, v63  }
0x3e: {  	v0 =	vmax.f32 v0, v1  }
0x3f: {  	(v2sf) =	vpush v0, $0x0  }
0x40: {  	(v2sf) =	vpush v0, $0x1  }
0x41: {  	(v2sf) =	vpush v0, $0x2  }
0x42: {  	(v2sf) =	vpush v0, $0x3  }
0x43: {  	(v2sf) =	vpush v0, $0x4  }
0x44: {  	(v2sf) =	vpush v0, $0x5  }
0x45: {  	(v2sf) =	vpush v0, $0x6  }
0x46: {  	(v2sf) =	vpush v0, $0x7  }
0x47: {  	(v2sf) =	vpush v0, $0x8  }
0x48: {  	(v2sf) =	vpush v0, $0x9  }
0x49: {  	(v2sf) =	vpush v0, $0xA  }
0x4a: {  	(v2sf) =	vpush v0, $0xB  }
0x4b: {  	(v2sf) =	vpush v0, $0xC  }
0x4c: {  	(v2sf) =	vpush v0, $0xD  }
0x4d: {  	(v2sf) =	vpush v0, $0xE  }
0x4e: {  	s22 =	spop (v2sf);
	(v2sf) =	vpush v0, $0xF  }
0x4f: {  	s23 =	spop (v2sf)  }
0x50: {  	s22 =	smax.f32 s22, s23;
	s24 =	spop (v2sf)  }
0x51: {  	s22 =	smax.f32 s22, s24;
	s25 =	spop (v2sf)  }
0x52: {  	s22 =	smax.f32 s22, s25;
	s26 =	spop (v2sf)  }
0x53: {  	s22 =	smax.f32 s22, s26;
	s28 =	spop (v2sf)  }
0x54: {  	s22 =	smax.f32 s22, s28;
	s29 =	spop (v2sf)  }
0x55: {  	s22 =	smax.f32 s22, s29;
	s30 =	spop (v2sf)  }
0x56: {  	s22 =	smax.f32 s22, s30;
	s31 =	spop (v2sf)  }
0x57: {  	s22 =	smax.f32 s22, s31;
	s24 =	spop (v2sf)  }
0x58: {  	s22 =	smax.f32 s22, s24;
	s25 =	spop (v2sf)  }
0x59: {  	s22 =	smax.f32 s22, s25;
	s26 =	spop (v2sf)  }
0x5a: {  	s22 =	smax.f32 s22, s26;
	s28 =	spop (v2sf)  }
0x5b: {  	s22 =	smax.f32 s22, s28;
	s29 =	spop (v2sf)  }
0x5c: {  	s22 =	smax.f32 s22, s29;
	s30 =	spop (v2sf)  }
0x5d: {  	s22 =	smax.f32 s22, s30;
	s31 =	spop (v2sf)  }
0x5e: {  	s22 =	smax.f32 s22, s31  }
0x5f: {  	v0 =	vmov s22  }
0x60: {  	v0 =	vmul.f32 $7.874015710e-03, v0;
	_ =	sdelay $0x1  }
0x61: {  	v0 =	vbroadcast v0, $0x0;
	_ =	sdelay $0x1  }
0x62: {  	v1 =	vsub.s32 $0x7EB53567, v0  }
0x63: {  	v2 =	vmul.f32 v1, v0;
	_ =	sdelay $0x1  }
0x64: {  	v2 =	vsub.f32 $2.000000000e+00, v2;
	_ =	sdelay $0x1  }
0x65: {  	v1 =	vmul.f32 v1, v2;
	_ =	sdelay $0x1  }
0x66: {  	v2 =	vmul.f32 v1, v0;
	_ =	sdelay $0x1  }
0x67: {  	v2 =	vsub.f32 $2.000000000e+00, v2;
	_ =	sdelay $0x1  }
0x68: {  	v1 =	vmul.f32 v2, v1;
	_ =	sdelay $0x1  }
0x69: {  	v2 =	vmul.f32 v1, v0;
	_ =	sdelay $0x1  }
0x6a: {  	v2 =	vsub.f32 $2.000000000e+00, v2;
	_ =	sdelay $0x1  }
0x6b: {  	v1 =	vmul.f32 v2, v1;
	_ =	sdelay $0x1  }
0x6c: {  	v2 =	vmul.f32 v1, v0;
	_ =	sdelay $0x1  }
0x6d: {  	[tilespmem:s4], [sflag:$0x1] =	stream.linear.gather [hbm4b:s8+s4], $0x4000, $0x38;
	v2 =	vsub.f32 $2.000000000e+00, v2;
	[tilespmem:$0x10200] =	vst v63  }
0x6e: {  	_ = 	snop  }
0x6f: {  	[tilespmem:s14], [sflag:$0x2] =	stream.linear.gather [hbm4b:s9+s4], $0x4000, $0x38;
	v1 =	vmul.f32 v2, v1;
	[tilespmem:$0x10200] =	vst v63  }
0x70: {  	s22 =	simm.s32 $0x0  }
.LBB2_2:
0x71: {  	_ =	swait.ge [sflag:s15], $0x4000  }
0x72: {  	p0 =	seq.s32 s22, $0x0;
	[sflag:s15] =	ssyncset.done $0x0  }
0x73: {  	s23 =	simm.s32 @!p0 $0x3;
	[sflag:s15] =	ssyncadd.s32 $0xFFFFC000  }
0x74: {  	_ =	swait.ge @!p0 [sflag:s23], $0x4000  }
0x75: {  	[sflag:s23] =	ssyncset.done @!p0 $0x0  }
0x76: {  	s31 =	simm.s32 $0x40;
	[sflag:s23] =	ssyncadd.s32 @!p0 $0xFFFFC000  }
0x77: {  	v2 =	vld [tilespmem:s31+$0x30]  }
0x78: {  	v3 =	vld [tilespmem:s31+$0xFFFFFFD0]  }
0x79: {  	v4 =	vld [tilespmem:s31+$0xFFFFFFE0]  }
0x7a: {  	v5 =	vld [tilespmem:s31+$0xFFFFFFF0]  }
0x7b: {  	v6 =	vld [tilespmem:s31+$0x0]  }
0x7c: {  	v7 =	vld [tilespmem:s31+$0x10]  }
0x7d: {  	v9 =	vld [tilespmem:s31+$0xFFFFFFC0];
	v2 =	vmul.f32 v2, v1;
	_ =	sdelay $0x1  }
0x7e: {  	v3 =	vmul.f32 v3, v1;
	v4 =	vmul.f32 v4, v1;
	v2 =	vadd.f32 $1.258291200e+07, v2  }
0x7f: {  	v5 =	vmul.f32 v5, v1;
	v6 =	vmul.f32 v6, v1  }
0x80: {  	v8 =	vld [tilespmem:s31+$0x20];
	v7 =	vmul.f32 v7, v1;
	v3 =	vadd.f32 $1.258291200e+07, v3;
	v2 =	vadd.f32 $-1.258291200e+07, v2  }
0x81: {  	s26 =	simm.s32 $0x440;
	v9 =	vmul.f32 v9, v1;
	v4 =	vadd.f32 $1.258291200e+07, v4;
	v5 =	vadd.f32 $1.258291200e+07, v5  }
0x82: {  	v10 =	vld [tilespmem:s26+$0x30];
	v6 =	vadd.f32 $1.258291200e+07, v6;
	v3 =	vadd.f32 $-1.258291200e+07, v3;
	v2 =	vmul.f32 v2, v0  }
0x83: {  	s24 =	simm.s32 $0x8040;
	v11 =	vld [tilespmem:s26+$0xFFFFFFD0];
	v9 =	vadd.f32 $1.258291200e+07, v9;
	v4 =	vadd.f32 $-1.258291200e+07, v4  }
0x84: {  	v7 =	vadd.f32 $1.258291200e+07, v7;
	v5 =	vadd.f32 $-1.258291200e+07, v5;
	v3 =	vmul.f32 v3, v0;
	[tilespmem:s24+$0x30] =	vst v2;
	v2 =	vld [tilespmem:s26+$0xFFFFFFF0]  }
0x85: {  	v12 =	vld [tilespmem:s26+$0xFFFFFFE0];
	v8 =	vmul.f32 v8, v1;
	v9 =	vadd.f32 $-1.258291200e+07, v9;
	v4 =	vmul.f32 v4, v0  }
0x86: {  	v6 =	vadd.f32 $-1.258291200e+07, v6;
	[tilespmem:s24+$0xFFFFFFD0] =	vst v3;
	v3 =	vmul.f32 v5, v0;
	v5 =	vadd.f32 $-1.258291200e+07, v7  }
0x87: {  	v13 =	vld [tilespmem:s26+$0x0];
	v8 =	vadd.f32 $1.258291200e+07, v8;
	v9 =	vmul.f32 v9, v0;
	v7 =	vmul.f32 v10, v1;
	[tilespmem:s24+$0xFFFFFFE0] =	vst v4  }
0x88: {  	v14 =	vld [tilespmem:s26+$0x10];
	v4 =	vmul.f32 v6, v0;
	[tilespmem:s24+$0xFFFFFFF0] =	vst v3;
	v3 =	vmul.f32 v5, v0  }
0x89: {  	v6 =	vadd.f32 $-1.258291200e+07, v8;
	v8 =	vmul.f32 v11, v1;
	v11 =	vmul.f32 v2, v1;
	v2 =	vld [tilespmem:s26+$0x20]  }
0x8a: {  	v5 =	vmul.f32 v12, v1;
	v7 =	vadd.f32 $1.258291200e+07, v7;
	[tilespmem:s24+$0x10] =	vst v3;
	v3 =	vld [tilespmem:s26+$0xFFFFFFC0]  }
0x8b: {  	[tilespmem:s24+$0xFFFFFFC0] =	vst v9;
	v10 =	vadd.f32 $1.258291200e+07, v8;
	v63 =	vmul.f32 v6, v0  }
0x8c: {  	[tilespmem:s24+$0x0] =	vst v4;
	v8 =	vmul.f32 v13, v1;
	v4 =	vadd.f32 $1.258291200e+07, v5;
	v7 =	vadd.f32 $-1.258291200e+07, v7  }
0x8d: {  	s25 =	simm.s32 $0x8;
	s23 =	sshll.u32 s22, $0x1;
	v9 =	vmul.f32 v14, v1;
	v5 =	vadd.f32 $-1.258291200e+07, v10;
	[tilespmem:s24+$0x20] =	vst v63;
	s26 =	simm.s32 $0x840;
	v6 =	vadd.f32 $1.258291200e+07, v11  }
.LBB2_3:
0x8e: {  	v10 =	vld [tilespmem:s26+$0x30];
	s25 =	sadd.s32 $0x8, s25;
	v8 =	vadd.f32 $1.258291200e+07, v8;
	v2 =	vmul.f32 v2, v1;
	v7 =	vmul.f32 v7, v0  }
0x8f: {  	v4 =	vadd.f32 $-1.258291200e+07, v4;
	s24 =	sadd.s32 $0x400, s24;
	v11 =	vld [tilespmem:s26+$0xFFFFFFD0];
	p1 =	slt.u32 s25, $0x78;
	v3 =	vmul.f32 v3, v1;
	v9 =	vadd.f32 $1.258291200e+07, v9  }
0x90: {  	v5 =	vmul.f32 v5, v0;
	v6 =	vadd.f32 $-1.258291200e+07, v6;
	v12 =	vld [tilespmem:s26+$0xFFFFFFE0];
	v2 =	vadd.f32 $1.258291200e+07, v2;
	[tilespmem:s24+$0x30] =	vst v7  }
0x91: {  	v4 =	vmul.f32 v4, v0;
	v8 =	vadd.f32 $-1.258291200e+07, v8;
	v7 =	vld [tilespmem:s26+$0xFFFFFFF0];
	v3 =	vadd.f32 $1.258291200e+07, v3  }
0x92: {  	v13 =	vld [tilespmem:s26+$0x0];
	[tilespmem:s24+$0xFFFFFFD0] =	vst v5;
	v5 =	vmul.f32 v6, v0;
	v6 =	vadd.f32 $-1.258291200e+07, v9;
	v9 =	vadd.f32 $-1.258291200e+07, v2  }
0x93: {  	v14 =	vld [tilespmem:s26+$0x10];
	v10 =	vmul.f32 v10, v1;
	v15 =	vadd.f32 $-1.258291200e+07, v3;
	[tilespmem:s24+$0xFFFFFFE0] =	vst v4;
	v4 =	vmul.f32 v8, v0  }
.Ltmp2:
0x94: {  	v8 =	vmul.f32 v11, v1;
	v2 =	vld [tilespmem:s26+$0x20];
	[tilespmem:s24+$0xFFFFFFF0] =	vst v5;
	v5 =	vmul.f32 v6, v0;
	(pc) =	sbr.rel @p1 .LBB2_3-.Ltmp2, $4  }
0x95: {  	v3 =	vld [tilespmem:s26+$0xFFFFFFC0];
	v6 =	vmul.f32 v12, v1;
	v10 =	vadd.f32 $1.258291200e+07, v10;
	v11 =	vmul.f32 v15, v0;
	[tilespmem:s24+$0x0] =	vst v4  }
0x96: {  	v16 =	vmul.f32 v9, v0;
	v12 =	vadd.f32 $1.258291200e+07, v8;
	v15 =	vmul.f32 v7, v1;
	[tilespmem:s24+$0x10] =	vst v5  }
0x97: {  	v4 =	vadd.f32 $1.258291200e+07, v6;
	v8 =	vmul.f32 v13, v1;
	v7 =	vadd.f32 $-1.258291200e+07, v10;
	[tilespmem:s24+$0xFFFFFFC0] =	vst v11  }
0x98: {  	s26 =	sadd.s32 $0x400, s26;
	v5 =	vadd.f32 $-1.258291200e+07, v12;
	v6 =	vadd.f32 $1.258291200e+07, v15;
	v9 =	vmul.f32 v14, v1;
	[tilespmem:s24+$0x20] =	vst v16  }
0x99: {  	v8 =	vadd.f32 $1.258291200e+07, v8;
	v2 =	vmul.f32 v2, v1  }
0x9a: {  	v7 =	vmul.f32 v7, v0;
	v4 =	vadd.f32 $-1.258291200e+07, v4;
	v3 =	vmul.f32 v3, v1  }
0x9b: {  	s24 =	sadd.s32 $0x400, s24;
	v9 =	vadd.f32 $1.258291200e+07, v9;
	v5 =	vmul.f32 v5, v0;
	v6 =	vadd.f32 $-1.258291200e+07, v6  }
0x9c: {  	[tilespmem:s24+$0x30] =	vst v7;
	v4 =	vmul.f32 v4, v0;
	v7 =	vadd.f32 $-1.258291200e+07, v8;
	v2 =	vadd.f32 $1.258291200e+07, v2  }
0x9d: {  	v3 =	vadd.f32 $1.258291200e+07, v3;
	[tilespmem:s24+$0xFFFFFFD0] =	vst v5;
	v5 =	vmul.f32 v6, v0;
	v6 =	vadd.f32 $-1.258291200e+07, v9  }
0x9e: {  	[tilespmem:s24+$0xFFFFFFE0] =	vst v4;
	v4 =	vmul.f32 v7, v0;
	v2 =	vadd.f32 $-1.258291200e+07, v2  }
0x9f: {  	v3 =	vadd.f32 $-1.258291200e+07, v3;
	[tilespmem:s24+$0xFFFFFFF0] =	vst v5;
	v5 =	vmul.f32 v6, v0  }
0xa0: {  	[tilespmem:s24+$0x0] =	vst v4;
	v2 =	vmul.f32 v2, v0  }
0xa1: {  	v3 =	vmul.f32 v3, v0;
	[tilespmem:s24+$0x10] =	vst v5  }
0xa2: {  	[tilespmem:s24+$0x20] =	vst v2  }
0xa3: {  	s25 =	simm.s32 $0xF0;
	[tilespmem:s24+$0xFFFFFFC0] =	vst v3  }
0xa4: {  	v2 =	vld [tilespmem:s25+$0x0]  }
0xa5: {  	v3 =	vld [tilespmem:s25+$0xFFFFFFA0]  }
0xa6: {  	v4 =	vld [tilespmem:s25+$0xFFFFFFB0]  }
0xa7: {  	v5 =	vld [tilespmem:s25+$0xFFFFFFC0]  }
0xa8: {  	v6 =	vld [tilespmem:s25+$0xFFFFFFD0]  }
0xa9: {  	v7 =	vld [tilespmem:s25+$0xFFFFFFE0]  }
0xaa: {  	v9 =	vld [tilespmem:s25+$0xFFFFFF90];
	v2 =	vmul.f32 v2, v1;
	_ =	sdelay $0x1  }
0xab: {  	v3 =	vmul.f32 v3, v1;
	v4 =	vmul.f32 v4, v1;
	v2 =	vadd.f32 $1.258291200e+07, v2  }
0xac: {  	v5 =	vmul.f32 v5, v1;
	v6 =	vmul.f32 v6, v1  }
0xad: {  	v8 =	vld [tilespmem:s25+$0xFFFFFFF0];
	v7 =	vmul.f32 v7, v1;
	v3 =	vadd.f32 $1.258291200e+07, v3;
	v2 =	vadd.f32 $-1.258291200e+07, v2  }
0xae: {  	s26 =	simm.s32 $0x4F0;
	v9 =	vmul.f32 v9, v1;
	v4 =	vadd.f32 $1.258291200e+07, v4;
	v5 =	vadd.f32 $1.258291200e+07, v5  }
0xaf: {  	v10 =	vld [tilespmem:s26+$0x0];
	v6 =	vadd.f32 $1.258291200e+07, v6;
	v3 =	vadd.f32 $-1.258291200e+07, v3;
	v2 =	vmul.f32 v2, v0  }
0xb0: {  	s24 =	simm.s32 $0x80F0;
	v11 =	vld [tilespmem:s26+$0xFFFFFFA0];
	v9 =	vadd.f32 $1.258291200e+07, v9;
	v4 =	vadd.f32 $-1.258291200e+07, v4  }
0xb1: {  	v7 =	vadd.f32 $1.258291200e+07, v7;
	v5 =	vadd.f32 $-1.258291200e+07, v5;
	v3 =	vmul.f32 v3, v0;
	[tilespmem:s24+$0x0] =	vst v2;
	v2 =	vld [tilespmem:s26+$0xFFFFFFC0]  }
0xb2: {  	v12 =	vld [tilespmem:s26+$0xFFFFFFB0];
	v8 =	vmul.f32 v8, v1;
	v9 =	vadd.f32 $-1.258291200e+07, v9;
	v4 =	vmul.f32 v4, v0  }
0xb3: {  	v6 =	vadd.f32 $-1.258291200e+07, v6;
	[tilespmem:s24+$0xFFFFFFA0] =	vst v3;
	v3 =	vmul.f32 v5, v0;
	v5 =	vadd.f32 $-1.258291200e+07, v7  }
0xb4: {  	v13 =	vld [tilespmem:s26+$0xFFFFFFD0];
	v8 =	vadd.f32 $1.258291200e+07, v8;
	v9 =	vmul.f32 v9, v0;
	v7 =	vmul.f32 v10, v1;
	[tilespmem:s24+$0xFFFFFFB0] =	vst v4  }
0xb5: {  	v14 =	vld [tilespmem:s26+$0xFFFFFFE0];
	v4 =	vmul.f32 v6, v0;
	[tilespmem:s24+$0xFFFFFFC0] =	vst v3;
	v3 =	vmul.f32 v5, v0  }
0xb6: {  	v6 =	vadd.f32 $-1.258291200e+07, v8;
	v8 =	vmul.f32 v11, v1;
	v11 =	vmul.f32 v2, v1;
	v2 =	vld [tilespmem:s26+$0xFFFFFFF0]  }
0xb7: {  	v5 =	vmul.f32 v12, v1;
	v7 =	vadd.f32 $1.258291200e+07, v7;
	[tilespmem:s24+$0xFFFFFFE0] =	vst v3;
	v3 =	vld [tilespmem:s26+$0xFFFFFF90]  }
0xb8: {  	[tilespmem:s24+$0xFFFFFF90] =	vst v9;
	v10 =	vadd.f32 $1.258291200e+07, v8;
	v63 =	vmul.f32 v6, v0  }
0xb9: {  	[tilespmem:s24+$0xFFFFFFD0] =	vst v4;
	v8 =	vmul.f32 v13, v1;
	v4 =	vadd.f32 $1.258291200e+07, v5;
	v7 =	vadd.f32 $-1.258291200e+07, v7  }
0xba: {  	s25 =	simm.s32 $0x8;
	v9 =	vmul.f32 v14, v1;
	v5 =	vadd.f32 $-1.258291200e+07, v10;
	[tilespmem:s24+$0xFFFFFFF0] =	vst v63;
	s26 =	simm.s32 $0x8F0;
	v6 =	vadd.f32 $1.258291200e+07, v11  }
.LBB2_5:
0xbb: {  	v10 =	vld [tilespmem:s26+$0x0];
	s25 =	sadd.s32 $0x8, s25;
	v8 =	vadd.f32 $1.258291200e+07, v8;
	v2 =	vmul.f32 v2, v1;
	v7 =	vmul.f32 v7, v0  }
0xbc: {  	v4 =	vadd.f32 $-1.258291200e+07, v4;
	s24 =	sadd.s32 $0x400, s24;
	v11 =	vld [tilespmem:s26+$0xFFFFFFA0];
	p1 =	slt.u32 s25, $0x78;
	v3 =	vmul.f32 v3, v1;
	v9 =	vadd.f32 $1.258291200e+07, v9  }
0xbd: {  	v5 =	vmul.f32 v5, v0;
	v6 =	vadd.f32 $-1.258291200e+07, v6;
	v12 =	vld [tilespmem:s26+$0xFFFFFFB0];
	v2 =	vadd.f32 $1.258291200e+07, v2;
	[tilespmem:s24+$0x0] =	vst v7  }
0xbe: {  	v4 =	vmul.f32 v4, v0;
	v8 =	vadd.f32 $-1.258291200e+07, v8;
	v7 =	vld [tilespmem:s26+$0xFFFFFFC0];
	v3 =	vadd.f32 $1.258291200e+07, v3  }
0xbf: {  	v13 =	vld [tilespmem:s26+$0xFFFFFFD0];
	[tilespmem:s24+$0xFFFFFFA0] =	vst v5;
	v5 =	vmul.f32 v6, v0;
	v6 =	vadd.f32 $-1.258291200e+07, v9;
	v9 =	vadd.f32 $-1.258291200e+07, v2  }
0xc0: {  	v14 =	vld [tilespmem:s26+$0xFFFFFFE0];
	v10 =	vmul.f32 v10, v1;
	v15 =	vadd.f32 $-1.258291200e+07, v3;
	[tilespmem:s24+$0xFFFFFFB0] =	vst v4;
	v4 =	vmul.f32 v8, v0  }
.Ltmp3:
0xc1: {  	v8 =	vmul.f32 v11, v1;
	v2 =	vld [tilespmem:s26+$0xFFFFFFF0];
	[tilespmem:s24+$0xFFFFFFC0] =	vst v5;
	v5 =	vmul.f32 v6, v0;
	(pc) =	sbr.rel @p1 .LBB2_5-.Ltmp3, $4  }
0xc2: {  	v3 =	vld [tilespmem:s26+$0xFFFFFF90];
	v6 =	vmul.f32 v12, v1;
	v10 =	vadd.f32 $1.258291200e+07, v10;
	v11 =	vmul.f32 v15, v0;
	[tilespmem:s24+$0xFFFFFFD0] =	vst v4  }
0xc3: {  	v16 =	vmul.f32 v9, v0;
	v12 =	vadd.f32 $1.258291200e+07, v8;
	v15 =	vmul.f32 v7, v1;
	[tilespmem:s24+$0xFFFFFFE0] =	vst v5  }
0xc4: {  	v4 =	vadd.f32 $1.258291200e+07, v6;
	v8 =	vmul.f32 v13, v1;
	v7 =	vadd.f32 $-1.258291200e+07, v10;
	[tilespmem:s24+$0xFFFFFF90] =	vst v11  }
0xc5: {  	s26 =	sadd.s32 $0x400, s26;
	v5 =	vadd.f32 $-1.258291200e+07, v12;
	v6 =	vadd.f32 $1.258291200e+07, v15;
	v9 =	vmul.f32 v14, v1;
	[tilespmem:s24+$0xFFFFFFF0] =	vst v16  }
0xc6: {  	v8 =	vadd.f32 $1.258291200e+07, v8;
	v2 =	vmul.f32 v2, v1  }
0xc7: {  	v7 =	vmul.f32 v7, v0;
	v4 =	vadd.f32 $-1.258291200e+07, v4;
	v3 =	vmul.f32 v3, v1  }
0xc8: {  	s24 =	sadd.s32 $0x400, s24;
	v9 =	vadd.f32 $1.258291200e+07, v9;
	v5 =	vmul.f32 v5, v0;
	v6 =	vadd.f32 $-1.258291200e+07, v6  }
0xc9: {  	[tilespmem:s24+$0x0] =	vst v7;
	v4 =	vmul.f32 v4, v0;
	v7 =	vadd.f32 $-1.258291200e+07, v8;
	v2 =	vadd.f32 $1.258291200e+07, v2  }
0xca: {  	v3 =	vadd.f32 $1.258291200e+07, v3;
	[tilespmem:s24+$0xFFFFFFA0] =	vst v5;
	v5 =	vmul.f32 v6, v0;
	v6 =	vadd.f32 $-1.258291200e+07, v9  }
0xcb: {  	[tilespmem:s24+$0xFFFFFFB0] =	vst v4;
	v4 =	vmul.f32 v7, v0;
	v2 =	vadd.f32 $-1.258291200e+07, v2  }
0xcc: {  	v3 =	vadd.f32 $-1.258291200e+07, v3;
	[tilespmem:s24+$0xFFFFFFC0] =	vst v5;
	v5 =	vmul.f32 v6, v0  }
0xcd: {  	[tilespmem:s24+$0xFFFFFFD0] =	vst v4;
	v2 =	vmul.f32 v2, v0  }
0xce: {  	v3 =	vmul.f32 v3, v0;
	[tilespmem:s24+$0xFFFFFFE0] =	vst v5  }
0xcf: {  	[tilespmem:s24+$0xFFFFFFF0] =	vst v2  }
0xd0: {  	s25 =	simm.s32 $0x170;
	[tilespmem:s24+$0xFFFFFF90] =	vst v3  }
0xd1: {  	v2 =	vld [tilespmem:s25+$0x0]  }
0xd2: {  	v3 =	vld [tilespmem:s25+$0xFFFFFFA0]  }
0xd3: {  	v4 =	vld [tilespmem:s25+$0xFFFFFFB0]  }
0xd4: {  	v5 =	vld [tilespmem:s25+$0xFFFFFFC0];
	_ =	sdelay $0x1  }
0xd5: {  	v6 =	vld [tilespmem:s25+$0xFFFFFFD0]  }
0xd6: {  	p2 =	por $0x1, $0x1;
	v8 =	vld [tilespmem:s25+$0xFFFFFFE0]  }
.Ltmp4:
0xd7: {  	v2 =	vmul.f32 v2, v1;
	v3 =	vmul.f32 v3, v1;
	(pc) =	sbr.rel @!p2 .LBB2_7-.Ltmp4, $4  }
0xd8: {  	v4 =	vmul.f32 v4, v1;
	v11 =	vmul.f32 v5, v1  }
0xd9: {  	v7 =	vadd.f32 $1.258291200e+07, v2;
	v10 =	vadd.f32 $1.258291200e+07, v3  }
0xda: {  	v9 =	vmul.f32 v6, v1;
	v2 =	vld [tilespmem:s25+$0xFFFFFFF0];
	v4 =	vadd.f32 $1.258291200e+07, v4;
	v6 =	vadd.f32 $1.258291200e+07, v11  }
0xdb: {  	s26 =	simm.s32 $0x570;
	p1 =	por $0x0, $0x0;
	s24 =	simm.s32 $0x8170;
	v8 =	vmul.f32 v8, v1;
	v3 =	vld [tilespmem:s25+$0xFFFFFF90];
	v7 =	vadd.f32 $-1.258291200e+07, v7;
	v5 =	vadd.f32 $-1.258291200e+07, v10  }
0xdc: {  	_ =	sdelay $0x3  }
0xdd: {  	v9 =	vadd.f32 $1.258291200e+07, v9;
	v3 =	vmul.f32 v3, v1  }
0xde: {  	v10 =	vld [tilespmem:s26+$0x0];
	v4 =	vadd.f32 $-1.258291200e+07, v4;
	v7 =	vmul.f32 v7, v0;
	v2 =	vmul.f32 v2, v1  }
0xdf: {  	v11 =	vld [tilespmem:s26+$0xFFFFFFA0];
	v6 =	vadd.f32 $-1.258291200e+07, v6;
	v5 =	vmul.f32 v5, v0;
	v3 =	vadd.f32 $1.258291200e+07, v3  }
0xe0: {  	v12 =	vld [tilespmem:s26+$0xFFFFFFB0];
	v4 =	vmul.f32 v4, v0;
	v9 =	vadd.f32 $-1.258291200e+07, v9;
	[tilespmem:s24+$0x0] =	vst v7;
	v2 =	vadd.f32 $1.258291200e+07, v2  }
0xe1: {  	v8 =	vadd.f32 $1.258291200e+07, v8;
	v7 =	vld [tilespmem:s26+$0xFFFFFFC0];
	[tilespmem:s24+$0xFFFFFFA0] =	vst v5;
	v3 =	vadd.f32 $-1.258291200e+07, v3  }
0xe2: {  	v13 =	vld [tilespmem:s26+$0xFFFFFFD0];
	v5 =	vmul.f32 v6, v0;
	[tilespmem:s24+$0xFFFFFFB0] =	vst v4;
	v4 =	vmul.f32 v9, v0;
	v2 =	vadd.f32 $-1.258291200e+07, v2  }
0xe3: {  	p4 =	por $0x1, $0x1;
	v6 =	vadd.f32 $-1.258291200e+07, v8;
	v8 =	vld [tilespmem:s26+$0xFFFFFFE0];
	v10 =	vmul.f32 v10, v1;
	v3 =	vmul.f32 v3, v0  }
.Ltmp5:
0xe4: {  	v9 =	vmul.f32 v11, v1;
	[tilespmem:s24+$0xFFFFFFC0] =	vst v5;
	v14 =	vmul.f32 v2, v0;
	v2 =	vld [tilespmem:s26+$0xFFFFFFF0];
	(pc) =	sbr.rel @!p4 .LBB2_9-.Ltmp5, $4  }
0xe5: {  	v5 =	vmul.f32 v6, v0;
	v6 =	vmul.f32 v12, v1;
	v10 =	vadd.f32 $1.258291200e+07, v10;
	[tilespmem:s24+$0xFFFFFF90] =	vst v3;
	v3 =	vld [tilespmem:s26+$0xFFFFFF90]  }
0xe6: {  	[tilespmem:s24+$0xFFFFFFD0] =	vst v4;
	v11 =	vadd.f32 $1.258291200e+07, v9;
	v63 =	vmul.f32 v7, v1  }
0xe7: {  	s25 =	simm.s32 $0x8;
	[tilespmem:s24+$0xFFFFFFE0] =	vst v5;
	v4 =	vadd.f32 $1.258291200e+07, v6;
	v9 =	vmul.f32 v13, v1;
	v7 =	vadd.f32 $-1.258291200e+07, v10  }
0xe8: {  	s28 =	simm.s32 $0x970;
	p3 =	por $0x1, $0x1;
	v8 =	vmul.f32 v8, v1;
	v5 =	vadd.f32 $-1.258291200e+07, v11;
	v6 =	vadd.f32 $1.258291200e+07, v63;
	[tilespmem:s24+$0xFFFFFFF0] =	vst v14;
	s26 =	simm.s32 $0x8170  }
.LBB2_10:
0xe9: {  	v10 =	vld [tilespmem:s28+$0x0];
	s25 =	sadd.s32 $0x8, s25;
	v9 =	vadd.f32 $1.258291200e+07, v9;
	v2 =	vmul.f32 v2, v1;
	v7 =	vmul.f32 v7, v0  }
0xea: {  	v4 =	vadd.f32 $-1.258291200e+07, v4;
	s26 =	sadd.s32 $0x400, s26;
	v11 =	vld [tilespmem:s28+$0xFFFFFFA0];
	p4 =	slt.u32 s25, $0x78;
	v3 =	vmul.f32 v3, v1;
	v8 =	vadd.f32 $1.258291200e+07, v8  }
0xeb: {  	v5 =	vmul.f32 v5, v0;
	v6 =	vadd.f32 $-1.258291200e+07, v6;
	v12 =	vld [tilespmem:s28+$0xFFFFFFB0];
	v2 =	vadd.f32 $1.258291200e+07, v2;
	[tilespmem:s26+$0x0] =	vst v7  }
0xec: {  	v4 =	vmul.f32 v4, v0;
	v9 =	vadd.f32 $-1.258291200e+07, v9;
	v7 =	vld [tilespmem:s28+$0xFFFFFFC0];
	v3 =	vadd.f32 $1.258291200e+07, v3  }
0xed: {  	v13 =	vld [tilespmem:s28+$0xFFFFFFD0];
	[tilespmem:s26+$0xFFFFFFA0] =	vst v5;
	v5 =	vmul.f32 v6, v0;
	v6 =	vadd.f32 $-1.258291200e+07, v8;
	v8 =	vadd.f32 $-1.258291200e+07, v2  }
0xee: {  	v14 =	vld [tilespmem:s28+$0xFFFFFFE0];
	v10 =	vmul.f32 v10, v1;
	v15 =	vadd.f32 $-1.258291200e+07, v3;
	[tilespmem:s26+$0xFFFFFFB0] =	vst v4;
	v4 =	vmul.f32 v9, v0  }
.Ltmp6:
0xef: {  	v9 =	vmul.f32 v11, v1;
	v2 =	vld [tilespmem:s28+$0xFFFFFFF0];
	[tilespmem:s26+$0xFFFFFFC0] =	vst v5;
	v5 =	vmul.f32 v6, v0;
	(pc) =	sbr.rel @p4 .LBB2_10-.Ltmp6, $4  }
0xf0: {  	v3 =	vld [tilespmem:s28+$0xFFFFFF90];
	v6 =	vmul.f32 v12, v1;
	v10 =	vadd.f32 $1.258291200e+07, v10;
	v11 =	vmul.f32 v15, v0;
	[tilespmem:s26+$0xFFFFFFD0] =	vst v4  }
0xf1: {  	v16 =	vmul.f32 v8, v0;
	v12 =	vadd.f32 $1.258291200e+07, v9;
	v15 =	vmul.f32 v7, v1;
	[tilespmem:s26+$0xFFFFFFE0] =	vst v5  }
0xf2: {  	v4 =	vadd.f32 $1.258291200e+07, v6;
	v9 =	vmul.f32 v13, v1;
	v7 =	vadd.f32 $-1.258291200e+07, v10;
	[tilespmem:s26+$0xFFFFFF90] =	vst v11  }
0xf3: {  	s28 =	sadd.s32 $0x400, s28;
	v5 =	vadd.f32 $-1.258291200e+07, v12;
	v6 =	vadd.f32 $1.258291200e+07, v15;
	v8 =	vmul.f32 v14, v1;
	[tilespmem:s26+$0xFFFFFFF0] =	vst v16  }
.LBB2_11:
0xf4: {  	v9 =	vadd.f32 $1.258291200e+07, v9;
	v2 =	vmul.f32 v2, v1  }
0xf5: {  	v7 =	vmul.f32 v7, v0;
	v4 =	vadd.f32 $-1.258291200e+07, v4;
	s25 =	sadd.s32 @p3 $0x400, s26;
	v3 =	vmul.f32 v3, v1  }
0xf6: {  	v8 =	vadd.f32 $1.258291200e+07, v8;
	v5 =	vmul.f32 v5, v0;
	v6 =	vadd.f32 $-1.258291200e+07, v6;
	s24 =	smov.u32 @p3 s25  }
0xf7: {  	[tilespmem:s24+$0x0] =	vst v7;
	v4 =	vmul.f32 v4, v0;
	v7 =	vadd.f32 $-1.258291200e+07, v9;
	v2 =	vadd.f32 $1.258291200e+07, v2  }
0xf8: {  	v3 =	vadd.f32 $1.258291200e+07, v3;
	[tilespmem:s24+$0xFFFFFFA0] =	vst v5;
	v5 =	vmul.f32 v6, v0;
	v6 =	vadd.f32 $-1.258291200e+07, v8  }
0xf9: {  	[tilespmem:s24+$0xFFFFFFB0] =	vst v4;
	v4 =	vmul.f32 v7, v0;
	v2 =	vadd.f32 $-1.258291200e+07, v2  }
0xfa: {  	v3 =	vadd.f32 $-1.258291200e+07, v3;
	[tilespmem:s24+$0xFFFFFFC0] =	vst v5;
	v5 =	vmul.f32 v6, v0  }
0xfb: {  	[tilespmem:s24+$0xFFFFFFD0] =	vst v4;
	v2 =	vmul.f32 v2, v0  }
0xfc: {  	v3 =	vmul.f32 v3, v0;
	[tilespmem:s24+$0xFFFFFFE0] =	vst v5  }
0xfd: {  	[tilespmem:s24+$0xFFFFFFF0] =	vst v2  }
0xfe: {  	s31 =	simm.s32 $0x1F0;
	[tilespmem:s24+$0xFFFFFF90] =	vst v3  }
0xff: {  	v2 =	vld [tilespmem:s31+$0x0]  }
0x100: {  	v3 =	vld [tilespmem:s31+$0xFFFFFFA0]  }
0x101: {  	v4 =	vld [tilespmem:s31+$0xFFFFFFB0]  }
0x102: {  	v5 =	vld [tilespmem:s31+$0xFFFFFFC0];
	_ =	sdelay $0x1  }
0x103: {  	v6 =	vld [tilespmem:s31+$0xFFFFFFD0]  }
0x104: {  	v8 =	vld [tilespmem:s31+$0xFFFFFFE0]  }
.Ltmp7:
0x105: {  	v2 =	vmul.f32 v2, v1;
	v3 =	vmul.f32 v3, v1;
	(pc) =	sbr.rel @!p2 .LBB2_12-.Ltmp7, $4  }
0x106: {  	v4 =	vmul.f32 v4, v1;
	v11 =	vmul.f32 v5, v1  }
0x107: {  	v7 =	vadd.f32 $1.258291200e+07, v2;
	v10 =	vadd.f32 $1.258291200e+07, v3  }
0x108: {  	v9 =	vmul.f32 v6, v1;
	v2 =	vld [tilespmem:s31+$0xFFFFFFF0];
	v4 =	vadd.f32 $1.258291200e+07, v4;
	v6 =	vadd.f32 $1.258291200e+07, v11  }
0x109: {  	s26 =	simm.s32 $0x5F0;
	s24 =	simm.s32 $0x81F0;
	v8 =	vmul.f32 v8, v1;
	v3 =	vld [tilespmem:s31+$0xFFFFFF90];
	v7 =	vadd.f32 $-1.258291200e+07, v7;
	v5 =	vadd.f32 $-1.258291200e+07, v10  }
0x10a: {  	_ =	sdelay $0x3  }
0x10b: {  	v9 =	vadd.f32 $1.258291200e+07, v9;
	v3 =	vmul.f32 v3, v1  }
0x10c: {  	v10 =	vld [tilespmem:s26+$0x0];
	v4 =	vadd.f32 $-1.258291200e+07, v4;
	v7 =	vmul.f32 v7, v0;
	v2 =	vmul.f32 v2, v1  }
0x10d: {  	v11 =	vld [tilespmem:s26+$0xFFFFFFA0];
	v6 =	vadd.f32 $-1.258291200e+07, v6;
	v5 =	vmul.f32 v5, v0;
	v3 =	vadd.f32 $1.258291200e+07, v3  }
0x10e: {  	v12 =	vld [tilespmem:s26+$0xFFFFFFB0];
	v4 =	vmul.f32 v4, v0;
	v9 =	vadd.f32 $-1.258291200e+07, v9;
	[tilespmem:s24+$0x0] =	vst v7;
	v2 =	vadd.f32 $1.258291200e+07, v2  }
0x10f: {  	v8 =	vadd.f32 $1.258291200e+07, v8;
	v7 =	vld [tilespmem:s26+$0xFFFFFFC0];
	[tilespmem:s24+$0xFFFFFFA0] =	vst v5;
	v3 =	vadd.f32 $-1.258291200e+07, v3  }
0x110: {  	v13 =	vld [tilespmem:s26+$0xFFFFFFD0];
	v5 =	vmul.f32 v6, v0;
	[tilespmem:s24+$0xFFFFFFB0] =	vst v4;
	v4 =	vmul.f32 v9, v0;
	v2 =	vadd.f32 $-1.258291200e+07, v2  }
0x111: {  	p2 =	por $0x1, $0x1;
	v6 =	vadd.f32 $-1.258291200e+07, v8;
	v8 =	vld [tilespmem:s26+$0xFFFFFFE0];
	v10 =	vmul.f32 v10, v1;
	v3 =	vmul.f32 v3, v0  }
.Ltmp8:
0x112: {  	v9 =	vmul.f32 v11, v1;
	[tilespmem:s24+$0xFFFFFFC0] =	vst v5;
	v14 =	vmul.f32 v2, v0;
	v2 =	vld [tilespmem:s26+$0xFFFFFFF0];
	(pc) =	sbr.rel @!p2 .LBB2_14-.Ltmp8, $4  }
0x113: {  	v5 =	vmul.f32 v6, v0;
	v6 =	vmul.f32 v12, v1;
	v10 =	vadd.f32 $1.258291200e+07, v10;
	[tilespmem:s24+$0xFFFFFF90] =	vst v3;
	v3 =	vld [tilespmem:s26+$0xFFFFFF90]  }
0x114: {  	[tilespmem:s24+$0xFFFFFFD0] =	vst v4;
	v11 =	vadd.f32 $1.258291200e+07, v9;
	v63 =	vmul.f32 v7, v1  }
0x115: {  	s25 =	simm.s32 $0x8;
	[tilespmem:s24+$0xFFFFFFE0] =	vst v5;
	v4 =	vadd.f32 $1.258291200e+07, v6;
	v9 =	vmul.f32 v13, v1;
	v7 =	vadd.f32 $-1.258291200e+07, v10  }
0x116: {  	s28 =	simm.s32 $0x9F0;
	p1 =	por $0x1, $0x1;
	v8 =	vmul.f32 v8, v1;
	v5 =	vadd.f32 $-1.258291200e+07, v11;
	v6 =	vadd.f32 $1.258291200e+07, v63;
	[tilespmem:s24+$0xFFFFFFF0] =	vst v14;
	s26 =	simm.s32 $0x81F0  }
.LBB2_15:
0x117: {  	v10 =	vld [tilespmem:s28+$0x0];
	s25 =	sadd.s32 $0x8, s25;
	v9 =	vadd.f32 $1.258291200e+07, v9;
	v2 =	vmul.f32 v2, v1;
	v7 =	vmul.f32 v7, v0  }
0x118: {  	v4 =	vadd.f32 $-1.258291200e+07, v4;
	s26 =	sadd.s32 $0x400, s26;
	v11 =	vld [tilespmem:s28+$0xFFFFFFA0];
	p2 =	slt.u32 s25, $0x78;
	v3 =	vmul.f32 v3, v1;
	v8 =	vadd.f32 $1.258291200e+07, v8  }
0x119: {  	v5 =	vmul.f32 v5, v0;
	v6 =	vadd.f32 $-1.258291200e+07, v6;
	v12 =	vld [tilespmem:s28+$0xFFFFFFB0];
	v2 =	vadd.f32 $1.258291200e+07, v2;
	[tilespmem:s26+$0x0] =	vst v7  }
0x11a: {  	v4 =	vmul.f32 v4, v0;
	v9 =	vadd.f32 $-1.258291200e+07, v9;
	v7 =	vld [tilespmem:s28+$0xFFFFFFC0];
	v3 =	vadd.f32 $1.258291200e+07, v3  }
0x11b: {  	v13 =	vld [tilespmem:s28+$0xFFFFFFD0];
	[tilespmem:s26+$0xFFFFFFA0] =	vst v5;
	v5 =	vmul.f32 v6, v0;
	v6 =	vadd.f32 $-1.258291200e+07, v8;
	v8 =	vadd.f32 $-1.258291200e+07, v2  }
0x11c: {  	v14 =	vld [tilespmem:s28+$0xFFFFFFE0];
	v10 =	vmul.f32 v10, v1;
	v15 =	vadd.f32 $-1.258291200e+07, v3;
	[tilespmem:s26+$0xFFFFFFB0] =	vst v4;
	v4 =	vmul.f32 v9, v0  }
.Ltmp9:
0x11d: {  	v9 =	vmul.f32 v11, v1;
	v2 =	vld [tilespmem:s28+$0xFFFFFFF0];
	[tilespmem:s26+$0xFFFFFFC0] =	vst v5;
	v5 =	vmul.f32 v6, v0;
	(pc) =	sbr.rel @p2 .LBB2_15-.Ltmp9, $4  }
0x11e: {  	v3 =	vld [tilespmem:s28+$0xFFFFFF90];
	v6 =	vmul.f32 v12, v1;
	v10 =	vadd.f32 $1.258291200e+07, v10;
	v11 =	vmul.f32 v15, v0;
	[tilespmem:s26+$0xFFFFFFD0] =	vst v4  }
0x11f: {  	v16 =	vmul.f32 v8, v0;
	v12 =	vadd.f32 $1.258291200e+07, v9;
	v15 =	vmul.f32 v7, v1;
	[tilespmem:s26+$0xFFFFFFE0] =	vst v5  }
0x120: {  	v4 =	vadd.f32 $1.258291200e+07, v6;
	v9 =	vmul.f32 v13, v1;
	v7 =	vadd.f32 $-1.258291200e+07, v10;
	[tilespmem:s26+$0xFFFFFF90] =	vst v11  }
0x121: {  	s28 =	sadd.s32 $0x400, s28;
	v5 =	vadd.f32 $-1.258291200e+07, v12;
	v6 =	vadd.f32 $1.258291200e+07, v15;
	v8 =	vmul.f32 v14, v1;
	[tilespmem:s26+$0xFFFFFFF0] =	vst v16  }
.LBB2_16:
0x122: {  	v9 =	vadd.f32 $1.258291200e+07, v9;
	v2 =	vmul.f32 v2, v1  }
0x123: {  	v7 =	vmul.f32 v7, v0;
	v4 =	vadd.f32 $-1.258291200e+07, v4;
	s25 =	sadd.s32 @p1 $0x400, s26;
	v3 =	vmul.f32 v3, v1  }
0x124: {  	v8 =	vadd.f32 $1.258291200e+07, v8;
	v5 =	vmul.f32 v5, v0;
	v6 =	vadd.f32 $-1.258291200e+07, v6;
	s24 =	smov.u32 @p1 s25  }
0x125: {  	[tilespmem:s24+$0x0] =	vst v7;
	v4 =	vmul.f32 v4, v0;
	v7 =	vadd.f32 $-1.258291200e+07, v9;
	v2 =	vadd.f32 $1.258291200e+07, v2  }
0x126: {  	v3 =	vadd.f32 $1.258291200e+07, v3;
	[tilespmem:s24+$0xFFFFFFA0] =	vst v5;
	v5 =	vmul.f32 v6, v0;
	v6 =	vadd.f32 $-1.258291200e+07, v8  }
0x127: {  	[tilespmem:s24+$0xFFFFFFB0] =	vst v4;
	v4 =	vmul.f32 v7, v0;
	v2 =	vadd.f32 $-1.258291200e+07, v2  }
0x128: {  	v3 =	vadd.f32 $-1.258291200e+07, v3;
	[tilespmem:s24+$0xFFFFFFC0] =	vst v5;
	v5 =	vmul.f32 v6, v0  }
0x129: {  	[tilespmem:s24+$0xFFFFFFD0] =	vst v4;
	v2 =	vmul.f32 v2, v0  }
0x12a: {  	v3 =	vmul.f32 v3, v0;
	[tilespmem:s24+$0xFFFFFFE0] =	vst v5  }
0x12b: {  	[tilespmem:s24+$0xFFFFFFF0] =	vst v2  }
0x12c: {  	s31 =	simm.s32 $0x270;
	[tilespmem:s24+$0xFFFFFF90] =	vst v3  }
0x12d: {  	v2 =	vld [tilespmem:s31+$0x0]  }
0x12e: {  	v3 =	vld [tilespmem:s31+$0xFFFFFFA0]  }
0x12f: {  	v4 =	vld [tilespmem:s31+$0xFFFFFFB0]  }
0x130: {  	v5 =	vld [tilespmem:s31+$0xFFFFFFC0];
	_ =	sdelay $0x1  }
0x131: {  	v6 =	vld [tilespmem:s31+$0xFFFFFFD0]  }
0x132: {  	p2 =	por $0x1, $0x1;
	v8 =	vld [tilespmem:s31+$0xFFFFFFE0]  }
.Ltmp10:
0x133: {  	v2 =	vmul.f32 v2, v1;
	v3 =	vmul.f32 v3, v1;
	(pc) =	sbr.rel @!p2 .LBB2_17-.Ltmp10, $4  }
0x134: {  	v4 =	vmul.f32 v4, v1;
	v11 =	vmul.f32 v5, v1  }
0x135: {  	v7 =	vadd.f32 $1.258291200e+07, v2;
	v10 =	vadd.f32 $1.258291200e+07, v3  }
0x136: {  	v9 =	vmul.f32 v6, v1;
	v2 =	vld [tilespmem:s31+$0xFFFFFFF0];
	v4 =	vadd.f32 $1.258291200e+07, v4;
	v6 =	vadd.f32 $1.258291200e+07, v11  }
0x137: {  	s26 =	simm.s32 $0x670;
	p1 =	por $0x0, $0x0;
	s24 =	simm.s32 $0x8270;
	v8 =	vmul.f32 v8, v1;
	v3 =	vld [tilespmem:s31+$0xFFFFFF90];
	v7 =	vadd.f32 $-1.258291200e+07, v7;
	v5 =	vadd.f32 $-1.258291200e+07, v10  }
0x138: {  	_ =	sdelay $0x3  }
0x139: {  	v9 =	vadd.f32 $1.258291200e+07, v9;
	v3 =	vmul.f32 v3, v1  }
0x13a: {  	v10 =	vld [tilespmem:s26+$0x0];
	v4 =	vadd.f32 $-1.258291200e+07, v4;
	v7 =	vmul.f32 v7, v0;
	v2 =	vmul.f32 v2, v1  }
0x13b: {  	v11 =	vld [tilespmem:s26+$0xFFFFFFA0];
	v6 =	vadd.f32 $-1.258291200e+07, v6;
	v5 =	vmul.f32 v5, v0;
	v3 =	vadd.f32 $1.258291200e+07, v3  }
0x13c: {  	v12 =	vld [tilespmem:s26+$0xFFFFFFB0];
	v4 =	vmul.f32 v4, v0;
	v9 =	vadd.f32 $-1.258291200e+07, v9;
	[tilespmem:s24+$0x0] =	vst v7;
	v2 =	vadd.f32 $1.258291200e+07, v2  }
0x13d: {  	v8 =	vadd.f32 $1.258291200e+07, v8;
	v7 =	vld [tilespmem:s26+$0xFFFFFFC0];
	[tilespmem:s24+$0xFFFFFFA0] =	vst v5;
	v3 =	vadd.f32 $-1.258291200e+07, v3  }
0x13e: {  	v13 =	vld [tilespmem:s26+$0xFFFFFFD0];
	v5 =	vmul.f32 v6, v0;
	[tilespmem:s24+$0xFFFFFFB0] =	vst v4;
	v4 =	vmul.f32 v9, v0;
	v2 =	vadd.f32 $-1.258291200e+07, v2  }
0x13f: {  	p4 =	por $0x1, $0x1;
	v6 =	vadd.f32 $-1.258291200e+07, v8;
	v8 =	vld [tilespmem:s26+$0xFFFFFFE0];
	v10 =	vmul.f32 v10, v1;
	v3 =	vmul.f32 v3, v0  }
.Ltmp11:
0x140: {  	v9 =	vmul.f32 v11, v1;
	[tilespmem:s24+$0xFFFFFFC0] =	vst v5;
	v14 =	vmul.f32 v2, v0;
	v2 =	vld [tilespmem:s26+$0xFFFFFFF0];
	(pc) =	sbr.rel @!p4 .LBB2_19-.Ltmp11, $4  }
0x141: {  	v5 =	vmul.f32 v6, v0;
	v6 =	vmul.f32 v12, v1;
	v10 =	vadd.f32 $1.258291200e+07, v10;
	[tilespmem:s24+$0xFFFFFF90] =	vst v3;
	v3 =	vld [tilespmem:s26+$0xFFFFFF90]  }
0x142: {  	[tilespmem:s24+$0xFFFFFFD0] =	vst v4;
	v11 =	vadd.f32 $1.258291200e+07, v9;
	v63 =	vmul.f32 v7, v1  }
0x143: {  	s25 =	simm.s32 $0x8;
	[tilespmem:s24+$0xFFFFFFE0] =	vst v5;
	v4 =	vadd.f32 $1.258291200e+07, v6;
	v9 =	vmul.f32 v13, v1;
	v7 =	vadd.f32 $-1.258291200e+07, v10  }
0x144: {  	s28 =	simm.s32 $0xA70;
	p3 =	por $0x1, $0x1;
	v8 =	vmul.f32 v8, v1;
	v5 =	vadd.f32 $-1.258291200e+07, v11;
	v6 =	vadd.f32 $1.258291200e+07, v63;
	[tilespmem:s24+$0xFFFFFFF0] =	vst v14;
	s26 =	simm.s32 $0x8270  }
.LBB2_20:
0x145: {  	v10 =	vld [tilespmem:s28+$0x0];
	s25 =	sadd.s32 $0x8, s25;
	v9 =	vadd.f32 $1.258291200e+07, v9;
	v2 =	vmul.f32 v2, v1;
	v7 =	vmul.f32 v7, v0  }
0x146: {  	v4 =	vadd.f32 $-1.258291200e+07, v4;
	s26 =	sadd.s32 $0x400, s26;
	v11 =	vld [tilespmem:s28+$0xFFFFFFA0];
	p4 =	slt.u32 s25, $0x78;
	v3 =	vmul.f32 v3, v1;
	v8 =	vadd.f32 $1.258291200e+07, v8  }
0x147: {  	v5 =	vmul.f32 v5, v0;
	v6 =	vadd.f32 $-1.258291200e+07, v6;
	v12 =	vld [tilespmem:s28+$0xFFFFFFB0];
	v2 =	vadd.f32 $1.258291200e+07, v2;
	[tilespmem:s26+$0x0] =	vst v7  }
0x148: {  	v4 =	vmul.f32 v4, v0;
	v9 =	vadd.f32 $-1.258291200e+07, v9;
	v7 =	vld [tilespmem:s28+$0xFFFFFFC0];
	v3 =	vadd.f32 $1.258291200e+07, v3  }
0x149: {  	v13 =	vld [tilespmem:s28+$0xFFFFFFD0];
	[tilespmem:s26+$0xFFFFFFA0] =	vst v5;
	v5 =	vmul.f32 v6, v0;
	v6 =	vadd.f32 $-1.258291200e+07, v8;
	v8 =	vadd.f32 $-1.258291200e+07, v2  }
0x14a: {  	v14 =	vld [tilespmem:s28+$0xFFFFFFE0];
	v10 =	vmul.f32 v10, v1;
	v15 =	vadd.f32 $-1.258291200e+07, v3;
	[tilespmem:s26+$0xFFFFFFB0] =	vst v4;
	v4 =	vmul.f32 v9, v0  }
.Ltmp12:
0x14b: {  	v9 =	vmul.f32 v11, v1;
	v2 =	vld [tilespmem:s28+$0xFFFFFFF0];
	[tilespmem:s26+$0xFFFFFFC0] =	vst v5;
	v5 =	vmul.f32 v6, v0;
	(pc) =	sbr.rel @p4 .LBB2_20-.Ltmp12, $4  }
0x14c: {  	v3 =	vld [tilespmem:s28+$0xFFFFFF90];
	v6 =	vmul.f32 v12, v1;
	v10 =	vadd.f32 $1.258291200e+07, v10;
	v11 =	vmul.f32 v15, v0;
	[tilespmem:s26+$0xFFFFFFD0] =	vst v4  }
0x14d: {  	v16 =	vmul.f32 v8, v0;
	v12 =	vadd.f32 $1.258291200e+07, v9;
	v15 =	vmul.f32 v7, v1;
	[tilespmem:s26+$0xFFFFFFE0] =	vst v5  }
0x14e: {  	v4 =	vadd.f32 $1.258291200e+07, v6;
	v9 =	vmul.f32 v13, v1;
	v7 =	vadd.f32 $-1.258291200e+07, v10;
	[tilespmem:s26+$0xFFFFFF90] =	vst v11  }
0x14f: {  	s28 =	sadd.s32 $0x400, s28;
	v5 =	vadd.f32 $-1.258291200e+07, v12;
	v6 =	vadd.f32 $1.258291200e+07, v15;
	v8 =	vmul.f32 v14, v1;
	[tilespmem:s26+$0xFFFFFFF0] =	vst v16  }
.LBB2_21:
0x150: {  	v9 =	vadd.f32 $1.258291200e+07, v9;
	v2 =	vmul.f32 v2, v1  }
0x151: {  	v7 =	vmul.f32 v7, v0;
	v4 =	vadd.f32 $-1.258291200e+07, v4;
	s25 =	sadd.s32 @p3 $0x400, s26;
	v3 =	vmul.f32 v3, v1  }
0x152: {  	v8 =	vadd.f32 $1.258291200e+07, v8;
	v5 =	vmul.f32 v5, v0;
	v6 =	vadd.f32 $-1.258291200e+07, v6;
	s24 =	smov.u32 @p3 s25  }
0x153: {  	[tilespmem:s24+$0x0] =	vst v7;
	v4 =	vmul.f32 v4, v0;
	v7 =	vadd.f32 $-1.258291200e+07, v9;
	v2 =	vadd.f32 $1.258291200e+07, v2  }
0x154: {  	v3 =	vadd.f32 $1.258291200e+07, v3;
	[tilespmem:s24+$0xFFFFFFA0] =	vst v5;
	v5 =	vmul.f32 v6, v0;
	v6 =	vadd.f32 $-1.258291200e+07, v8  }
0x155: {  	[tilespmem:s24+$0xFFFFFFB0] =	vst v4;
	v4 =	vmul.f32 v7, v0;
	v2 =	vadd.f32 $-1.258291200e+07, v2  }
0x156: {  	v3 =	vadd.f32 $-1.258291200e+07, v3;
	[tilespmem:s24+$0xFFFFFFC0] =	vst v5;
	v5 =	vmul.f32 v6, v0  }
0x157: {  	[tilespmem:s24+$0xFFFFFFD0] =	vst v4;
	v2 =	vmul.f32 v2, v0  }
0x158: {  	v3 =	vmul.f32 v3, v0;
	[tilespmem:s24+$0xFFFFFFE0] =	vst v5  }
0x159: {  	[tilespmem:s24+$0xFFFFFFF0] =	vst v2  }
0x15a: {  	s31 =	simm.s32 $0x2F0;
	[tilespmem:s24+$0xFFFFFF90] =	vst v3  }
0x15b: {  	v2 =	vld [tilespmem:s31+$0x0]  }
0x15c: {  	v3 =	vld [tilespmem:s31+$0xFFFFFFA0]  }
0x15d: {  	v4 =	vld [tilespmem:s31+$0xFFFFFFB0]  }
0x15e: {  	v5 =	vld [tilespmem:s31+$0xFFFFFFC0];
	_ =	sdelay $0x1  }
0x15f: {  	v6 =	vld [tilespmem:s31+$0xFFFFFFD0]  }
0x160: {  	v8 =	vld [tilespmem:s31+$0xFFFFFFE0]  }
.Ltmp13:
0x161: {  	v2 =	vmul.f32 v2, v1;
	v3 =	vmul.f32 v3, v1;
	(pc) =	sbr.rel @!p2 .LBB2_22-.Ltmp13, $4  }
0x162: {  	v4 =	vmul.f32 v4, v1;
	v11 =	vmul.f32 v5, v1  }
0x163: {  	v7 =	vadd.f32 $1.258291200e+07, v2;
	v10 =	vadd.f32 $1.258291200e+07, v3  }
0x164: {  	v9 =	vmul.f32 v6, v1;
	v2 =	vld [tilespmem:s31+$0xFFFFFFF0];
	v4 =	vadd.f32 $1.258291200e+07, v4;
	v6 =	vadd.f32 $1.258291200e+07, v11  }
0x165: {  	s26 =	simm.s32 $0x6F0;
	s24 =	simm.s32 $0x82F0;
	v8 =	vmul.f32 v8, v1;
	v3 =	vld [tilespmem:s31+$0xFFFFFF90];
	v7 =	vadd.f32 $-1.258291200e+07, v7;
	v5 =	vadd.f32 $-1.258291200e+07, v10  }
0x166: {  	_ =	sdelay $0x3  }
0x167: {  	v9 =	vadd.f32 $1.258291200e+07, v9;
	v3 =	vmul.f32 v3, v1  }
0x168: {  	v10 =	vld [tilespmem:s26+$0x0];
	v4 =	vadd.f32 $-1.258291200e+07, v4;
	v7 =	vmul.f32 v7, v0;
	v2 =	vmul.f32 v2, v1  }
0x169: {  	v11 =	vld [tilespmem:s26+$0xFFFFFFA0];
	v6 =	vadd.f32 $-1.258291200e+07, v6;
	v5 =	vmul.f32 v5, v0;
	v3 =	vadd.f32 $1.258291200e+07, v3  }
0x16a: {  	v12 =	vld [tilespmem:s26+$0xFFFFFFB0];
	v4 =	vmul.f32 v4, v0;
	v9 =	vadd.f32 $-1.258291200e+07, v9;
	[tilespmem:s24+$0x0] =	vst v7;
	v2 =	vadd.f32 $1.258291200e+07, v2  }
0x16b: {  	v8 =	vadd.f32 $1.258291200e+07, v8;
	v7 =	vld [tilespmem:s26+$0xFFFFFFC0];
	[tilespmem:s24+$0xFFFFFFA0] =	vst v5;
	v3 =	vadd.f32 $-1.258291200e+07, v3  }
0x16c: {  	v13 =	vld [tilespmem:s26+$0xFFFFFFD0];
	v5 =	vmul.f32 v6, v0;
	[tilespmem:s24+$0xFFFFFFB0] =	vst v4;
	v4 =	vmul.f32 v9, v0;
	v2 =	vadd.f32 $-1.258291200e+07, v2  }
0x16d: {  	p2 =	por $0x1, $0x1;
	v6 =	vadd.f32 $-1.258291200e+07, v8;
	v8 =	vld [tilespmem:s26+$0xFFFFFFE0];
	v10 =	vmul.f32 v10, v1;
	v3 =	vmul.f32 v3, v0  }
.Ltmp14:
0x16e: {  	v9 =	vmul.f32 v11, v1;
	[tilespmem:s24+$0xFFFFFFC0] =	vst v5;
	v14 =	vmul.f32 v2, v0;
	v2 =	vld [tilespmem:s26+$0xFFFFFFF0];
	(pc) =	sbr.rel @!p2 .LBB2_24-.Ltmp14, $4  }
0x16f: {  	v5 =	vmul.f32 v6, v0;
	v6 =	vmul.f32 v12, v1;
	v10 =	vadd.f32 $1.258291200e+07, v10;
	[tilespmem:s24+$0xFFFFFF90] =	vst v3;
	v3 =	vld [tilespmem:s26+$0xFFFFFF90]  }
0x170: {  	[tilespmem:s24+$0xFFFFFFD0] =	vst v4;
	v11 =	vadd.f32 $1.258291200e+07, v9;
	v63 =	vmul.f32 v7, v1  }
0x171: {  	s25 =	simm.s32 $0x8;
	[tilespmem:s24+$0xFFFFFFE0] =	vst v5;
	v4 =	vadd.f32 $1.258291200e+07, v6;
	v9 =	vmul.f32 v13, v1;
	v7 =	vadd.f32 $-1.258291200e+07, v10  }
0x172: {  	s28 =	simm.s32 $0xAF0;
	p1 =	por $0x1, $0x1;
	v8 =	vmul.f32 v8, v1;
	v5 =	vadd.f32 $-1.258291200e+07, v11;
	v6 =	vadd.f32 $1.258291200e+07, v63;
	[tilespmem:s24+$0xFFFFFFF0] =	vst v14;
	s26 =	simm.s32 $0x82F0  }
.LBB2_25:
0x173: {  	v10 =	vld [tilespmem:s28+$0x0];
	s25 =	sadd.s32 $0x8, s25;
	v9 =	vadd.f32 $1.258291200e+07, v9;
	v2 =	vmul.f32 v2, v1;
	v7 =	vmul.f32 v7, v0  }
0x174: {  	v4 =	vadd.f32 $-1.258291200e+07, v4;
	s26 =	sadd.s32 $0x400, s26;
	v11 =	vld [tilespmem:s28+$0xFFFFFFA0];
	p2 =	slt.u32 s25, $0x78;
	v3 =	vmul.f32 v3, v1;
	v8 =	vadd.f32 $1.258291200e+07, v8  }
0x175: {  	v5 =	vmul.f32 v5, v0;
	v6 =	vadd.f32 $-1.258291200e+07, v6;
	v12 =	vld [tilespmem:s28+$0xFFFFFFB0];
	v2 =	vadd.f32 $1.258291200e+07, v2;
	[tilespmem:s26+$0x0] =	vst v7  }
0x176: {  	v4 =	vmul.f32 v4, v0;
	v9 =	vadd.f32 $-1.258291200e+07, v9;
	v7 =	vld [tilespmem:s28+$0xFFFFFFC0];
	v3 =	vadd.f32 $1.258291200e+07, v3  }
0x177: {  	v13 =	vld [tilespmem:s28+$0xFFFFFFD0];
	[tilespmem:s26+$0xFFFFFFA0] =	vst v5;
	v5 =	vmul.f32 v6, v0;
	v6 =	vadd.f32 $-1.258291200e+07, v8;
	v8 =	vadd.f32 $-1.258291200e+07, v2  }
0x178: {  	v14 =	vld [tilespmem:s28+$0xFFFFFFE0];
	v10 =	vmul.f32 v10, v1;
	v15 =	vadd.f32 $-1.258291200e+07, v3;
	[tilespmem:s26+$0xFFFFFFB0] =	vst v4;
	v4 =	vmul.f32 v9, v0  }
.Ltmp15:
0x179: {  	v9 =	vmul.f32 v11, v1;
	v2 =	vld [tilespmem:s28+$0xFFFFFFF0];
	[tilespmem:s26+$0xFFFFFFC0] =	vst v5;
	v5 =	vmul.f32 v6, v0;
	(pc) =	sbr.rel @p2 .LBB2_25-.Ltmp15, $4  }
0x17a: {  	v3 =	vld [tilespmem:s28+$0xFFFFFF90];
	v6 =	vmul.f32 v12, v1;
	v10 =	vadd.f32 $1.258291200e+07, v10;
	v11 =	vmul.f32 v15, v0;
	[tilespmem:s26+$0xFFFFFFD0] =	vst v4  }
0x17b: {  	v16 =	vmul.f32 v8, v0;
	v12 =	vadd.f32 $1.258291200e+07, v9;
	v15 =	vmul.f32 v7, v1;
	[tilespmem:s26+$0xFFFFFFE0] =	vst v5  }
0x17c: {  	v4 =	vadd.f32 $1.258291200e+07, v6;
	v9 =	vmul.f32 v13, v1;
	v7 =	vadd.f32 $-1.258291200e+07, v10;
	[tilespmem:s26+$0xFFFFFF90] =	vst v11  }
0x17d: {  	s28 =	sadd.s32 $0x400, s28;
	v5 =	vadd.f32 $-1.258291200e+07, v12;
	v6 =	vadd.f32 $1.258291200e+07, v15;
	v8 =	vmul.f32 v14, v1;
	[tilespmem:s26+$0xFFFFFFF0] =	vst v16  }
.LBB2_26:
0x17e: {  	v9 =	vadd.f32 $1.258291200e+07, v9;
	v2 =	vmul.f32 v2, v1  }
0x17f: {  	v7 =	vmul.f32 v7, v0;
	v4 =	vadd.f32 $-1.258291200e+07, v4;
	s25 =	sadd.s32 @p1 $0x400, s26;
	v3 =	vmul.f32 v3, v1  }
0x180: {  	v8 =	vadd.f32 $1.258291200e+07, v8;
	v5 =	vmul.f32 v5, v0;
	v6 =	vadd.f32 $-1.258291200e+07, v6;
	s24 =	smov.u32 @p1 s25  }
0x181: {  	[tilespmem:s24+$0x0] =	vst v7;
	v4 =	vmul.f32 v4, v0;
	v7 =	vadd.f32 $-1.258291200e+07, v9;
	v2 =	vadd.f32 $1.258291200e+07, v2  }
0x182: {  	v3 =	vadd.f32 $1.258291200e+07, v3;
	[tilespmem:s24+$0xFFFFFFA0] =	vst v5;
	v5 =	vmul.f32 v6, v0;
	v6 =	vadd.f32 $-1.258291200e+07, v8  }
0x183: {  	[tilespmem:s24+$0xFFFFFFB0] =	vst v4;
	v4 =	vmul.f32 v7, v0;
	v2 =	vadd.f32 $-1.258291200e+07, v2  }
0x184: {  	v3 =	vadd.f32 $-1.258291200e+07, v3;
	[tilespmem:s24+$0xFFFFFFC0] =	vst v5;
	v5 =	vmul.f32 v6, v0  }
0x185: {  	[tilespmem:s24+$0xFFFFFFD0] =	vst v4;
	v2 =	vmul.f32 v2, v0  }
0x186: {  	v3 =	vmul.f32 v3, v0;
	[tilespmem:s24+$0xFFFFFFE0] =	vst v5  }
0x187: {  	[tilespmem:s24+$0xFFFFFFF0] =	vst v2  }
0x188: {  	s31 =	simm.s32 $0x370;
	[tilespmem:s24+$0xFFFFFF90] =	vst v3  }
0x189: {  	v2 =	vld [tilespmem:s31+$0x0]  }
0x18a: {  	v3 =	vld [tilespmem:s31+$0xFFFFFFA0]  }
0x18b: {  	v4 =	vld [tilespmem:s31+$0xFFFFFFB0]  }
0x18c: {  	v5 =	vld [tilespmem:s31+$0xFFFFFFC0];
	_ =	sdelay $0x1  }
0x18d: {  	v6 =	vld [tilespmem:s31+$0xFFFFFFD0]  }
0x18e: {  	p2 =	por $0x1, $0x1;
	v8 =	vld [tilespmem:s31+$0xFFFFFFE0]  }
.Ltmp16:
0x18f: {  	v2 =	vmul.f32 v2, v1;
	v3 =	vmul.f32 v3, v1;
	(pc) =	sbr.rel @!p2 .LBB2_27-.Ltmp16, $4  }
0x190: {  	v4 =	vmul.f32 v4, v1;
	v11 =	vmul.f32 v5, v1  }
0x191: {  	v7 =	vadd.f32 $1.258291200e+07, v2;
	v10 =	vadd.f32 $1.258291200e+07, v3  }
0x192: {  	v9 =	vmul.f32 v6, v1;
	v2 =	vld [tilespmem:s31+$0xFFFFFFF0];
	v4 =	vadd.f32 $1.258291200e+07, v4;
	v6 =	vadd.f32 $1.258291200e+07, v11  }
0x193: {  	s26 =	simm.s32 $0x770;
	p1 =	por $0x0, $0x0;
	s24 =	simm.s32 $0x8370;
	v8 =	vmul.f32 v8, v1;
	v3 =	vld [tilespmem:s31+$0xFFFFFF90];
	v7 =	vadd.f32 $-1.258291200e+07, v7;
	v5 =	vadd.f32 $-1.258291200e+07, v10  }
0x194: {  	_ =	sdelay $0x3  }
0x195: {  	v9 =	vadd.f32 $1.258291200e+07, v9;
	v3 =	vmul.f32 v3, v1  }
0x196: {  	v10 =	vld [tilespmem:s26+$0x0];
	v4 =	vadd.f32 $-1.258291200e+07, v4;
	v7 =	vmul.f32 v7, v0;
	v2 =	vmul.f32 v2, v1  }
0x197: {  	v11 =	vld [tilespmem:s26+$0xFFFFFFA0];
	v6 =	vadd.f32 $-1.258291200e+07, v6;
	v5 =	vmul.f32 v5, v0;
	v3 =	vadd.f32 $1.258291200e+07, v3  }
0x198: {  	v12 =	vld [tilespmem:s26+$0xFFFFFFB0];
	v4 =	vmul.f32 v4, v0;
	v9 =	vadd.f32 $-1.258291200e+07, v9;
	[tilespmem:s24+$0x0] =	vst v7;
	v2 =	vadd.f32 $1.258291200e+07, v2  }
0x199: {  	v8 =	vadd.f32 $1.258291200e+07, v8;
	v7 =	vld [tilespmem:s26+$0xFFFFFFC0];
	[tilespmem:s24+$0xFFFFFFA0] =	vst v5;
	v3 =	vadd.f32 $-1.258291200e+07, v3  }
0x19a: {  	v13 =	vld [tilespmem:s26+$0xFFFFFFD0];
	v5 =	vmul.f32 v6, v0;
	[tilespmem:s24+$0xFFFFFFB0] =	vst v4;
	v4 =	vmul.f32 v9, v0;
	v2 =	vadd.f32 $-1.258291200e+07, v2  }
0x19b: {  	p4 =	por $0x1, $0x1;
	v6 =	vadd.f32 $-1.258291200e+07, v8;
	v8 =	vld [tilespmem:s26+$0xFFFFFFE0];
	v10 =	vmul.f32 v10, v1;
	v3 =	vmul.f32 v3, v0  }
.Ltmp17:
0x19c: {  	v9 =	vmul.f32 v11, v1;
	[tilespmem:s24+$0xFFFFFFC0] =	vst v5;
	v14 =	vmul.f32 v2, v0;
	v2 =	vld [tilespmem:s26+$0xFFFFFFF0];
	(pc) =	sbr.rel @!p4 .LBB2_29-.Ltmp17, $4  }
0x19d: {  	v5 =	vmul.f32 v6, v0;
	v6 =	vmul.f32 v12, v1;
	v10 =	vadd.f32 $1.258291200e+07, v10;
	[tilespmem:s24+$0xFFFFFF90] =	vst v3;
	v3 =	vld [tilespmem:s26+$0xFFFFFF90]  }
0x19e: {  	[tilespmem:s24+$0xFFFFFFD0] =	vst v4;
	v11 =	vadd.f32 $1.258291200e+07, v9;
	v63 =	vmul.f32 v7, v1  }
0x19f: {  	s25 =	simm.s32 $0x8;
	[tilespmem:s24+$0xFFFFFFE0] =	vst v5;
	v4 =	vadd.f32 $1.258291200e+07, v6;
	v9 =	vmul.f32 v13, v1;
	v7 =	vadd.f32 $-1.258291200e+07, v10  }
0x1a0: {  	s28 =	simm.s32 $0xB70;
	p3 =	por $0x1, $0x1;
	v8 =	vmul.f32 v8, v1;
	v5 =	vadd.f32 $-1.258291200e+07, v11;
	v6 =	vadd.f32 $1.258291200e+07, v63;
	[tilespmem:s24+$0xFFFFFFF0] =	vst v14;
	s26 =	simm.s32 $0x8370  }
.LBB2_30:
0x1a1: {  	v10 =	vld [tilespmem:s28+$0x0];
	s25 =	sadd.s32 $0x8, s25;
	v9 =	vadd.f32 $1.258291200e+07, v9;
	v2 =	vmul.f32 v2, v1;
	v7 =	vmul.f32 v7, v0  }
0x1a2: {  	v4 =	vadd.f32 $-1.258291200e+07, v4;
	s26 =	sadd.s32 $0x400, s26;
	v11 =	vld [tilespmem:s28+$0xFFFFFFA0];
	p4 =	slt.u32 s25, $0x78;
	v3 =	vmul.f32 v3, v1;
	v8 =	vadd.f32 $1.258291200e+07, v8  }
0x1a3: {  	v5 =	vmul.f32 v5, v0;
	v6 =	vadd.f32 $-1.258291200e+07, v6;
	v12 =	vld [tilespmem:s28+$0xFFFFFFB0];
	v2 =	vadd.f32 $1.258291200e+07, v2;
	[tilespmem:s26+$0x0] =	vst v7  }
0x1a4: {  	v4 =	vmul.f32 v4, v0;
	v9 =	vadd.f32 $-1.258291200e+07, v9;
	v7 =	vld [tilespmem:s28+$0xFFFFFFC0];
	v3 =	vadd.f32 $1.258291200e+07, v3  }
0x1a5: {  	v13 =	vld [tilespmem:s28+$0xFFFFFFD0];
	[tilespmem:s26+$0xFFFFFFA0] =	vst v5;
	v5 =	vmul.f32 v6, v0;
	v6 =	vadd.f32 $-1.258291200e+07, v8;
	v8 =	vadd.f32 $-1.258291200e+07, v2  }
0x1a6: {  	v14 =	vld [tilespmem:s28+$0xFFFFFFE0];
	v10 =	vmul.f32 v10, v1;
	v15 =	vadd.f32 $-1.258291200e+07, v3;
	[tilespmem:s26+$0xFFFFFFB0] =	vst v4;
	v4 =	vmul.f32 v9, v0  }
.Ltmp18:
0x1a7: {  	v9 =	vmul.f32 v11, v1;
	v2 =	vld [tilespmem:s28+$0xFFFFFFF0];
	[tilespmem:s26+$0xFFFFFFC0] =	vst v5;
	v5 =	vmul.f32 v6, v0;
	(pc) =	sbr.rel @p4 .LBB2_30-.Ltmp18, $4  }
0x1a8: {  	v3 =	vld [tilespmem:s28+$0xFFFFFF90];
	v6 =	vmul.f32 v12, v1;
	v10 =	vadd.f32 $1.258291200e+07, v10;
	v11 =	vmul.f32 v15, v0;
	[tilespmem:s26+$0xFFFFFFD0] =	vst v4  }
0x1a9: {  	v16 =	vmul.f32 v8, v0;
	v12 =	vadd.f32 $1.258291200e+07, v9;
	v15 =	vmul.f32 v7, v1;
	[tilespmem:s26+$0xFFFFFFE0] =	vst v5  }
0x1aa: {  	v4 =	vadd.f32 $1.258291200e+07, v6;
	v9 =	vmul.f32 v13, v1;
	v7 =	vadd.f32 $-1.258291200e+07, v10;
	[tilespmem:s26+$0xFFFFFF90] =	vst v11  }
0x1ab: {  	s28 =	sadd.s32 $0x400, s28;
	v5 =	vadd.f32 $-1.258291200e+07, v12;
	v6 =	vadd.f32 $1.258291200e+07, v15;
	v8 =	vmul.f32 v14, v1;
	[tilespmem:s26+$0xFFFFFFF0] =	vst v16  }
.LBB2_31:
0x1ac: {  	v9 =	vadd.f32 $1.258291200e+07, v9;
	v2 =	vmul.f32 v2, v1  }
0x1ad: {  	v7 =	vmul.f32 v7, v0;
	v4 =	vadd.f32 $-1.258291200e+07, v4;
	s25 =	sadd.s32 @p3 $0x400, s26;
	v3 =	vmul.f32 v3, v1  }
0x1ae: {  	v8 =	vadd.f32 $1.258291200e+07, v8;
	v5 =	vmul.f32 v5, v0;
	v6 =	vadd.f32 $-1.258291200e+07, v6;
	s24 =	smov.u32 @p3 s25  }
0x1af: {  	[tilespmem:s24+$0x0] =	vst v7;
	v4 =	vmul.f32 v4, v0;
	v7 =	vadd.f32 $-1.258291200e+07, v9;
	v2 =	vadd.f32 $1.258291200e+07, v2  }
0x1b0: {  	v3 =	vadd.f32 $1.258291200e+07, v3;
	[tilespmem:s24+$0xFFFFFFA0] =	vst v5;
	v5 =	vmul.f32 v6, v0;
	v6 =	vadd.f32 $-1.258291200e+07, v8  }
0x1b1: {  	[tilespmem:s24+$0xFFFFFFB0] =	vst v4;
	v4 =	vmul.f32 v7, v0;
	v2 =	vadd.f32 $-1.258291200e+07, v2  }
0x1b2: {  	v3 =	vadd.f32 $-1.258291200e+07, v3;
	[tilespmem:s24+$0xFFFFFFC0] =	vst v5;
	v5 =	vmul.f32 v6, v0  }
0x1b3: {  	[tilespmem:s24+$0xFFFFFFD0] =	vst v4;
	v2 =	vmul.f32 v2, v0  }
0x1b4: {  	v3 =	vmul.f32 v3, v0;
	[tilespmem:s24+$0xFFFFFFE0] =	vst v5  }
0x1b5: {  	[tilespmem:s24+$0xFFFFFFF0] =	vst v2  }
0x1b6: {  	s31 =	simm.s32 $0x3F0;
	[tilespmem:s24+$0xFFFFFF90] =	vst v3  }
0x1b7: {  	v2 =	vld [tilespmem:s31+$0x0]  }
0x1b8: {  	v3 =	vld [tilespmem:s31+$0xFFFFFFA0]  }
0x1b9: {  	v4 =	vld [tilespmem:s31+$0xFFFFFFB0]  }
0x1ba: {  	v5 =	vld [tilespmem:s31+$0xFFFFFFC0];
	_ =	sdelay $0x1  }
0x1bb: {  	v6 =	vld [tilespmem:s31+$0xFFFFFFD0]  }
0x1bc: {  	v8 =	vld [tilespmem:s31+$0xFFFFFFE0]  }
.Ltmp19:
0x1bd: {  	v2 =	vmul.f32 v2, v1;
	v3 =	vmul.f32 v3, v1;
	(pc) =	sbr.rel @!p2 .LBB2_32-.Ltmp19, $4  }
0x1be: {  	v4 =	vmul.f32 v4, v1;
	v11 =	vmul.f32 v5, v1  }
0x1bf: {  	v7 =	vadd.f32 $1.258291200e+07, v2;
	v10 =	vadd.f32 $1.258291200e+07, v3  }
0x1c0: {  	v9 =	vmul.f32 v6, v1;
	v2 =	vld [tilespmem:s31+$0xFFFFFFF0];
	v4 =	vadd.f32 $1.258291200e+07, v4;
	v6 =	vadd.f32 $1.258291200e+07, v11  }
0x1c1: {  	s26 =	simm.s32 $0x7F0;
	s25 =	simm.s32 $0x83F0;
	v8 =	vmul.f32 v8, v1;
	v3 =	vld [tilespmem:s31+$0xFFFFFF90];
	v7 =	vadd.f32 $-1.258291200e+07, v7;
	v5 =	vadd.f32 $-1.258291200e+07, v10  }
0x1c2: {  	_ =	sdelay $0x3  }
0x1c3: {  	v9 =	vadd.f32 $1.258291200e+07, v9;
	v3 =	vmul.f32 v3, v1  }
0x1c4: {  	v10 =	vld [tilespmem:s26+$0x0];
	v4 =	vadd.f32 $-1.258291200e+07, v4;
	v7 =	vmul.f32 v7, v0;
	v2 =	vmul.f32 v2, v1  }
0x1c5: {  	v11 =	vld [tilespmem:s26+$0xFFFFFFA0];
	v6 =	vadd.f32 $-1.258291200e+07, v6;
	v5 =	vmul.f32 v5, v0;
	v3 =	vadd.f32 $1.258291200e+07, v3  }
0x1c6: {  	v12 =	vld [tilespmem:s26+$0xFFFFFFB0];
	v4 =	vmul.f32 v4, v0;
	v9 =	vadd.f32 $-1.258291200e+07, v9;
	[tilespmem:s25+$0x0] =	vst v7;
	v2 =	vadd.f32 $1.258291200e+07, v2  }
0x1c7: {  	v8 =	vadd.f32 $1.258291200e+07, v8;
	v7 =	vld [tilespmem:s26+$0xFFFFFFC0];
	[tilespmem:s25+$0xFFFFFFA0] =	vst v5;
	v3 =	vadd.f32 $-1.258291200e+07, v3  }
0x1c8: {  	v13 =	vld [tilespmem:s26+$0xFFFFFFD0];
	v5 =	vmul.f32 v6, v0;
	[tilespmem:s25+$0xFFFFFFB0] =	vst v4;
	v4 =	vmul.f32 v9, v0;
	v2 =	vadd.f32 $-1.258291200e+07, v2  }
0x1c9: {  	p2 =	por $0x1, $0x1;
	v6 =	vadd.f32 $-1.258291200e+07, v8;
	v8 =	vld [tilespmem:s26+$0xFFFFFFE0];
	v10 =	vmul.f32 v10, v1;
	v3 =	vmul.f32 v3, v0  }
.Ltmp20:
0x1ca: {  	v9 =	vmul.f32 v11, v1;
	[tilespmem:s25+$0xFFFFFFC0] =	vst v5;
	v14 =	vmul.f32 v2, v0;
	v2 =	vld [tilespmem:s26+$0xFFFFFFF0];
	(pc) =	sbr.rel @!p2 .LBB2_34-.Ltmp20, $4  }
0x1cb: {  	v5 =	vmul.f32 v6, v0;
	v6 =	vmul.f32 v12, v1;
	v10 =	vadd.f32 $1.258291200e+07, v10;
	[tilespmem:s25+$0xFFFFFF90] =	vst v3;
	v3 =	vld [tilespmem:s26+$0xFFFFFF90]  }
0x1cc: {  	[tilespmem:s25+$0xFFFFFFD0] =	vst v4;
	v11 =	vadd.f32 $1.258291200e+07, v9;
	v63 =	vmul.f32 v7, v1  }
0x1cd: {  	s24 =	simm.s32 $0x8;
	[tilespmem:s25+$0xFFFFFFE0] =	vst v5;
	v4 =	vadd.f32 $1.258291200e+07, v6;
	v9 =	vmul.f32 v13, v1;
	v7 =	vadd.f32 $-1.258291200e+07, v10  }
0x1ce: {  	s28 =	simm.s32 $0xBF0;
	p1 =	por $0x1, $0x1;
	v8 =	vmul.f32 v8, v1;
	v5 =	vadd.f32 $-1.258291200e+07, v11;
	v6 =	vadd.f32 $1.258291200e+07, v63;
	[tilespmem:s25+$0xFFFFFFF0] =	vst v14;
	s26 =	simm.s32 $0x83F0  }
.LBB2_35:
0x1cf: {  	v10 =	vld [tilespmem:s28+$0x0];
	s24 =	sadd.s32 $0x8, s24;
	v9 =	vadd.f32 $1.258291200e+07, v9;
	v2 =	vmul.f32 v2, v1;
	v7 =	vmul.f32 v7, v0  }
0x1d0: {  	v4 =	vadd.f32 $-1.258291200e+07, v4;
	s26 =	sadd.s32 $0x400, s26;
	v11 =	vld [tilespmem:s28+$0xFFFFFFA0];
	p2 =	slt.u32 s24, $0x78;
	v3 =	vmul.f32 v3, v1;
	v8 =	vadd.f32 $1.258291200e+07, v8  }
0x1d1: {  	v5 =	vmul.f32 v5, v0;
	v6 =	vadd.f32 $-1.258291200e+07, v6;
	v12 =	vld [tilespmem:s28+$0xFFFFFFB0];
	v2 =	vadd.f32 $1.258291200e+07, v2;
	[tilespmem:s26+$0x0] =	vst v7  }
0x1d2: {  	v4 =	vmul.f32 v4, v0;
	v9 =	vadd.f32 $-1.258291200e+07, v9;
	v7 =	vld [tilespmem:s28+$0xFFFFFFC0];
	v3 =	vadd.f32 $1.258291200e+07, v3  }
0x1d3: {  	v13 =	vld [tilespmem:s28+$0xFFFFFFD0];
	[tilespmem:s26+$0xFFFFFFA0] =	vst v5;
	v5 =	vmul.f32 v6, v0;
	v6 =	vadd.f32 $-1.258291200e+07, v8;
	v8 =	vadd.f32 $-1.258291200e+07, v2  }
0x1d4: {  	v14 =	vld [tilespmem:s28+$0xFFFFFFE0];
	v10 =	vmul.f32 v10, v1;
	v15 =	vadd.f32 $-1.258291200e+07, v3;
	[tilespmem:s26+$0xFFFFFFB0] =	vst v4;
	v4 =	vmul.f32 v9, v0  }
.Ltmp21:
0x1d5: {  	v9 =	vmul.f32 v11, v1;
	v2 =	vld [tilespmem:s28+$0xFFFFFFF0];
	[tilespmem:s26+$0xFFFFFFC0] =	vst v5;
	v5 =	vmul.f32 v6, v0;
	(pc) =	sbr.rel @p2 .LBB2_35-.Ltmp21, $4  }
0x1d6: {  	v3 =	vld [tilespmem:s28+$0xFFFFFF90];
	v6 =	vmul.f32 v12, v1;
	v10 =	vadd.f32 $1.258291200e+07, v10;
	v11 =	vmul.f32 v15, v0;
	[tilespmem:s26+$0xFFFFFFD0] =	vst v4  }
0x1d7: {  	v16 =	vmul.f32 v8, v0;
	v12 =	vadd.f32 $1.258291200e+07, v9;
	v15 =	vmul.f32 v7, v1;
	[tilespmem:s26+$0xFFFFFFE0] =	vst v5  }
0x1d8: {  	v4 =	vadd.f32 $1.258291200e+07, v6;
	v9 =	vmul.f32 v13, v1;
	v7 =	vadd.f32 $-1.258291200e+07, v10;
	[tilespmem:s26+$0xFFFFFF90] =	vst v11  }
0x1d9: {  	s28 =	sadd.s32 $0x400, s28;
	v5 =	vadd.f32 $-1.258291200e+07, v12;
	v6 =	vadd.f32 $1.258291200e+07, v15;
	v8 =	vmul.f32 v14, v1;
	[tilespmem:s26+$0xFFFFFFF0] =	vst v16  }
.LBB2_36:
0x1da: {  	v9 =	vadd.f32 $1.258291200e+07, v9;
	v2 =	vmul.f32 v2, v1  }
0x1db: {  	v7 =	vmul.f32 v7, v0;
	v4 =	vadd.f32 $-1.258291200e+07, v4;
	s24 =	sadd.s32 @p1 $0x400, s26;
	v3 =	vmul.f32 v3, v1  }
0x1dc: {  	v8 =	vadd.f32 $1.258291200e+07, v8;
	v5 =	vmul.f32 v5, v0;
	v6 =	vadd.f32 $-1.258291200e+07, v6;
	s25 =	smov.u32 @p1 s24  }
0x1dd: {  	[tilespmem:s25+$0x0] =	vst v7;
	v4 =	vmul.f32 v4, v0;
	v59 =	vadd.f32 $-1.258291200e+07, v9;
	v2 =	vadd.f32 $1.258291200e+07, v2  }
0x1de: {  	v3 =	vadd.f32 $1.258291200e+07, v3;
	[tilespmem:s25+$0xFFFFFFA0] =	vst v5;
	v60 =	vmul.f32 v6, v0;
	v61 =	vadd.f32 $-1.258291200e+07, v8  }
0x1df: {  	s29 =	sshll.u32 s22, $0x3;
	[tilespmem:s25+$0xFFFFFFB0] =	vst v4;
	v62 =	vmul.f32 v59, v0;
	v2 =	vadd.f32 $-1.258291200e+07, v2  }
0x1e0: {  	s24 =	sand.u32 $0x78, s29;
	p1 =	sne.s32 s22, $0x1F;
	v3 =	vadd.f32 $-1.258291200e+07, v3;
	[tilespmem:s25+$0xFFFFFFC0] =	vst v60;
	v63 =	vmul.f32 v61, v0  }
.Ltmp22:
0x1e1: {  	s30 =	sshll.u32 s22, $0x11;
	s24 =	sor.u32 s6, s24;
	[tilespmem:s25+$0xFFFFFFD0] =	vst v62;
	v2 =	vmul.f32 v2, v0;
	(pc) =	sbr.rel @p1 .LBB2_38-.Ltmp22, $4  }
0x1e2: {  	s26 =	sand.u32 $0x200000, s30;
	s24 =	sshll.u32 s24, $0x9;
	v3 =	vmul.f32 v3, v0;
	[tilespmem:s25+$0xFFFFFFE0] =	vst v63  }
0x1e3: {  	s24 =	sor.u32 s26, s24;
	[tilespmem:s25+$0xFFFFFFF0] =	vst v2  }
0x1e4: {  	s31 =	sadd.s32 s2, s24;
	[tilespmem:s25+$0xFFFFFF90] =	vst v3  }
0x1e5: {  	[hbm4b:s31+s4] =	stream.linear.scatter [tilespmem:s16], [sflag:$0x3], $0x4000, $0x38;
	[tilespmem:$0x10200] =	vst v63  }
.Ltmp23:
0x1e6: {  	(pc) =	sbr.rel .LBB2_39-.Ltmp23, $4  }
0x1e7: {  	_ = 	snop  }
0x1e8: {  	_ =	swait.ge [sflag:s17], $0x4000  }
0x1e9: {  	[sflag:s17] =	ssyncset.done $0x0  }
0x1ea: {  	[sflag:s17] =	ssyncadd.s32 $0xFFFFC000  }
.LBB2_38:
0x1eb: {  	s25 =	sadd.s32 $0x2, s23  }
0x1ec: {  	s26 =	sshll.u32 s25, $0x2  }
0x1ed: {  	s25 =	sshll.u32 s25, $0x10;
	s26 =	sand.u32 $0x78, s26  }
0x1ee: {  	s25 =	sand.u32 $0x600000, s25;
	s26 =	sor.u32 s6, s26  }
0x1ef: {  	s25 =	sadd.s32 s1, s25;
	s26 =	sshll.u32 s26, $0x9  }
.Ltmp24:
0x1f0: {  	s25 =	sadd.s32 s26, s25;
	(pc) =	sbr.rel @p0 .LBB2_40-.Ltmp24, $4  }
0x1f1: {  	[tilespmem:s4], [sflag:$0x1] =	stream.linear.gather [hbm4b:s25+s4], $0x4000, $0x38;
	[tilespmem:$0x10200] =	vst v63  }
0x1f2: {  	_ =	swait.ge [sflag:s17], $0x4000  }
0x1f3: {  	[sflag:s17] =	ssyncset.done $0x0  }
0x1f4: {  	[sflag:s17] =	ssyncadd.s32 $0xFFFFC000  }
.LBB2_39:
0x1f5: {  	_ =	swait.ge [sflag:s18], $0x4000  }
0x1f6: {  	[sflag:s18] =	ssyncset.done $0x0  }
0x1f7: {  	[sflag:s18] =	ssyncadd.s32 $0xFFFFC000  }
.LBB2_40:
0x1f8: {  	s25 =	simm.s32 $0x4040  }
0x1f9: {  	v2 =	vld [tilespmem:s25+$0x30]  }
0x1fa: {  	v3 =	vld [tilespmem:s25+$0xFFFFFFD0]  }
0x1fb: {  	v4 =	vld [tilespmem:s25+$0xFFFFFFE0]  }
0x1fc: {  	v5 =	vld [tilespmem:s25+$0xFFFFFFF0]  }
0x1fd: {  	v6 =	vld [tilespmem:s25+$0x0]  }
0x1fe: {  	v7 =	vld [tilespmem:s25+$0x10]  }
0x1ff: {  	v9 =	vld [tilespmem:s25+$0xFFFFFFC0];
	v2 =	vmul.f32 v2, v1;
	_ =	sdelay $0x1  }
0x200: {  	v3 =	vmul.f32 v3, v1;
	v4 =	vmul.f32 v4, v1;
	v2 =	vadd.f32 $1.258291200e+07, v2  }
0x201: {  	v5 =	vmul.f32 v5, v1;
	v6 =	vmul.f32 v6, v1  }
0x202: {  	v8 =	vld [tilespmem:s25+$0x20];
	v7 =	vmul.f32 v7, v1;
	v3 =	vadd.f32 $1.258291200e+07, v3;
	v2 =	vadd.f32 $-1.258291200e+07, v2  }
0x203: {  	s28 =	simm.s32 $0x4440;
	v9 =	vmul.f32 v9, v1;
	v4 =	vadd.f32 $1.258291200e+07, v4;
	v5 =	vadd.f32 $1.258291200e+07, v5  }
0x204: {  	v10 =	vld [tilespmem:s28+$0x30];
	v6 =	vadd.f32 $1.258291200e+07, v6;
	v3 =	vadd.f32 $-1.258291200e+07, v3;
	v2 =	vmul.f32 v2, v0  }
0x205: {  	v11 =	vld [tilespmem:s28+$0xFFFFFFD0];
	s25 =	simm.s32 $0xC040;
	v9 =	vadd.f32 $1.258291200e+07, v9;
	v4 =	vadd.f32 $-1.258291200e+07, v4  }
0x206: {  	v7 =	vadd.f32 $1.258291200e+07, v7;
	v5 =	vadd.f32 $-1.258291200e+07, v5;
	v3 =	vmul.f32 v3, v0;
	[tilespmem:s25+$0x30] =	vst v2;
	v2 =	vld [tilespmem:s28+$0xFFFFFFF0]  }
0x207: {  	v12 =	vld [tilespmem:s28+$0xFFFFFFE0];
	v8 =	vmul.f32 v8, v1;
	v9 =	vadd.f32 $-1.258291200e+07, v9;
	v4 =	vmul.f32 v4, v0  }
0x208: {  	v6 =	vadd.f32 $-1.258291200e+07, v6;
	[tilespmem:s25+$0xFFFFFFD0] =	vst v3;
	v3 =	vmul.f32 v5, v0;
	v5 =	vadd.f32 $-1.258291200e+07, v7  }
0x209: {  	v13 =	vld [tilespmem:s28+$0x0];
	v8 =	vadd.f32 $1.258291200e+07, v8;
	v9 =	vmul.f32 v9, v0;
	v7 =	vmul.f32 v10, v1;
	[tilespmem:s25+$0xFFFFFFE0] =	vst v4  }
0x20a: {  	v14 =	vld [tilespmem:s28+$0x10];
	v4 =	vmul.f32 v6, v0;
	[tilespmem:s25+$0xFFFFFFF0] =	vst v3;
	v3 =	vmul.f32 v5, v0  }
0x20b: {  	v6 =	vadd.f32 $-1.258291200e+07, v8;
	v8 =	vmul.f32 v11, v1;
	v11 =	vmul.f32 v2, v1;
	v2 =	vld [tilespmem:s28+$0x20]  }
0x20c: {  	v5 =	vmul.f32 v12, v1;
	v7 =	vadd.f32 $1.258291200e+07, v7;
	[tilespmem:s25+$0x10] =	vst v3;
	v3 =	vld [tilespmem:s28+$0xFFFFFFC0]  }
0x20d: {  	[tilespmem:s25+$0xFFFFFFC0] =	vst v9;
	v10 =	vadd.f32 $1.258291200e+07, v8;
	v63 =	vmul.f32 v6, v0  }
0x20e: {  	[tilespmem:s25+$0x0] =	vst v4;
	v8 =	vmul.f32 v13, v1;
	v4 =	vadd.f32 $1.258291200e+07, v5;
	v7 =	vadd.f32 $-1.258291200e+07, v7  }
0x20f: {  	s26 =	simm.s32 $0x8;
	v9 =	vmul.f32 v14, v1;
	v5 =	vadd.f32 $-1.258291200e+07, v10;
	[tilespmem:s25+$0x20] =	vst v63;
	s28 =	simm.s32 $0x4840;
	v6 =	vadd.f32 $1.258291200e+07, v11  }
.LBB2_41:
0x210: {  	v10 =	vld [tilespmem:s28+$0x30];
	s26 =	sadd.s32 $0x8, s26;
	v8 =	vadd.f32 $1.258291200e+07, v8;
	v2 =	vmul.f32 v2, v1;
	v7 =	vmul.f32 v7, v0  }
0x211: {  	v4 =	vadd.f32 $-1.258291200e+07, v4;
	s25 =	sadd.s32 $0x400, s25;
	v11 =	vld [tilespmem:s28+$0xFFFFFFD0];
	p0 =	slt.u32 s26, $0x78;
	v3 =	vmul.f32 v3, v1;
	v9 =	vadd.f32 $1.258291200e+07, v9  }
0x212: {  	v5 =	vmul.f32 v5, v0;
	v6 =	vadd.f32 $-1.258291200e+07, v6;
	v12 =	vld [tilespmem:s28+$0xFFFFFFE0];
	v2 =	vadd.f32 $1.258291200e+07, v2;
	[tilespmem:s25+$0x30] =	vst v7  }
0x213: {  	v4 =	vmul.f32 v4, v0;
	v8 =	vadd.f32 $-1.258291200e+07, v8;
	v7 =	vld [tilespmem:s28+$0xFFFFFFF0];
	v3 =	vadd.f32 $1.258291200e+07, v3  }
0x214: {  	v13 =	vld [tilespmem:s28+$0x0];
	[tilespmem:s25+$0xFFFFFFD0] =	vst v5;
	v5 =	vmul.f32 v6, v0;
	v6 =	vadd.f32 $-1.258291200e+07, v9;
	v9 =	vadd.f32 $-1.258291200e+07, v2  }
0x215: {  	v14 =	vld [tilespmem:s28+$0x10];
	v10 =	vmul.f32 v10, v1;
	v15 =	vadd.f32 $-1.258291200e+07, v3;
	[tilespmem:s25+$0xFFFFFFE0] =	vst v4;
	v4 =	vmul.f32 v8, v0  }
.Ltmp25:
0x216: {  	v8 =	vmul.f32 v11, v1;
	v2 =	vld [tilespmem:s28+$0x20];
	[tilespmem:s25+$0xFFFFFFF0] =	vst v5;
	v5 =	vmul.f32 v6, v0;
	(pc) =	sbr.rel @p0 .LBB2_41-.Ltmp25, $4  }
0x217: {  	v3 =	vld [tilespmem:s28+$0xFFFFFFC0];
	v6 =	vmul.f32 v12, v1;
	v10 =	vadd.f32 $1.258291200e+07, v10;
	v11 =	vmul.f32 v15, v0;
	[tilespmem:s25+$0x0] =	vst v4  }
0x218: {  	v16 =	vmul.f32 v9, v0;
	v12 =	vadd.f32 $1.258291200e+07, v8;
	v15 =	vmul.f32 v7, v1;
	[tilespmem:s25+$0x10] =	vst v5  }
0x219: {  	v4 =	vadd.f32 $1.258291200e+07, v6;
	v8 =	vmul.f32 v13, v1;
	v7 =	vadd.f32 $-1.258291200e+07, v10;
	[tilespmem:s25+$0xFFFFFFC0] =	vst v11  }
0x21a: {  	s28 =	sadd.s32 $0x400, s28;
	v5 =	vadd.f32 $-1.258291200e+07, v12;
	v6 =	vadd.f32 $1.258291200e+07, v15;
	v9 =	vmul.f32 v14, v1;
	[tilespmem:s25+$0x20] =	vst v16  }
0x21b: {  	v8 =	vadd.f32 $1.258291200e+07, v8;
	v2 =	vmul.f32 v2, v1  }
0x21c: {  	v7 =	vmul.f32 v7, v0;
	v4 =	vadd.f32 $-1.258291200e+07, v4;
	v3 =	vmul.f32 v3, v1  }
0x21d: {  	s25 =	sadd.s32 $0x400, s25;
	v9 =	vadd.f32 $1.258291200e+07, v9;
	v5 =	vmul.f32 v5, v0;
	v6 =	vadd.f32 $-1.258291200e+07, v6  }
0x21e: {  	[tilespmem:s25+$0x30] =	vst v7;
	v4 =	vmul.f32 v4, v0;
	v7 =	vadd.f32 $-1.258291200e+07, v8;
	v2 =	vadd.f32 $1.258291200e+07, v2  }
0x21f: {  	v3 =	vadd.f32 $1.258291200e+07, v3;
	[tilespmem:s25+$0xFFFFFFD0] =	vst v5;
	v5 =	vmul.f32 v6, v0;
	v6 =	vadd.f32 $-1.258291200e+07, v9  }
0x220: {  	[tilespmem:s25+$0xFFFFFFE0] =	vst v4;
	v4 =	vmul.f32 v7, v0;
	v2 =	vadd.f32 $-1.258291200e+07, v2  }
0x221: {  	v3 =	vadd.f32 $-1.258291200e+07, v3;
	[tilespmem:s25+$0xFFFFFFF0] =	vst v5;
	v5 =	vmul.f32 v6, v0  }
0x222: {  	[tilespmem:s25+$0x0] =	vst v4;
	v2 =	vmul.f32 v2, v0  }
0x223: {  	v3 =	vmul.f32 v3, v0;
	[tilespmem:s25+$0x10] =	vst v5  }
0x224: {  	[tilespmem:s25+$0x20] =	vst v2  }
0x225: {  	s26 =	simm.s32 $0x40F0;
	[tilespmem:s25+$0xFFFFFFC0] =	vst v3  }
0x226: {  	v2 =	vld [tilespmem:s26+$0x0]  }
0x227: {  	v3 =	vld [tilespmem:s26+$0xFFFFFFA0]  }
0x228: {  	v4 =	vld [tilespmem:s26+$0xFFFFFFB0]  }
0x229: {  	v5 =	vld [tilespmem:s26+$0xFFFFFFC0]  }
0x22a: {  	v6 =	vld [tilespmem:s26+$0xFFFFFFD0]  }
0x22b: {  	v7 =	vld [tilespmem:s26+$0xFFFFFFE0]  }
0x22c: {  	v9 =	vld [tilespmem:s26+$0xFFFFFF90];
	v2 =	vmul.f32 v2, v1;
	_ =	sdelay $0x1  }
0x22d: {  	v3 =	vmul.f32 v3, v1;
	v4 =	vmul.f32 v4, v1;
	v2 =	vadd.f32 $1.258291200e+07, v2  }
0x22e: {  	v5 =	vmul.f32 v5, v1;
	v6 =	vmul.f32 v6, v1  }
0x22f: {  	v8 =	vld [tilespmem:s26+$0xFFFFFFF0];
	v7 =	vmul.f32 v7, v1;
	v3 =	vadd.f32 $1.258291200e+07, v3;
	v2 =	vadd.f32 $-1.258291200e+07, v2  }
0x230: {  	s28 =	simm.s32 $0x44F0;
	v9 =	vmul.f32 v9, v1;
	v4 =	vadd.f32 $1.258291200e+07, v4;
	v5 =	vadd.f32 $1.258291200e+07, v5  }
0x231: {  	v10 =	vld [tilespmem:s28+$0x0];
	v6 =	vadd.f32 $1.258291200e+07, v6;
	v3 =	vadd.f32 $-1.258291200e+07, v3;
	v2 =	vmul.f32 v2, v0  }
0x232: {  	s25 =	simm.s32 $0xC0F0;
	v11 =	vld [tilespmem:s28+$0xFFFFFFA0];
	v9 =	vadd.f32 $1.258291200e+07, v9;
	v4 =	vadd.f32 $-1.258291200e+07, v4  }
0x233: {  	v7 =	vadd.f32 $1.258291200e+07, v7;
	v5 =	vadd.f32 $-1.258291200e+07, v5;
	v3 =	vmul.f32 v3, v0;
	[tilespmem:s25+$0x0] =	vst v2;
	v2 =	vld [tilespmem:s28+$0xFFFFFFC0]  }
0x234: {  	v12 =	vld [tilespmem:s28+$0xFFFFFFB0];
	v8 =	vmul.f32 v8, v1;
	v9 =	vadd.f32 $-1.258291200e+07, v9;
	v4 =	vmul.f32 v4, v0  }
0x235: {  	v6 =	vadd.f32 $-1.258291200e+07, v6;
	[tilespmem:s25+$0xFFFFFFA0] =	vst v3;
	v3 =	vmul.f32 v5, v0;
	v5 =	vadd.f32 $-1.258291200e+07, v7  }
0x236: {  	v13 =	vld [tilespmem:s28+$0xFFFFFFD0];
	v8 =	vadd.f32 $1.258291200e+07, v8;
	v9 =	vmul.f32 v9, v0;
	v7 =	vmul.f32 v10, v1;
	[tilespmem:s25+$0xFFFFFFB0] =	vst v4  }
0x237: {  	v14 =	vld [tilespmem:s28+$0xFFFFFFE0];
	v4 =	vmul.f32 v6, v0;
	[tilespmem:s25+$0xFFFFFFC0] =	vst v3;
	v3 =	vmul.f32 v5, v0  }
0x238: {  	v6 =	vadd.f32 $-1.258291200e+07, v8;
	v8 =	vmul.f32 v11, v1;
	v11 =	vmul.f32 v2, v1;
	v2 =	vld [tilespmem:s28+$0xFFFFFFF0]  }
0x239: {  	v5 =	vmul.f32 v12, v1;
	v7 =	vadd.f32 $1.258291200e+07, v7;
	[tilespmem:s25+$0xFFFFFFE0] =	vst v3;
	v3 =	vld [tilespmem:s28+$0xFFFFFF90]  }
0x23a: {  	[tilespmem:s25+$0xFFFFFF90] =	vst v9;
	v10 =	vadd.f32 $1.258291200e+07, v8;
	v63 =	vmul.f32 v6, v0  }
0x23b: {  	[tilespmem:s25+$0xFFFFFFD0] =	vst v4;
	v8 =	vmul.f32 v13, v1;
	v4 =	vadd.f32 $1.258291200e+07, v5;
	v7 =	vadd.f32 $-1.258291200e+07, v7  }
0x23c: {  	s26 =	simm.s32 $0x8;
	v9 =	vmul.f32 v14, v1;
	v5 =	vadd.f32 $-1.258291200e+07, v10;
	[tilespmem:s25+$0xFFFFFFF0] =	vst v63;
	s28 =	simm.s32 $0x48F0;
	v6 =	vadd.f32 $1.258291200e+07, v11  }
.LBB2_43:
0x23d: {  	v10 =	vld [tilespmem:s28+$0x0];
	s26 =	sadd.s32 $0x8, s26;
	v8 =	vadd.f32 $1.258291200e+07, v8;
	v2 =	vmul.f32 v2, v1;
	v7 =	vmul.f32 v7, v0  }
0x23e: {  	v4 =	vadd.f32 $-1.258291200e+07, v4;
	s25 =	sadd.s32 $0x400, s25;
	v11 =	vld [tilespmem:s28+$0xFFFFFFA0];
	p0 =	slt.u32 s26, $0x78;
	v3 =	vmul.f32 v3, v1;
	v9 =	vadd.f32 $1.258291200e+07, v9  }
0x23f: {  	v5 =	vmul.f32 v5, v0;
	v6 =	vadd.f32 $-1.258291200e+07, v6;
	v12 =	vld [tilespmem:s28+$0xFFFFFFB0];
	v2 =	vadd.f32 $1.258291200e+07, v2;
	[tilespmem:s25+$0x0] =	vst v7  }
0x240: {  	v4 =	vmul.f32 v4, v0;
	v8 =	vadd.f32 $-1.258291200e+07, v8;
	v7 =	vld [tilespmem:s28+$0xFFFFFFC0];
	v3 =	vadd.f32 $1.258291200e+07, v3  }
0x241: {  	v13 =	vld [tilespmem:s28+$0xFFFFFFD0];
	[tilespmem:s25+$0xFFFFFFA0] =	vst v5;
	v5 =	vmul.f32 v6, v0;
	v6 =	vadd.f32 $-1.258291200e+07, v9;
	v9 =	vadd.f32 $-1.258291200e+07, v2  }
0x242: {  	v14 =	vld [tilespmem:s28+$0xFFFFFFE0];
	v10 =	vmul.f32 v10, v1;
	v15 =	vadd.f32 $-1.258291200e+07, v3;
	[tilespmem:s25+$0xFFFFFFB0] =	vst v4;
	v4 =	vmul.f32 v8, v0  }
.Ltmp26:
0x243: {  	v8 =	vmul.f32 v11, v1;
	v2 =	vld [tilespmem:s28+$0xFFFFFFF0];
	[tilespmem:s25+$0xFFFFFFC0] =	vst v5;
	v5 =	vmul.f32 v6, v0;
	(pc) =	sbr.rel @p0 .LBB2_43-.Ltmp26, $4  }
0x244: {  	v3 =	vld [tilespmem:s28+$0xFFFFFF90];
	v6 =	vmul.f32 v12, v1;
	v10 =	vadd.f32 $1.258291200e+07, v10;
	v11 =	vmul.f32 v15, v0;
	[tilespmem:s25+$0xFFFFFFD0] =	vst v4  }
0x245: {  	v16 =	vmul.f32 v9, v0;
	v12 =	vadd.f32 $1.258291200e+07, v8;
	v15 =	vmul.f32 v7, v1;
	[tilespmem:s25+$0xFFFFFFE0] =	vst v5  }
0x246: {  	v4 =	vadd.f32 $1.258291200e+07, v6;
	v8 =	vmul.f32 v13, v1;
	v7 =	vadd.f32 $-1.258291200e+07, v10;
	[tilespmem:s25+$0xFFFFFF90] =	vst v11  }
0x247: {  	s28 =	sadd.s32 $0x400, s28;
	v5 =	vadd.f32 $-1.258291200e+07, v12;
	v6 =	vadd.f32 $1.258291200e+07, v15;
	v9 =	vmul.f32 v14, v1;
	[tilespmem:s25+$0xFFFFFFF0] =	vst v16  }
0x248: {  	v8 =	vadd.f32 $1.258291200e+07, v8;
	v2 =	vmul.f32 v2, v1  }
0x249: {  	v7 =	vmul.f32 v7, v0;
	v4 =	vadd.f32 $-1.258291200e+07, v4;
	v3 =	vmul.f32 v3, v1  }
0x24a: {  	s25 =	sadd.s32 $0x400, s25;
	v9 =	vadd.f32 $1.258291200e+07, v9;
	v5 =	vmul.f32 v5, v0;
	v6 =	vadd.f32 $-1.258291200e+07, v6  }
0x24b: {  	[tilespmem:s25+$0x0] =	vst v7;
	v4 =	vmul.f32 v4, v0;
	v7 =	vadd.f32 $-1.258291200e+07, v8;
	v2 =	vadd.f32 $1.258291200e+07, v2  }
0x24c: {  	v3 =	vadd.f32 $1.258291200e+07, v3;
	[tilespmem:s25+$0xFFFFFFA0] =	vst v5;
	v5 =	vmul.f32 v6, v0;
	v6 =	vadd.f32 $-1.258291200e+07, v9  }
0x24d: {  	[tilespmem:s25+$0xFFFFFFB0] =	vst v4;
	v4 =	vmul.f32 v7, v0;
	v2 =	vadd.f32 $-1.258291200e+07, v2  }
0x24e: {  	v3 =	vadd.f32 $-1.258291200e+07, v3;
	[tilespmem:s25+$0xFFFFFFC0] =	vst v5;
	v5 =	vmul.f32 v6, v0  }
0x24f: {  	[tilespmem:s25+$0xFFFFFFD0] =	vst v4;
	v2 =	vmul.f32 v2, v0  }
0x250: {  	v3 =	vmul.f32 v3, v0;
	[tilespmem:s25+$0xFFFFFFE0] =	vst v5  }
0x251: {  	[tilespmem:s25+$0xFFFFFFF0] =	vst v2  }
0x252: {  	s26 =	simm.s32 $0x4170;
	[tilespmem:s25+$0xFFFFFF90] =	vst v3  }
0x253: {  	v2 =	vld [tilespmem:s26+$0x0]  }
0x254: {  	v3 =	vld [tilespmem:s26+$0xFFFFFFA0]  }
0x255: {  	v4 =	vld [tilespmem:s26+$0xFFFFFFB0]  }
0x256: {  	v5 =	vld [tilespmem:s26+$0xFFFFFFC0];
	_ =	sdelay $0x1  }
0x257: {  	v6 =	vld [tilespmem:s26+$0xFFFFFFD0]  }
0x258: {  	p1 =	por $0x1, $0x1;
	v8 =	vld [tilespmem:s26+$0xFFFFFFE0]  }
.Ltmp27:
0x259: {  	v2 =	vmul.f32 v2, v1;
	v3 =	vmul.f32 v3, v1;
	(pc) =	sbr.rel @!p1 .LBB2_45-.Ltmp27, $4  }
0x25a: {  	v4 =	vmul.f32 v4, v1;
	v11 =	vmul.f32 v5, v1  }
0x25b: {  	v7 =	vadd.f32 $1.258291200e+07, v2;
	v10 =	vadd.f32 $1.258291200e+07, v3  }
0x25c: {  	v9 =	vmul.f32 v6, v1;
	v2 =	vld [tilespmem:s26+$0xFFFFFFF0];
	v4 =	vadd.f32 $1.258291200e+07, v4;
	v6 =	vadd.f32 $1.258291200e+07, v11  }
0x25d: {  	s28 =	simm.s32 $0x4570;
	p0 =	por $0x0, $0x0;
	s25 =	simm.s32 $0xC170;
	v8 =	vmul.f32 v8, v1;
	v3 =	vld [tilespmem:s26+$0xFFFFFF90];
	v7 =	vadd.f32 $-1.258291200e+07, v7;
	v5 =	vadd.f32 $-1.258291200e+07, v10  }
0x25e: {  	_ =	sdelay $0x3  }
0x25f: {  	v9 =	vadd.f32 $1.258291200e+07, v9;
	v3 =	vmul.f32 v3, v1  }
0x260: {  	v10 =	vld [tilespmem:s28+$0x0];
	v4 =	vadd.f32 $-1.258291200e+07, v4;
	v7 =	vmul.f32 v7, v0;
	v2 =	vmul.f32 v2, v1  }
0x261: {  	v11 =	vld [tilespmem:s28+$0xFFFFFFA0];
	v6 =	vadd.f32 $-1.258291200e+07, v6;
	v5 =	vmul.f32 v5, v0;
	v3 =	vadd.f32 $1.258291200e+07, v3  }
0x262: {  	v12 =	vld [tilespmem:s28+$0xFFFFFFB0];
	v4 =	vmul.f32 v4, v0;
	v9 =	vadd.f32 $-1.258291200e+07, v9;
	[tilespmem:s25+$0x0] =	vst v7;
	v2 =	vadd.f32 $1.258291200e+07, v2  }
0x263: {  	v8 =	vadd.f32 $1.258291200e+07, v8;
	v7 =	vld [tilespmem:s28+$0xFFFFFFC0];
	[tilespmem:s25+$0xFFFFFFA0] =	vst v5;
	v3 =	vadd.f32 $-1.258291200e+07, v3  }
0x264: {  	v13 =	vld [tilespmem:s28+$0xFFFFFFD0];
	v5 =	vmul.f32 v6, v0;
	[tilespmem:s25+$0xFFFFFFB0] =	vst v4;
	v4 =	vmul.f32 v9, v0;
	v2 =	vadd.f32 $-1.258291200e+07, v2  }
0x265: {  	p3 =	por $0x1, $0x1;
	v6 =	vadd.f32 $-1.258291200e+07, v8;
	v8 =	vld [tilespmem:s28+$0xFFFFFFE0];
	v10 =	vmul.f32 v10, v1;
	v3 =	vmul.f32 v3, v0  }
.Ltmp28:
0x266: {  	v9 =	vmul.f32 v11, v1;
	[tilespmem:s25+$0xFFFFFFC0] =	vst v5;
	v14 =	vmul.f32 v2, v0;
	v2 =	vld [tilespmem:s28+$0xFFFFFFF0];
	(pc) =	sbr.rel @!p3 .LBB2_47-.Ltmp28, $4  }
0x267: {  	v5 =	vmul.f32 v6, v0;
	v6 =	vmul.f32 v12, v1;
	v10 =	vadd.f32 $1.258291200e+07, v10;
	[tilespmem:s25+$0xFFFFFF90] =	vst v3;
	v3 =	vld [tilespmem:s28+$0xFFFFFF90]  }
0x268: {  	[tilespmem:s25+$0xFFFFFFD0] =	vst v4;
	v11 =	vadd.f32 $1.258291200e+07, v9;
	v63 =	vmul.f32 v7, v1  }
0x269: {  	s26 =	simm.s32 $0x8;
	[tilespmem:s25+$0xFFFFFFE0] =	vst v5;
	v4 =	vadd.f32 $1.258291200e+07, v6;
	v9 =	vmul.f32 v13, v1;
	v7 =	vadd.f32 $-1.258291200e+07, v10  }
0x26a: {  	s29 =	simm.s32 $0x4970;
	p2 =	por $0x1, $0x1;
	v8 =	vmul.f32 v8, v1;
	v5 =	vadd.f32 $-1.258291200e+07, v11;
	v6 =	vadd.f32 $1.258291200e+07, v63;
	[tilespmem:s25+$0xFFFFFFF0] =	vst v14;
	s28 =	simm.s32 $0xC170  }
.LBB2_48:
0x26b: {  	v10 =	vld [tilespmem:s29+$0x0];
	s26 =	sadd.s32 $0x8, s26;
	v9 =	vadd.f32 $1.258291200e+07, v9;
	v2 =	vmul.f32 v2, v1;
	v7 =	vmul.f32 v7, v0  }
0x26c: {  	v4 =	vadd.f32 $-1.258291200e+07, v4;
	s28 =	sadd.s32 $0x400, s28;
	v11 =	vld [tilespmem:s29+$0xFFFFFFA0];
	p3 =	slt.u32 s26, $0x78;
	v3 =	vmul.f32 v3, v1;
	v8 =	vadd.f32 $1.258291200e+07, v8  }
0x26d: {  	v5 =	vmul.f32 v5, v0;
	v6 =	vadd.f32 $-1.258291200e+07, v6;
	v12 =	vld [tilespmem:s29+$0xFFFFFFB0];
	v2 =	vadd.f32 $1.258291200e+07, v2;
	[tilespmem:s28+$0x0] =	vst v7  }
0x26e: {  	v4 =	vmul.f32 v4, v0;
	v9 =	vadd.f32 $-1.258291200e+07, v9;
	v7 =	vld [tilespmem:s29+$0xFFFFFFC0];
	v3 =	vadd.f32 $1.258291200e+07, v3  }
0x26f: {  	v13 =	vld [tilespmem:s29+$0xFFFFFFD0];
	[tilespmem:s28+$0xFFFFFFA0] =	vst v5;
	v5 =	vmul.f32 v6, v0;
	v6 =	vadd.f32 $-1.258291200e+07, v8;
	v8 =	vadd.f32 $-1.258291200e+07, v2  }
0x270: {  	v14 =	vld [tilespmem:s29+$0xFFFFFFE0];
	v10 =	vmul.f32 v10, v1;
	v15 =	vadd.f32 $-1.258291200e+07, v3;
	[tilespmem:s28+$0xFFFFFFB0] =	vst v4;
	v4 =	vmul.f32 v9, v0  }
.Ltmp29:
0x271: {  	v9 =	vmul.f32 v11, v1;
	v2 =	vld [tilespmem:s29+$0xFFFFFFF0];
	[tilespmem:s28+$0xFFFFFFC0] =	vst v5;
	v5 =	vmul.f32 v6, v0;
	(pc) =	sbr.rel @p3 .LBB2_48-.Ltmp29, $4  }
0x272: {  	v3 =	vld [tilespmem:s29+$0xFFFFFF90];
	v6 =	vmul.f32 v12, v1;
	v10 =	vadd.f32 $1.258291200e+07, v10;
	v11 =	vmul.f32 v15, v0;
	[tilespmem:s28+$0xFFFFFFD0] =	vst v4  }
0x273: {  	v16 =	vmul.f32 v8, v0;
	v12 =	vadd.f32 $1.258291200e+07, v9;
	v15 =	vmul.f32 v7, v1;
	[tilespmem:s28+$0xFFFFFFE0] =	vst v5  }
0x274: {  	v4 =	vadd.f32 $1.258291200e+07, v6;
	v9 =	vmul.f32 v13, v1;
	v7 =	vadd.f32 $-1.258291200e+07, v10;
	[tilespmem:s28+$0xFFFFFF90] =	vst v11  }
0x275: {  	s29 =	sadd.s32 $0x400, s29;
	v5 =	vadd.f32 $-1.258291200e+07, v12;
	v6 =	vadd.f32 $1.258291200e+07, v15;
	v8 =	vmul.f32 v14, v1;
	[tilespmem:s28+$0xFFFFFFF0] =	vst v16  }
.LBB2_49:
0x276: {  	v9 =	vadd.f32 $1.258291200e+07, v9;
	v2 =	vmul.f32 v2, v1  }
0x277: {  	v7 =	vmul.f32 v7, v0;
	v4 =	vadd.f32 $-1.258291200e+07, v4;
	s26 =	sadd.s32 @p2 $0x400, s28;
	v3 =	vmul.f32 v3, v1  }
0x278: {  	v8 =	vadd.f32 $1.258291200e+07, v8;
	v5 =	vmul.f32 v5, v0;
	v6 =	vadd.f32 $-1.258291200e+07, v6;
	s25 =	smov.u32 @p2 s26  }
0x279: {  	[tilespmem:s25+$0x0] =	vst v7;
	v4 =	vmul.f32 v4, v0;
	v7 =	vadd.f32 $-1.258291200e+07, v9;
	v2 =	vadd.f32 $1.258291200e+07, v2  }
0x27a: {  	v3 =	vadd.f32 $1.258291200e+07, v3;
	[tilespmem:s25+$0xFFFFFFA0] =	vst v5;
	v5 =	vmul.f32 v6, v0;
	v6 =	vadd.f32 $-1.258291200e+07, v8  }
0x27b: {  	[tilespmem:s25+$0xFFFFFFB0] =	vst v4;
	v4 =	vmul.f32 v7, v0;
	v2 =	vadd.f32 $-1.258291200e+07, v2  }
0x27c: {  	v3 =	vadd.f32 $-1.258291200e+07, v3;
	[tilespmem:s25+$0xFFFFFFC0] =	vst v5;
	v5 =	vmul.f32 v6, v0  }
0x27d: {  	[tilespmem:s25+$0xFFFFFFD0] =	vst v4;
	v2 =	vmul.f32 v2, v0  }
0x27e: {  	v3 =	vmul.f32 v3, v0;
	[tilespmem:s25+$0xFFFFFFE0] =	vst v5  }
0x27f: {  	[tilespmem:s25+$0xFFFFFFF0] =	vst v2  }
0x280: {  	s31 =	simm.s32 $0x41F0;
	[tilespmem:s25+$0xFFFFFF90] =	vst v3  }
0x281: {  	v2 =	vld [tilespmem:s31+$0x0]  }
0x282: {  	v3 =	vld [tilespmem:s31+$0xFFFFFFA0]  }
0x283: {  	v4 =	vld [tilespmem:s31+$0xFFFFFFB0]  }
0x284: {  	v5 =	vld [tilespmem:s31+$0xFFFFFFC0];
	_ =	sdelay $0x1  }
0x285: {  	v6 =	vld [tilespmem:s31+$0xFFFFFFD0]  }
0x286: {  	v8 =	vld [tilespmem:s31+$0xFFFFFFE0]  }
.Ltmp30:
0x287: {  	v2 =	vmul.f32 v2, v1;
	v3 =	vmul.f32 v3, v1;
	(pc) =	sbr.rel @!p1 .LBB2_50-.Ltmp30, $4  }
0x288: {  	v4 =	vmul.f32 v4, v1;
	v11 =	vmul.f32 v5, v1  }
0x289: {  	v7 =	vadd.f32 $1.258291200e+07, v2;
	v10 =	vadd.f32 $1.258291200e+07, v3  }
0x28a: {  	v9 =	vmul.f32 v6, v1;
	v2 =	vld [tilespmem:s31+$0xFFFFFFF0];
	v4 =	vadd.f32 $1.258291200e+07, v4;
	v6 =	vadd.f32 $1.258291200e+07, v11  }
0x28b: {  	s28 =	simm.s32 $0x45F0;
	s25 =	simm.s32 $0xC1F0;
	v8 =	vmul.f32 v8, v1;
	v3 =	vld [tilespmem:s31+$0xFFFFFF90];
	v7 =	vadd.f32 $-1.258291200e+07, v7;
	v5 =	vadd.f32 $-1.258291200e+07, v10  }
0x28c: {  	_ =	sdelay $0x3  }
0x28d: {  	v9 =	vadd.f32 $1.258291200e+07, v9;
	v3 =	vmul.f32 v3, v1  }
0x28e: {  	v10 =	vld [tilespmem:s28+$0x0];
	v4 =	vadd.f32 $-1.258291200e+07, v4;
	v7 =	vmul.f32 v7, v0;
	v2 =	vmul.f32 v2, v1  }
0x28f: {  	v11 =	vld [tilespmem:s28+$0xFFFFFFA0];
	v6 =	vadd.f32 $-1.258291200e+07, v6;
	v5 =	vmul.f32 v5, v0;
	v3 =	vadd.f32 $1.258291200e+07, v3  }
0x290: {  	v12 =	vld [tilespmem:s28+$0xFFFFFFB0];
	v4 =	vmul.f32 v4, v0;
	v9 =	vadd.f32 $-1.258291200e+07, v9;
	[tilespmem:s25+$0x0] =	vst v7;
	v2 =	vadd.f32 $1.258291200e+07, v2  }
0x291: {  	v8 =	vadd.f32 $1.258291200e+07, v8;
	v7 =	vld [tilespmem:s28+$0xFFFFFFC0];
	[tilespmem:s25+$0xFFFFFFA0] =	vst v5;
	v3 =	vadd.f32 $-1.258291200e+07, v3  }
0x292: {  	v13 =	vld [tilespmem:s28+$0xFFFFFFD0];
	v5 =	vmul.f32 v6, v0;
	[tilespmem:s25+$0xFFFFFFB0] =	vst v4;
	v4 =	vmul.f32 v9, v0;
	v2 =	vadd.f32 $-1.258291200e+07, v2  }
0x293: {  	p1 =	por $0x1, $0x1;
	v6 =	vadd.f32 $-1.258291200e+07, v8;
	v8 =	vld [tilespmem:s28+$0xFFFFFFE0];
	v10 =	vmul.f32 v10, v1;
	v3 =	vmul.f32 v3, v0  }
.Ltmp31:
0x294: {  	v9 =	vmul.f32 v11, v1;
	[tilespmem:s25+$0xFFFFFFC0] =	vst v5;
	v14 =	vmul.f32 v2, v0;
	v2 =	vld [tilespmem:s28+$0xFFFFFFF0];
	(pc) =	sbr.rel @!p1 .LBB2_52-.Ltmp31, $4  }
0x295: {  	v5 =	vmul.f32 v6, v0;
	v6 =	vmul.f32 v12, v1;
	v10 =	vadd.f32 $1.258291200e+07, v10;
	[tilespmem:s25+$0xFFFFFF90] =	vst v3;
	v3 =	vld [tilespmem:s28+$0xFFFFFF90]  }
0x296: {  	[tilespmem:s25+$0xFFFFFFD0] =	vst v4;
	v11 =	vadd.f32 $1.258291200e+07, v9;
	v63 =	vmul.f32 v7, v1  }
0x297: {  	s26 =	simm.s32 $0x8;
	[tilespmem:s25+$0xFFFFFFE0] =	vst v5;
	v4 =	vadd.f32 $1.258291200e+07, v6;
	v9 =	vmul.f32 v13, v1;
	v7 =	vadd.f32 $-1.258291200e+07, v10  }
0x298: {  	s29 =	simm.s32 $0x49F0;
	p0 =	por $0x1, $0x1;
	v8 =	vmul.f32 v8, v1;
	v5 =	vadd.f32 $-1.258291200e+07, v11;
	v6 =	vadd.f32 $1.258291200e+07, v63;
	[tilespmem:s25+$0xFFFFFFF0] =	vst v14;
	s28 =	simm.s32 $0xC1F0  }
.LBB2_53:
0x299: {  	v10 =	vld [tilespmem:s29+$0x0];
	s26 =	sadd.s32 $0x8, s26;
	v9 =	vadd.f32 $1.258291200e+07, v9;
	v2 =	vmul.f32 v2, v1;
	v7 =	vmul.f32 v7, v0  }
0x29a: {  	v4 =	vadd.f32 $-1.258291200e+07, v4;
	s28 =	sadd.s32 $0x400, s28;
	v11 =	vld [tilespmem:s29+$0xFFFFFFA0];
	p1 =	slt.u32 s26, $0x78;
	v3 =	vmul.f32 v3, v1;
	v8 =	vadd.f32 $1.258291200e+07, v8  }
0x29b: {  	v5 =	vmul.f32 v5, v0;
	v6 =	vadd.f32 $-1.258291200e+07, v6;
	v12 =	vld [tilespmem:s29+$0xFFFFFFB0];
	v2 =	vadd.f32 $1.258291200e+07, v2;
	[tilespmem:s28+$0x0] =	vst v7  }
0x29c: {  	v4 =	vmul.f32 v4, v0;
	v9 =	vadd.f32 $-1.258291200e+07, v9;
	v7 =	vld [tilespmem:s29+$0xFFFFFFC0];
	v3 =	vadd.f32 $1.258291200e+07, v3  }
0x29d: {  	v13 =	vld [tilespmem:s29+$0xFFFFFFD0];
	[tilespmem:s28+$0xFFFFFFA0] =	vst v5;
	v5 =	vmul.f32 v6, v0;
	v6 =	vadd.f32 $-1.258291200e+07, v8;
	v8 =	vadd.f32 $-1.258291200e+07, v2  }
0x29e: {  	v14 =	vld [tilespmem:s29+$0xFFFFFFE0];
	v10 =	vmul.f32 v10, v1;
	v15 =	vadd.f32 $-1.258291200e+07, v3;
	[tilespmem:s28+$0xFFFFFFB0] =	vst v4;
	v4 =	vmul.f32 v9, v0  }
.Ltmp32:
0x29f: {  	v9 =	vmul.f32 v11, v1;
	v2 =	vld [tilespmem:s29+$0xFFFFFFF0];
	[tilespmem:s28+$0xFFFFFFC0] =	vst v5;
	v5 =	vmul.f32 v6, v0;
	(pc) =	sbr.rel @p1 .LBB2_53-.Ltmp32, $4  }
0x2a0: {  	v3 =	vld [tilespmem:s29+$0xFFFFFF90];
	v6 =	vmul.f32 v12, v1;
	v10 =	vadd.f32 $1.258291200e+07, v10;
	v11 =	vmul.f32 v15, v0;
	[tilespmem:s28+$0xFFFFFFD0] =	vst v4  }
0x2a1: {  	v16 =	vmul.f32 v8, v0;
	v12 =	vadd.f32 $1.258291200e+07, v9;
	v15 =	vmul.f32 v7, v1;
	[tilespmem:s28+$0xFFFFFFE0] =	vst v5  }
0x2a2: {  	v4 =	vadd.f32 $1.258291200e+07, v6;
	v9 =	vmul.f32 v13, v1;
	v7 =	vadd.f32 $-1.258291200e+07, v10;
	[tilespmem:s28+$0xFFFFFF90] =	vst v11  }
0x2a3: {  	s29 =	sadd.s32 $0x400, s29;
	v5 =	vadd.f32 $-1.258291200e+07, v12;
	v6 =	vadd.f32 $1.258291200e+07, v15;
	v8 =	vmul.f32 v14, v1;
	[tilespmem:s28+$0xFFFFFFF0] =	vst v16  }
.LBB2_54:
0x2a4: {  	v9 =	vadd.f32 $1.258291200e+07, v9;
	v2 =	vmul.f32 v2, v1  }
0x2a5: {  	v7 =	vmul.f32 v7, v0;
	v4 =	vadd.f32 $-1.258291200e+07, v4;
	s26 =	sadd.s32 @p0 $0x400, s28;
	v3 =	vmul.f32 v3, v1  }
0x2a6: {  	v8 =	vadd.f32 $1.258291200e+07, v8;
	v5 =	vmul.f32 v5, v0;
	v6 =	vadd.f32 $-1.258291200e+07, v6;
	s25 =	smov.u32 @p0 s26  }
0x2a7: {  	[tilespmem:s25+$0x0] =	vst v7;
	v4 =	vmul.f32 v4, v0;
	v7 =	vadd.f32 $-1.258291200e+07, v9;
	v2 =	vadd.f32 $1.258291200e+07, v2  }
0x2a8: {  	v3 =	vadd.f32 $1.258291200e+07, v3;
	[tilespmem:s25+$0xFFFFFFA0] =	vst v5;
	v5 =	vmul.f32 v6, v0;
	v6 =	vadd.f32 $-1.258291200e+07, v8  }
0x2a9: {  	[tilespmem:s25+$0xFFFFFFB0] =	vst v4;
	v4 =	vmul.f32 v7, v0;
	v2 =	vadd.f32 $-1.258291200e+07, v2  }
0x2aa: {  	v3 =	vadd.f32 $-1.258291200e+07, v3;
	[tilespmem:s25+$0xFFFFFFC0] =	vst v5;
	v5 =	vmul.f32 v6, v0  }
0x2ab: {  	[tilespmem:s25+$0xFFFFFFD0] =	vst v4;
	v2 =	vmul.f32 v2, v0  }
0x2ac: {  	v3 =	vmul.f32 v3, v0;
	[tilespmem:s25+$0xFFFFFFE0] =	vst v5  }
0x2ad: {  	[tilespmem:s25+$0xFFFFFFF0] =	vst v2  }
0x2ae: {  	s31 =	simm.s32 $0x4270;
	[tilespmem:s25+$0xFFFFFF90] =	vst v3  }
0x2af: {  	v2 =	vld [tilespmem:s31+$0x0]  }
0x2b0: {  	v3 =	vld [tilespmem:s31+$0xFFFFFFA0]  }
0x2b1: {  	v4 =	vld [tilespmem:s31+$0xFFFFFFB0]  }
0x2b2: {  	v5 =	vld [tilespmem:s31+$0xFFFFFFC0];
	_ =	sdelay $0x1  }
0x2b3: {  	v6 =	vld [tilespmem:s31+$0xFFFFFFD0]  }
0x2b4: {  	p1 =	por $0x1, $0x1;
	v8 =	vld [tilespmem:s31+$0xFFFFFFE0]  }
.Ltmp33:
0x2b5: {  	v2 =	vmul.f32 v2, v1;
	v3 =	vmul.f32 v3, v1;
	(pc) =	sbr.rel @!p1 .LBB2_55-.Ltmp33, $4  }
0x2b6: {  	v4 =	vmul.f32 v4, v1;
	v11 =	vmul.f32 v5, v1  }
0x2b7: {  	v7 =	vadd.f32 $1.258291200e+07, v2;
	v10 =	vadd.f32 $1.258291200e+07, v3  }
0x2b8: {  	v9 =	vmul.f32 v6, v1;
	v2 =	vld [tilespmem:s31+$0xFFFFFFF0];
	v4 =	vadd.f32 $1.258291200e+07, v4;
	v6 =	vadd.f32 $1.258291200e+07, v11  }
0x2b9: {  	s28 =	simm.s32 $0x4670;
	p0 =	por $0x0, $0x0;
	s25 =	simm.s32 $0xC270;
	v8 =	vmul.f32 v8, v1;
	v3 =	vld [tilespmem:s31+$0xFFFFFF90];
	v7 =	vadd.f32 $-1.258291200e+07, v7;
	v5 =	vadd.f32 $-1.258291200e+07, v10  }
0x2ba: {  	_ =	sdelay $0x3  }
0x2bb: {  	v9 =	vadd.f32 $1.258291200e+07, v9;
	v3 =	vmul.f32 v3, v1  }
0x2bc: {  	v10 =	vld [tilespmem:s28+$0x0];
	v4 =	vadd.f32 $-1.258291200e+07, v4;
	v7 =	vmul.f32 v7, v0;
	v2 =	vmul.f32 v2, v1  }
0x2bd: {  	v11 =	vld [tilespmem:s28+$0xFFFFFFA0];
	v6 =	vadd.f32 $-1.258291200e+07, v6;
	v5 =	vmul.f32 v5, v0;
	v3 =	vadd.f32 $1.258291200e+07, v3  }
0x2be: {  	v12 =	vld [tilespmem:s28+$0xFFFFFFB0];
	v4 =	vmul.f32 v4, v0;
	v9 =	vadd.f32 $-1.258291200e+07, v9;
	[tilespmem:s25+$0x0] =	vst v7;
	v2 =	vadd.f32 $1.258291200e+07, v2  }
0x2bf: {  	v8 =	vadd.f32 $1.258291200e+07, v8;
	v7 =	vld [tilespmem:s28+$0xFFFFFFC0];
	[tilespmem:s25+$0xFFFFFFA0] =	vst v5;
	v3 =	vadd.f32 $-1.258291200e+07, v3  }
0x2c0: {  	v13 =	vld [tilespmem:s28+$0xFFFFFFD0];
	v5 =	vmul.f32 v6, v0;
	[tilespmem:s25+$0xFFFFFFB0] =	vst v4;
	v4 =	vmul.f32 v9, v0;
	v2 =	vadd.f32 $-1.258291200e+07, v2  }
0x2c1: {  	p3 =	por $0x1, $0x1;
	v6 =	vadd.f32 $-1.258291200e+07, v8;
	v8 =	vld [tilespmem:s28+$0xFFFFFFE0];
	v10 =	vmul.f32 v10, v1;
	v3 =	vmul.f32 v3, v0  }
.Ltmp34:
0x2c2: {  	v9 =	vmul.f32 v11, v1;
	[tilespmem:s25+$0xFFFFFFC0] =	vst v5;
	v14 =	vmul.f32 v2, v0;
	v2 =	vld [tilespmem:s28+$0xFFFFFFF0];
	(pc) =	sbr.rel @!p3 .LBB2_57-.Ltmp34, $4  }
0x2c3: {  	v5 =	vmul.f32 v6, v0;
	v6 =	vmul.f32 v12, v1;
	v10 =	vadd.f32 $1.258291200e+07, v10;
	[tilespmem:s25+$0xFFFFFF90] =	vst v3;
	v3 =	vld [tilespmem:s28+$0xFFFFFF90]  }
0x2c4: {  	[tilespmem:s25+$0xFFFFFFD0] =	vst v4;
	v11 =	vadd.f32 $1.258291200e+07, v9;
	v63 =	vmul.f32 v7, v1  }
0x2c5: {  	s26 =	simm.s32 $0x8;
	[tilespmem:s25+$0xFFFFFFE0] =	vst v5;
	v4 =	vadd.f32 $1.258291200e+07, v6;
	v9 =	vmul.f32 v13, v1;
	v7 =	vadd.f32 $-1.258291200e+07, v10  }
0x2c6: {  	s29 =	simm.s32 $0x4A70;
	p2 =	por $0x1, $0x1;
	v8 =	vmul.f32 v8, v1;
	v5 =	vadd.f32 $-1.258291200e+07, v11;
	v6 =	vadd.f32 $1.258291200e+07, v63;
	[tilespmem:s25+$0xFFFFFFF0] =	vst v14;
	s28 =	simm.s32 $0xC270  }
.LBB2_58:
0x2c7: {  	v10 =	vld [tilespmem:s29+$0x0];
	s26 =	sadd.s32 $0x8, s26;
	v9 =	vadd.f32 $1.258291200e+07, v9;
	v2 =	vmul.f32 v2, v1;
	v7 =	vmul.f32 v7, v0  }
0x2c8: {  	v4 =	vadd.f32 $-1.258291200e+07, v4;
	s28 =	sadd.s32 $0x400, s28;
	v11 =	vld [tilespmem:s29+$0xFFFFFFA0];
	p3 =	slt.u32 s26, $0x78;
	v3 =	vmul.f32 v3, v1;
	v8 =	vadd.f32 $1.258291200e+07, v8  }
0x2c9: {  	v5 =	vmul.f32 v5, v0;
	v6 =	vadd.f32 $-1.258291200e+07, v6;
	v12 =	vld [tilespmem:s29+$0xFFFFFFB0];
	v2 =	vadd.f32 $1.258291200e+07, v2;
	[tilespmem:s28+$0x0] =	vst v7  }
0x2ca: {  	v4 =	vmul.f32 v4, v0;
	v9 =	vadd.f32 $-1.258291200e+07, v9;
	v7 =	vld [tilespmem:s29+$0xFFFFFFC0];
	v3 =	vadd.f32 $1.258291200e+07, v3  }
0x2cb: {  	v13 =	vld [tilespmem:s29+$0xFFFFFFD0];
	[tilespmem:s28+$0xFFFFFFA0] =	vst v5;
	v5 =	vmul.f32 v6, v0;
	v6 =	vadd.f32 $-1.258291200e+07, v8;
	v8 =	vadd.f32 $-1.258291200e+07, v2  }
0x2cc: {  	v14 =	vld [tilespmem:s29+$0xFFFFFFE0];
	v10 =	vmul.f32 v10, v1;
	v15 =	vadd.f32 $-1.258291200e+07, v3;
	[tilespmem:s28+$0xFFFFFFB0] =	vst v4;
	v4 =	vmul.f32 v9, v0  }
.Ltmp35:
0x2cd: {  	v9 =	vmul.f32 v11, v1;
	v2 =	vld [tilespmem:s29+$0xFFFFFFF0];
	[tilespmem:s28+$0xFFFFFFC0] =	vst v5;
	v5 =	vmul.f32 v6, v0;
	(pc) =	sbr.rel @p3 .LBB2_58-.Ltmp35, $4  }
0x2ce: {  	v3 =	vld [tilespmem:s29+$0xFFFFFF90];
	v6 =	vmul.f32 v12, v1;
	v10 =	vadd.f32 $1.258291200e+07, v10;
	v11 =	vmul.f32 v15, v0;
	[tilespmem:s28+$0xFFFFFFD0] =	vst v4  }
0x2cf: {  	v16 =	vmul.f32 v8, v0;
	v12 =	vadd.f32 $1.258291200e+07, v9;
	v15 =	vmul.f32 v7, v1;
	[tilespmem:s28+$0xFFFFFFE0] =	vst v5  }
0x2d0: {  	v4 =	vadd.f32 $1.258291200e+07, v6;
	v9 =	vmul.f32 v13, v1;
	v7 =	vadd.f32 $-1.258291200e+07, v10;
	[tilespmem:s28+$0xFFFFFF90] =	vst v11  }
0x2d1: {  	s29 =	sadd.s32 $0x400, s29;
	v5 =	vadd.f32 $-1.258291200e+07, v12;
	v6 =	vadd.f32 $1.258291200e+07, v15;
	v8 =	vmul.f32 v14, v1;
	[tilespmem:s28+$0xFFFFFFF0] =	vst v16  }
.LBB2_59:
0x2d2: {  	v9 =	vadd.f32 $1.258291200e+07, v9;
	v2 =	vmul.f32 v2, v1  }
0x2d3: {  	v7 =	vmul.f32 v7, v0;
	v4 =	vadd.f32 $-1.258291200e+07, v4;
	s26 =	sadd.s32 @p2 $0x400, s28;
	v3 =	vmul.f32 v3, v1  }
0x2d4: {  	v8 =	vadd.f32 $1.258291200e+07, v8;
	v5 =	vmul.f32 v5, v0;
	v6 =	vadd.f32 $-1.258291200e+07, v6;
	s25 =	smov.u32 @p2 s26  }
0x2d5: {  	[tilespmem:s25+$0x0] =	vst v7;
	v4 =	vmul.f32 v4, v0;
	v7 =	vadd.f32 $-1.258291200e+07, v9;
	v2 =	vadd.f32 $1.258291200e+07, v2  }
0x2d6: {  	v3 =	vadd.f32 $1.258291200e+07, v3;
	[tilespmem:s25+$0xFFFFFFA0] =	vst v5;
	v5 =	vmul.f32 v6, v0;
	v6 =	vadd.f32 $-1.258291200e+07, v8  }
0x2d7: {  	[tilespmem:s25+$0xFFFFFFB0] =	vst v4;
	v4 =	vmul.f32 v7, v0;
	v2 =	vadd.f32 $-1.258291200e+07, v2  }
0x2d8: {  	v3 =	vadd.f32 $-1.258291200e+07, v3;
	[tilespmem:s25+$0xFFFFFFC0] =	vst v5;
	v5 =	vmul.f32 v6, v0  }
0x2d9: {  	[tilespmem:s25+$0xFFFFFFD0] =	vst v4;
	v2 =	vmul.f32 v2, v0  }
0x2da: {  	v3 =	vmul.f32 v3, v0;
	[tilespmem:s25+$0xFFFFFFE0] =	vst v5  }
0x2db: {  	[tilespmem:s25+$0xFFFFFFF0] =	vst v2  }
0x2dc: {  	s31 =	simm.s32 $0x42F0;
	[tilespmem:s25+$0xFFFFFF90] =	vst v3  }
0x2dd: {  	v2 =	vld [tilespmem:s31+$0x0]  }
0x2de: {  	v3 =	vld [tilespmem:s31+$0xFFFFFFA0]  }
0x2df: {  	v4 =	vld [tilespmem:s31+$0xFFFFFFB0]  }
0x2e0: {  	v5 =	vld [tilespmem:s31+$0xFFFFFFC0];
	_ =	sdelay $0x1  }
0x2e1: {  	v6 =	vld [tilespmem:s31+$0xFFFFFFD0]  }
0x2e2: {  	v8 =	vld [tilespmem:s31+$0xFFFFFFE0]  }
.Ltmp36:
0x2e3: {  	v2 =	vmul.f32 v2, v1;
	v3 =	vmul.f32 v3, v1;
	(pc) =	sbr.rel @!p1 .LBB2_60-.Ltmp36, $4  }
0x2e4: {  	v4 =	vmul.f32 v4, v1;
	v11 =	vmul.f32 v5, v1  }
0x2e5: {  	v7 =	vadd.f32 $1.258291200e+07, v2;
	v10 =	vadd.f32 $1.258291200e+07, v3  }
0x2e6: {  	v9 =	vmul.f32 v6, v1;
	v2 =	vld [tilespmem:s31+$0xFFFFFFF0];
	v4 =	vadd.f32 $1.258291200e+07, v4;
	v6 =	vadd.f32 $1.258291200e+07, v11  }
0x2e7: {  	s28 =	simm.s32 $0x46F0;
	s25 =	simm.s32 $0xC2F0;
	v8 =	vmul.f32 v8, v1;
	v3 =	vld [tilespmem:s31+$0xFFFFFF90];
	v7 =	vadd.f32 $-1.258291200e+07, v7;
	v5 =	vadd.f32 $-1.258291200e+07, v10  }
0x2e8: {  	_ =	sdelay $0x3  }
0x2e9: {  	v9 =	vadd.f32 $1.258291200e+07, v9;
	v3 =	vmul.f32 v3, v1  }
0x2ea: {  	v10 =	vld [tilespmem:s28+$0x0];
	v4 =	vadd.f32 $-1.258291200e+07, v4;
	v7 =	vmul.f32 v7, v0;
	v2 =	vmul.f32 v2, v1  }
0x2eb: {  	v11 =	vld [tilespmem:s28+$0xFFFFFFA0];
	v6 =	vadd.f32 $-1.258291200e+07, v6;
	v5 =	vmul.f32 v5, v0;
	v3 =	vadd.f32 $1.258291200e+07, v3  }
0x2ec: {  	v12 =	vld [tilespmem:s28+$0xFFFFFFB0];
	v4 =	vmul.f32 v4, v0;
	v9 =	vadd.f32 $-1.258291200e+07, v9;
	[tilespmem:s25+$0x0] =	vst v7;
	v2 =	vadd.f32 $1.258291200e+07, v2  }
0x2ed: {  	v8 =	vadd.f32 $1.258291200e+07, v8;
	v7 =	vld [tilespmem:s28+$0xFFFFFFC0];
	[tilespmem:s25+$0xFFFFFFA0] =	vst v5;
	v3 =	vadd.f32 $-1.258291200e+07, v3  }
0x2ee: {  	v13 =	vld [tilespmem:s28+$0xFFFFFFD0];
	v5 =	vmul.f32 v6, v0;
	[tilespmem:s25+$0xFFFFFFB0] =	vst v4;
	v4 =	vmul.f32 v9, v0;
	v2 =	vadd.f32 $-1.258291200e+07, v2  }
0x2ef: {  	p1 =	por $0x1, $0x1;
	v6 =	vadd.f32 $-1.258291200e+07, v8;
	v8 =	vld [tilespmem:s28+$0xFFFFFFE0];
	v10 =	vmul.f32 v10, v1;
	v3 =	vmul.f32 v3, v0  }
.Ltmp37:
0x2f0: {  	v9 =	vmul.f32 v11, v1;
	[tilespmem:s25+$0xFFFFFFC0] =	vst v5;
	v14 =	vmul.f32 v2, v0;
	v2 =	vld [tilespmem:s28+$0xFFFFFFF0];
	(pc) =	sbr.rel @!p1 .LBB2_62-.Ltmp37, $4  }
0x2f1: {  	v5 =	vmul.f32 v6, v0;
	v6 =	vmul.f32 v12, v1;
	v10 =	vadd.f32 $1.258291200e+07, v10;
	[tilespmem:s25+$0xFFFFFF90] =	vst v3;
	v3 =	vld [tilespmem:s28+$0xFFFFFF90]  }
0x2f2: {  	[tilespmem:s25+$0xFFFFFFD0] =	vst v4;
	v11 =	vadd.f32 $1.258291200e+07, v9;
	v63 =	vmul.f32 v7, v1  }
0x2f3: {  	s26 =	simm.s32 $0x8;
	[tilespmem:s25+$0xFFFFFFE0] =	vst v5;
	v4 =	vadd.f32 $1.258291200e+07, v6;
	v9 =	vmul.f32 v13, v1;
	v7 =	vadd.f32 $-1.258291200e+07, v10  }
0x2f4: {  	s29 =	simm.s32 $0x4AF0;
	p0 =	por $0x1, $0x1;
	v8 =	vmul.f32 v8, v1;
	v5 =	vadd.f32 $-1.258291200e+07, v11;
	v6 =	vadd.f32 $1.258291200e+07, v63;
	[tilespmem:s25+$0xFFFFFFF0] =	vst v14;
	s28 =	simm.s32 $0xC2F0  }
.LBB2_63:
0x2f5: {  	v10 =	vld [tilespmem:s29+$0x0];
	s26 =	sadd.s32 $0x8, s26;
	v9 =	vadd.f32 $1.258291200e+07, v9;
	v2 =	vmul.f32 v2, v1;
	v7 =	vmul.f32 v7, v0  }
0x2f6: {  	v4 =	vadd.f32 $-1.258291200e+07, v4;
	s28 =	sadd.s32 $0x400, s28;
	v11 =	vld [tilespmem:s29+$0xFFFFFFA0];
	p1 =	slt.u32 s26, $0x78;
	v3 =	vmul.f32 v3, v1;
	v8 =	vadd.f32 $1.258291200e+07, v8  }
0x2f7: {  	v5 =	vmul.f32 v5, v0;
	v6 =	vadd.f32 $-1.258291200e+07, v6;
	v12 =	vld [tilespmem:s29+$0xFFFFFFB0];
	v2 =	vadd.f32 $1.258291200e+07, v2;
	[tilespmem:s28+$0x0] =	vst v7  }
0x2f8: {  	v4 =	vmul.f32 v4, v0;
	v9 =	vadd.f32 $-1.258291200e+07, v9;
	v7 =	vld [tilespmem:s29+$0xFFFFFFC0];
	v3 =	vadd.f32 $1.258291200e+07, v3  }
0x2f9: {  	v13 =	vld [tilespmem:s29+$0xFFFFFFD0];
	[tilespmem:s28+$0xFFFFFFA0] =	vst v5;
	v5 =	vmul.f32 v6, v0;
	v6 =	vadd.f32 $-1.258291200e+07, v8;
	v8 =	vadd.f32 $-1.258291200e+07, v2  }
0x2fa: {  	v14 =	vld [tilespmem:s29+$0xFFFFFFE0];
	v10 =	vmul.f32 v10, v1;
	v15 =	vadd.f32 $-1.258291200e+07, v3;
	[tilespmem:s28+$0xFFFFFFB0] =	vst v4;
	v4 =	vmul.f32 v9, v0  }
.Ltmp38:
0x2fb: {  	v9 =	vmul.f32 v11, v1;
	v2 =	vld [tilespmem:s29+$0xFFFFFFF0];
	[tilespmem:s28+$0xFFFFFFC0] =	vst v5;
	v5 =	vmul.f32 v6, v0;
	(pc) =	sbr.rel @p1 .LBB2_63-.Ltmp38, $4  }
0x2fc: {  	v3 =	vld [tilespmem:s29+$0xFFFFFF90];
	v6 =	vmul.f32 v12, v1;
	v10 =	vadd.f32 $1.258291200e+07, v10;
	v11 =	vmul.f32 v15, v0;
	[tilespmem:s28+$0xFFFFFFD0] =	vst v4  }
0x2fd: {  	v16 =	vmul.f32 v8, v0;
	v12 =	vadd.f32 $1.258291200e+07, v9;
	v15 =	vmul.f32 v7, v1;
	[tilespmem:s28+$0xFFFFFFE0] =	vst v5  }
0x2fe: {  	v4 =	vadd.f32 $1.258291200e+07, v6;
	v9 =	vmul.f32 v13, v1;
	v7 =	vadd.f32 $-1.258291200e+07, v10;
	[tilespmem:s28+$0xFFFFFF90] =	vst v11  }
0x2ff: {  	s29 =	sadd.s32 $0x400, s29;
	v5 =	vadd.f32 $-1.258291200e+07, v12;
	v6 =	vadd.f32 $1.258291200e+07, v15;
	v8 =	vmul.f32 v14, v1;
	[tilespmem:s28+$0xFFFFFFF0] =	vst v16  }
.LBB2_64:
0x300: {  	v9 =	vadd.f32 $1.258291200e+07, v9;
	v2 =	vmul.f32 v2, v1  }
0x301: {  	v7 =	vmul.f32 v7, v0;
	v4 =	vadd.f32 $-1.258291200e+07, v4;
	s26 =	sadd.s32 @p0 $0x400, s28;
	v3 =	vmul.f32 v3, v1  }
0x302: {  	v8 =	vadd.f32 $1.258291200e+07, v8;
	v5 =	vmul.f32 v5, v0;
	v6 =	vadd.f32 $-1.258291200e+07, v6;
	s25 =	smov.u32 @p0 s26  }
0x303: {  	[tilespmem:s25+$0x0] =	vst v7;
	v4 =	vmul.f32 v4, v0;
	v7 =	vadd.f32 $-1.258291200e+07, v9;
	v2 =	vadd.f32 $1.258291200e+07, v2  }
0x304: {  	v3 =	vadd.f32 $1.258291200e+07, v3;
	[tilespmem:s25+$0xFFFFFFA0] =	vst v5;
	v5 =	vmul.f32 v6, v0;
	v6 =	vadd.f32 $-1.258291200e+07, v8  }
0x305: {  	[tilespmem:s25+$0xFFFFFFB0] =	vst v4;
	v4 =	vmul.f32 v7, v0;
	v2 =	vadd.f32 $-1.258291200e+07, v2  }
0x306: {  	v3 =	vadd.f32 $-1.258291200e+07, v3;
	[tilespmem:s25+$0xFFFFFFC0] =	vst v5;
	v5 =	vmul.f32 v6, v0  }
0x307: {  	[tilespmem:s25+$0xFFFFFFD0] =	vst v4;
	v2 =	vmul.f32 v2, v0  }
0x308: {  	v3 =	vmul.f32 v3, v0;
	[tilespmem:s25+$0xFFFFFFE0] =	vst v5  }
0x309: {  	[tilespmem:s25+$0xFFFFFFF0] =	vst v2  }
0x30a: {  	s31 =	simm.s32 $0x4370;
	[tilespmem:s25+$0xFFFFFF90] =	vst v3  }
0x30b: {  	v2 =	vld [tilespmem:s31+$0x0]  }
0x30c: {  	v3 =	vld [tilespmem:s31+$0xFFFFFFA0]  }
0x30d: {  	v4 =	vld [tilespmem:s31+$0xFFFFFFB0]  }
0x30e: {  	v5 =	vld [tilespmem:s31+$0xFFFFFFC0];
	_ =	sdelay $0x1  }
0x30f: {  	v6 =	vld [tilespmem:s31+$0xFFFFFFD0]  }
0x310: {  	p1 =	por $0x1, $0x1;
	v8 =	vld [tilespmem:s31+$0xFFFFFFE0]  }
.Ltmp39:
0x311: {  	v2 =	vmul.f32 v2, v1;
	v3 =	vmul.f32 v3, v1;
	(pc) =	sbr.rel @!p1 .LBB2_65-.Ltmp39, $4  }
0x312: {  	v4 =	vmul.f32 v4, v1;
	v11 =	vmul.f32 v5, v1  }
0x313: {  	v7 =	vadd.f32 $1.258291200e+07, v2;
	v10 =	vadd.f32 $1.258291200e+07, v3  }
0x314: {  	v9 =	vmul.f32 v6, v1;
	v2 =	vld [tilespmem:s31+$0xFFFFFFF0];
	v4 =	vadd.f32 $1.258291200e+07, v4;
	v6 =	vadd.f32 $1.258291200e+07, v11  }
0x315: {  	s28 =	simm.s32 $0x4770;
	p0 =	por $0x0, $0x0;
	s25 =	simm.s32 $0xC370;
	v8 =	vmul.f32 v8, v1;
	v3 =	vld [tilespmem:s31+$0xFFFFFF90];
	v7 =	vadd.f32 $-1.258291200e+07, v7;
	v5 =	vadd.f32 $-1.258291200e+07, v10  }
0x316: {  	_ =	sdelay $0x3  }
0x317: {  	v9 =	vadd.f32 $1.258291200e+07, v9;
	v3 =	vmul.f32 v3, v1  }
0x318: {  	v10 =	vld [tilespmem:s28+$0x0];
	v4 =	vadd.f32 $-1.258291200e+07, v4;
	v7 =	vmul.f32 v7, v0;
	v2 =	vmul.f32 v2, v1  }
0x319: {  	v11 =	vld [tilespmem:s28+$0xFFFFFFA0];
	v6 =	vadd.f32 $-1.258291200e+07, v6;
	v5 =	vmul.f32 v5, v0;
	v3 =	vadd.f32 $1.258291200e+07, v3  }
0x31a: {  	v12 =	vld [tilespmem:s28+$0xFFFFFFB0];
	v4 =	vmul.f32 v4, v0;
	v9 =	vadd.f32 $-1.258291200e+07, v9;
	[tilespmem:s25+$0x0] =	vst v7;
	v2 =	vadd.f32 $1.258291200e+07, v2  }
0x31b: {  	v8 =	vadd.f32 $1.258291200e+07, v8;
	v7 =	vld [tilespmem:s28+$0xFFFFFFC0];
	[tilespmem:s25+$0xFFFFFFA0] =	vst v5;
	v3 =	vadd.f32 $-1.258291200e+07, v3  }
0x31c: {  	v13 =	vld [tilespmem:s28+$0xFFFFFFD0];
	v5 =	vmul.f32 v6, v0;
	[tilespmem:s25+$0xFFFFFFB0] =	vst v4;
	v4 =	vmul.f32 v9, v0;
	v2 =	vadd.f32 $-1.258291200e+07, v2  }
0x31d: {  	p3 =	por $0x1, $0x1;
	v6 =	vadd.f32 $-1.258291200e+07, v8;
	v8 =	vld [tilespmem:s28+$0xFFFFFFE0];
	v10 =	vmul.f32 v10, v1;
	v3 =	vmul.f32 v3, v0  }
.Ltmp40:
0x31e: {  	v9 =	vmul.f32 v11, v1;
	[tilespmem:s25+$0xFFFFFFC0] =	vst v5;
	v14 =	vmul.f32 v2, v0;
	v2 =	vld [tilespmem:s28+$0xFFFFFFF0];
	(pc) =	sbr.rel @!p3 .LBB2_67-.Ltmp40, $4  }
0x31f: {  	v5 =	vmul.f32 v6, v0;
	v6 =	vmul.f32 v12, v1;
	v10 =	vadd.f32 $1.258291200e+07, v10;
	[tilespmem:s25+$0xFFFFFF90] =	vst v3;
	v3 =	vld [tilespmem:s28+$0xFFFFFF90]  }
0x320: {  	[tilespmem:s25+$0xFFFFFFD0] =	vst v4;
	v11 =	vadd.f32 $1.258291200e+07, v9;
	v63 =	vmul.f32 v7, v1  }
0x321: {  	s26 =	simm.s32 $0x8;
	[tilespmem:s25+$0xFFFFFFE0] =	vst v5;
	v4 =	vadd.f32 $1.258291200e+07, v6;
	v9 =	vmul.f32 v13, v1;
	v7 =	vadd.f32 $-1.258291200e+07, v10  }
0x322: {  	s29 =	simm.s32 $0x4B70;
	p2 =	por $0x1, $0x1;
	v8 =	vmul.f32 v8, v1;
	v5 =	vadd.f32 $-1.258291200e+07, v11;
	v6 =	vadd.f32 $1.258291200e+07, v63;
	[tilespmem:s25+$0xFFFFFFF0] =	vst v14;
	s28 =	simm.s32 $0xC370  }
.LBB2_68:
0x323: {  	v10 =	vld [tilespmem:s29+$0x0];
	s26 =	sadd.s32 $0x8, s26;
	v9 =	vadd.f32 $1.258291200e+07, v9;
	v2 =	vmul.f32 v2, v1;
	v7 =	vmul.f32 v7, v0  }
0x324: {  	v4 =	vadd.f32 $-1.258291200e+07, v4;
	s28 =	sadd.s32 $0x400, s28;
	v11 =	vld [tilespmem:s29+$0xFFFFFFA0];
	p3 =	slt.u32 s26, $0x78;
	v3 =	vmul.f32 v3, v1;
	v8 =	vadd.f32 $1.258291200e+07, v8  }
0x325: {  	v5 =	vmul.f32 v5, v0;
	v6 =	vadd.f32 $-1.258291200e+07, v6;
	v12 =	vld [tilespmem:s29+$0xFFFFFFB0];
	v2 =	vadd.f32 $1.258291200e+07, v2;
	[tilespmem:s28+$0x0] =	vst v7  }
0x326: {  	v4 =	vmul.f32 v4, v0;
	v9 =	vadd.f32 $-1.258291200e+07, v9;
	v7 =	vld [tilespmem:s29+$0xFFFFFFC0];
	v3 =	vadd.f32 $1.258291200e+07, v3  }
0x327: {  	v13 =	vld [tilespmem:s29+$0xFFFFFFD0];
	[tilespmem:s28+$0xFFFFFFA0] =	vst v5;
	v5 =	vmul.f32 v6, v0;
	v6 =	vadd.f32 $-1.258291200e+07, v8;
	v8 =	vadd.f32 $-1.258291200e+07, v2  }
0x328: {  	v14 =	vld [tilespmem:s29+$0xFFFFFFE0];
	v10 =	vmul.f32 v10, v1;
	v15 =	vadd.f32 $-1.258291200e+07, v3;
	[tilespmem:s28+$0xFFFFFFB0] =	vst v4;
	v4 =	vmul.f32 v9, v0  }
.Ltmp41:
0x329: {  	v9 =	vmul.f32 v11, v1;
	v2 =	vld [tilespmem:s29+$0xFFFFFFF0];
	[tilespmem:s28+$0xFFFFFFC0] =	vst v5;
	v5 =	vmul.f32 v6, v0;
	(pc) =	sbr.rel @p3 .LBB2_68-.Ltmp41, $4  }
0x32a: {  	v3 =	vld [tilespmem:s29+$0xFFFFFF90];
	v6 =	vmul.f32 v12, v1;
	v10 =	vadd.f32 $1.258291200e+07, v10;
	v11 =	vmul.f32 v15, v0;
	[tilespmem:s28+$0xFFFFFFD0] =	vst v4  }
0x32b: {  	v16 =	vmul.f32 v8, v0;
	v12 =	vadd.f32 $1.258291200e+07, v9;
	v15 =	vmul.f32 v7, v1;
	[tilespmem:s28+$0xFFFFFFE0] =	vst v5  }
0x32c: {  	v4 =	vadd.f32 $1.258291200e+07, v6;
	v9 =	vmul.f32 v13, v1;
	v7 =	vadd.f32 $-1.258291200e+07, v10;
	[tilespmem:s28+$0xFFFFFF90] =	vst v11  }
0x32d: {  	s29 =	sadd.s32 $0x400, s29;
	v5 =	vadd.f32 $-1.258291200e+07, v12;
	v6 =	vadd.f32 $1.258291200e+07, v15;
	v8 =	vmul.f32 v14, v1;
	[tilespmem:s28+$0xFFFFFFF0] =	vst v16  }
.LBB2_69:
0x32e: {  	v9 =	vadd.f32 $1.258291200e+07, v9;
	v2 =	vmul.f32 v2, v1  }
0x32f: {  	v7 =	vmul.f32 v7, v0;
	v4 =	vadd.f32 $-1.258291200e+07, v4;
	s26 =	sadd.s32 @p2 $0x400, s28;
	v3 =	vmul.f32 v3, v1  }
0x330: {  	v8 =	vadd.f32 $1.258291200e+07, v8;
	v5 =	vmul.f32 v5, v0;
	v6 =	vadd.f32 $-1.258291200e+07, v6;
	s25 =	smov.u32 @p2 s26  }
0x331: {  	[tilespmem:s25+$0x0] =	vst v7;
	v4 =	vmul.f32 v4, v0;
	v7 =	vadd.f32 $-1.258291200e+07, v9;
	v2 =	vadd.f32 $1.258291200e+07, v2  }
0x332: {  	v3 =	vadd.f32 $1.258291200e+07, v3;
	[tilespmem:s25+$0xFFFFFFA0] =	vst v5;
	v5 =	vmul.f32 v6, v0;
	v6 =	vadd.f32 $-1.258291200e+07, v8  }
0x333: {  	[tilespmem:s25+$0xFFFFFFB0] =	vst v4;
	v4 =	vmul.f32 v7, v0;
	v2 =	vadd.f32 $-1.258291200e+07, v2  }
0x334: {  	v3 =	vadd.f32 $-1.258291200e+07, v3;
	[tilespmem:s25+$0xFFFFFFC0] =	vst v5;
	v5 =	vmul.f32 v6, v0  }
0x335: {  	[tilespmem:s25+$0xFFFFFFD0] =	vst v4;
	v2 =	vmul.f32 v2, v0  }
0x336: {  	v3 =	vmul.f32 v3, v0;
	[tilespmem:s25+$0xFFFFFFE0] =	vst v5  }
0x337: {  	[tilespmem:s25+$0xFFFFFFF0] =	vst v2  }
0x338: {  	s31 =	simm.s32 $0x43F0;
	[tilespmem:s25+$0xFFFFFF90] =	vst v3  }
0x339: {  	v2 =	vld [tilespmem:s31+$0x0]  }
0x33a: {  	v3 =	vld [tilespmem:s31+$0xFFFFFFA0]  }
0x33b: {  	v4 =	vld [tilespmem:s31+$0xFFFFFFB0]  }
0x33c: {  	v5 =	vld [tilespmem:s31+$0xFFFFFFC0];
	_ =	sdelay $0x1  }
0x33d: {  	v6 =	vld [tilespmem:s31+$0xFFFFFFD0]  }
0x33e: {  	v8 =	vld [tilespmem:s31+$0xFFFFFFE0]  }
.Ltmp42:
0x33f: {  	v2 =	vmul.f32 v2, v1;
	v3 =	vmul.f32 v3, v1;
	(pc) =	sbr.rel @!p1 .LBB2_70-.Ltmp42, $4  }
0x340: {  	v4 =	vmul.f32 v4, v1;
	v11 =	vmul.f32 v5, v1  }
0x341: {  	v7 =	vadd.f32 $1.258291200e+07, v2;
	v10 =	vadd.f32 $1.258291200e+07, v3  }
0x342: {  	v9 =	vmul.f32 v6, v1;
	v2 =	vld [tilespmem:s31+$0xFFFFFFF0];
	v4 =	vadd.f32 $1.258291200e+07, v4;
	v6 =	vadd.f32 $1.258291200e+07, v11  }
0x343: {  	s28 =	simm.s32 $0x47F0;
	s25 =	simm.s32 $0xC3F0;
	v8 =	vmul.f32 v8, v1;
	v3 =	vld [tilespmem:s31+$0xFFFFFF90];
	v7 =	vadd.f32 $-1.258291200e+07, v7;
	v5 =	vadd.f32 $-1.258291200e+07, v10  }
0x344: {  	_ =	sdelay $0x3  }
0x345: {  	v9 =	vadd.f32 $1.258291200e+07, v9;
	v3 =	vmul.f32 v3, v1  }
0x346: {  	v10 =	vld [tilespmem:s28+$0x0];
	v4 =	vadd.f32 $-1.258291200e+07, v4;
	v7 =	vmul.f32 v7, v0;
	v2 =	vmul.f32 v2, v1  }
0x347: {  	v11 =	vld [tilespmem:s28+$0xFFFFFFA0];
	v6 =	vadd.f32 $-1.258291200e+07, v6;
	v5 =	vmul.f32 v5, v0;
	v3 =	vadd.f32 $1.258291200e+07, v3  }
0x348: {  	v12 =	vld [tilespmem:s28+$0xFFFFFFB0];
	v4 =	vmul.f32 v4, v0;
	v9 =	vadd.f32 $-1.258291200e+07, v9;
	[tilespmem:s25+$0x0] =	vst v7;
	v2 =	vadd.f32 $1.258291200e+07, v2  }
0x349: {  	v8 =	vadd.f32 $1.258291200e+07, v8;
	v7 =	vld [tilespmem:s28+$0xFFFFFFC0];
	[tilespmem:s25+$0xFFFFFFA0] =	vst v5;
	v3 =	vadd.f32 $-1.258291200e+07, v3  }
0x34a: {  	v13 =	vld [tilespmem:s28+$0xFFFFFFD0];
	v5 =	vmul.f32 v6, v0;
	[tilespmem:s25+$0xFFFFFFB0] =	vst v4;
	v4 =	vmul.f32 v9, v0;
	v2 =	vadd.f32 $-1.258291200e+07, v2  }
0x34b: {  	p1 =	por $0x1, $0x1;
	v6 =	vadd.f32 $-1.258291200e+07, v8;
	v8 =	vld [tilespmem:s28+$0xFFFFFFE0];
	v10 =	vmul.f32 v10, v1;
	v3 =	vmul.f32 v3, v0  }
.Ltmp43:
0x34c: {  	v9 =	vmul.f32 v11, v1;
	[tilespmem:s25+$0xFFFFFFC0] =	vst v5;
	v14 =	vmul.f32 v2, v0;
	v2 =	vld [tilespmem:s28+$0xFFFFFFF0];
	(pc) =	sbr.rel @!p1 .LBB2_72-.Ltmp43, $4  }
0x34d: {  	v5 =	vmul.f32 v6, v0;
	v6 =	vmul.f32 v12, v1;
	v10 =	vadd.f32 $1.258291200e+07, v10;
	[tilespmem:s25+$0xFFFFFF90] =	vst v3;
	v3 =	vld [tilespmem:s28+$0xFFFFFF90]  }
0x34e: {  	[tilespmem:s25+$0xFFFFFFD0] =	vst v4;
	v11 =	vadd.f32 $1.258291200e+07, v9;
	v63 =	vmul.f32 v7, v1  }
0x34f: {  	s26 =	simm.s32 $0x8;
	[tilespmem:s25+$0xFFFFFFE0] =	vst v5;
	v4 =	vadd.f32 $1.258291200e+07, v6;
	v9 =	vmul.f32 v13, v1;
	v7 =	vadd.f32 $-1.258291200e+07, v10  }
0x350: {  	s29 =	simm.s32 $0x4BF0;
	p0 =	por $0x1, $0x1;
	v8 =	vmul.f32 v8, v1;
	v5 =	vadd.f32 $-1.258291200e+07, v11;
	v6 =	vadd.f32 $1.258291200e+07, v63;
	[tilespmem:s25+$0xFFFFFFF0] =	vst v14;
	s28 =	simm.s32 $0xC3F0  }
.LBB2_73:
0x351: {  	v10 =	vld [tilespmem:s29+$0x0];
	s26 =	sadd.s32 $0x8, s26;
	v9 =	vadd.f32 $1.258291200e+07, v9;
	v2 =	vmul.f32 v2, v1;
	v7 =	vmul.f32 v7, v0  }
0x352: {  	v4 =	vadd.f32 $-1.258291200e+07, v4;
	s28 =	sadd.s32 $0x400, s28;
	v11 =	vld [tilespmem:s29+$0xFFFFFFA0];
	p1 =	slt.u32 s26, $0x78;
	v3 =	vmul.f32 v3, v1;
	v8 =	vadd.f32 $1.258291200e+07, v8  }
0x353: {  	v5 =	vmul.f32 v5, v0;
	v6 =	vadd.f32 $-1.258291200e+07, v6;
	v12 =	vld [tilespmem:s29+$0xFFFFFFB0];
	v2 =	vadd.f32 $1.258291200e+07, v2;
	[tilespmem:s28+$0x0] =	vst v7  }
0x354: {  	v4 =	vmul.f32 v4, v0;
	v9 =	vadd.f32 $-1.258291200e+07, v9;
	v7 =	vld [tilespmem:s29+$0xFFFFFFC0];
	v3 =	vadd.f32 $1.258291200e+07, v3  }
0x355: {  	v13 =	vld [tilespmem:s29+$0xFFFFFFD0];
	[tilespmem:s28+$0xFFFFFFA0] =	vst v5;
	v5 =	vmul.f32 v6, v0;
	v6 =	vadd.f32 $-1.258291200e+07, v8;
	v8 =	vadd.f32 $-1.258291200e+07, v2  }
0x356: {  	v14 =	vld [tilespmem:s29+$0xFFFFFFE0];
	v10 =	vmul.f32 v10, v1;
	v15 =	vadd.f32 $-1.258291200e+07, v3;
	[tilespmem:s28+$0xFFFFFFB0] =	vst v4;
	v4 =	vmul.f32 v9, v0  }
.Ltmp44:
0x357: {  	v9 =	vmul.f32 v11, v1;
	v2 =	vld [tilespmem:s29+$0xFFFFFFF0];
	[tilespmem:s28+$0xFFFFFFC0] =	vst v5;
	v5 =	vmul.f32 v6, v0;
	(pc) =	sbr.rel @p1 .LBB2_73-.Ltmp44, $4  }
0x358: {  	v3 =	vld [tilespmem:s29+$0xFFFFFF90];
	v6 =	vmul.f32 v12, v1;
	v10 =	vadd.f32 $1.258291200e+07, v10;
	v11 =	vmul.f32 v15, v0;
	[tilespmem:s28+$0xFFFFFFD0] =	vst v4  }
0x359: {  	v16 =	vmul.f32 v8, v0;
	v12 =	vadd.f32 $1.258291200e+07, v9;
	v15 =	vmul.f32 v7, v1;
	[tilespmem:s28+$0xFFFFFFE0] =	vst v5  }
0x35a: {  	v4 =	vadd.f32 $1.258291200e+07, v6;
	v9 =	vmul.f32 v13, v1;
	v7 =	vadd.f32 $-1.258291200e+07, v10;
	[tilespmem:s28+$0xFFFFFF90] =	vst v11  }
0x35b: {  	s29 =	sadd.s32 $0x400, s29;
	v5 =	vadd.f32 $-1.258291200e+07, v12;
	v6 =	vadd.f32 $1.258291200e+07, v15;
	v8 =	vmul.f32 v14, v1;
	[tilespmem:s28+$0xFFFFFFF0] =	vst v16  }
.LBB2_74:
0x35c: {  	v9 =	vadd.f32 $1.258291200e+07, v9;
	v2 =	vmul.f32 v2, v1  }
0x35d: {  	v7 =	vmul.f32 v7, v0;
	v4 =	vadd.f32 $-1.258291200e+07, v4;
	s26 =	sadd.s32 @p0 $0x400, s28;
	v3 =	vmul.f32 v3, v1  }
0x35e: {  	v8 =	vadd.f32 $1.258291200e+07, v8;
	v5 =	vmul.f32 v5, v0;
	v6 =	vadd.f32 $-1.258291200e+07, v6;
	s25 =	smov.u32 @p0 s26  }
0x35f: {  	[tilespmem:s25+$0x0] =	vst v7;
	v4 =	vmul.f32 v4, v0;
	v59 =	vadd.f32 $-1.258291200e+07, v9;
	v2 =	vadd.f32 $1.258291200e+07, v2  }
0x360: {  	v3 =	vadd.f32 $1.258291200e+07, v3;
	[tilespmem:s25+$0xFFFFFFA0] =	vst v5;
	v60 =	vmul.f32 v6, v0;
	v61 =	vadd.f32 $-1.258291200e+07, v8  }
0x361: {  	[tilespmem:s25+$0xFFFFFFB0] =	vst v4;
	v62 =	vmul.f32 v59, v0;
	v2 =	vadd.f32 $-1.258291200e+07, v2  }
0x362: {  	p0 =	seq.s32 s22, $0x1F;
	v3 =	vadd.f32 $-1.258291200e+07, v3;
	[tilespmem:s25+$0xFFFFFFC0] =	vst v60;
	v63 =	vmul.f32 v61, v0  }
.Ltmp45:
0x363: {  	[tilespmem:s25+$0xFFFFFFD0] =	vst v62;
	v2 =	vmul.f32 v2, v0;
	(pc) =	sbr.rel @p0 .LBB2_76-.Ltmp45, $4  }
0x364: {  	v3 =	vmul.f32 v3, v0;
	[tilespmem:s25+$0xFFFFFFE0] =	vst v63  }
0x365: {  	[tilespmem:s25+$0xFFFFFFF0] =	vst v2  }
0x366: {  	s24 =	sadd.s32 s24, s10;
	[tilespmem:s25+$0xFFFFFF90] =	vst v3  }
0x367: {  	[hbm4b:s24+s4] =	stream.linear.scatter [tilespmem:s19], [sflag:$0x4], $0x4000, $0x38;
	[tilespmem:$0x10200] =	vst v63  }
0x368: {  	s23 =	sadd.s32 $0x3, s23  }
0x369: {  	s24 =	sshll.u32 s23, $0x2  }
.Ltmp46:
0x36a: {  	s23 =	sshll.u32 s23, $0x10;
	s24 =	sand.u32 $0x78, s24;
	(pc) =	sbr.rel .LBB2_2-.Ltmp46, $4  }
0x36b: {  	s23 =	sand.u32 $0x600000, s23;
	s24 =	sor.u32 s6, s24  }
0x36c: {  	s23 =	sadd.s32 s23, s7;
	s24 =	sshll.u32 s24, $0x9  }
0x36d: {  	s22 =	sadd.s32 $0x1, s22;
	s23 =	sadd.s32 s24, s23  }
0x36e: {  	[tilespmem:s14], [sflag:$0x2] =	stream.linear.gather [hbm4b:s23+s4], $0x4000, $0x38;
	[tilespmem:$0x10200] =	vst v63  }
.LBB2_7:
.Ltmp47:
0x36f: {  	(pc) =	sbr.rel .LBB2_11-.Ltmp47, $2  }
0x370: {  	_ =	sdelay $0x2  }
0x371: {  	s26 =	simm.s32 $0x8170;
	p3 =	por $0x0, $0x0  }
.LBB2_12:
.Ltmp48:
0x372: {  	(pc) =	sbr.rel .LBB2_16-.Ltmp48, $2  }
0x373: {  	_ =	sdelay $0x2  }
0x374: {  	s26 =	simm.s32 $0x81F0  }
.LBB2_17:
.Ltmp49:
0x375: {  	(pc) =	sbr.rel .LBB2_21-.Ltmp49, $2  }
0x376: {  	_ =	sdelay $0x2  }
0x377: {  	s26 =	simm.s32 $0x8270;
	p3 =	por $0x0, $0x0  }
.LBB2_22:
.Ltmp50:
0x378: {  	(pc) =	sbr.rel .LBB2_26-.Ltmp50, $2  }
0x379: {  	_ =	sdelay $0x2  }
0x37a: {  	s26 =	simm.s32 $0x82F0  }
.LBB2_27:
.Ltmp51:
0x37b: {  	(pc) =	sbr.rel .LBB2_31-.Ltmp51, $2  }
0x37c: {  	_ =	sdelay $0x2  }
0x37d: {  	s26 =	simm.s32 $0x8370;
	p3 =	por $0x0, $0x0  }
.LBB2_32:
.Ltmp52:
0x37e: {  	(pc) =	sbr.rel .LBB2_36-.Ltmp52, $2  }
0x37f: {  	_ =	sdelay $0x2  }
0x380: {  	s26 =	simm.s32 $0x83F0  }
.LBB2_45:
.Ltmp53:
0x381: {  	(pc) =	sbr.rel .LBB2_49-.Ltmp53, $2  }
0x382: {  	_ =	sdelay $0x2  }
0x383: {  	s28 =	simm.s32 $0xC170;
	p2 =	por $0x0, $0x0  }
.LBB2_50:
.Ltmp54:
0x384: {  	(pc) =	sbr.rel .LBB2_54-.Ltmp54, $2  }
0x385: {  	_ =	sdelay $0x2  }
0x386: {  	s28 =	simm.s32 $0xC1F0  }
.LBB2_55:
.Ltmp55:
0x387: {  	(pc) =	sbr.rel .LBB2_59-.Ltmp55, $2  }
0x388: {  	_ =	sdelay $0x2  }
0x389: {  	s28 =	simm.s32 $0xC270;
	p2 =	por $0x0, $0x0  }
.LBB2_60:
.Ltmp56:
0x38a: {  	(pc) =	sbr.rel .LBB2_64-.Ltmp56, $2  }
0x38b: {  	_ =	sdelay $0x2  }
0x38c: {  	s28 =	simm.s32 $0xC2F0  }
.LBB2_65:
.Ltmp57:
0x38d: {  	(pc) =	sbr.rel .LBB2_69-.Ltmp57, $2  }
0x38e: {  	_ =	sdelay $0x2  }
0x38f: {  	s28 =	simm.s32 $0xC370;
	p2 =	por $0x0, $0x0  }
.LBB2_70:
.Ltmp58:
0x390: {  	(pc) =	sbr.rel .LBB2_74-.Ltmp58, $2  }
0x391: {  	_ =	sdelay $0x2  }
0x392: {  	s28 =	simm.s32 $0xC3F0  }
.LBB2_9:
.Ltmp59:
0x393: {  	(pc) =	sbr.rel .LBB2_11-.Ltmp59, $2  }
0x394: {  	_ =	sdelay $0x2  }
0x395: {  	s26 =	simm.s32 $0x8170  }
.LBB2_14:
.Ltmp60:
0x396: {  	(pc) =	sbr.rel .LBB2_16-.Ltmp60, $2  }
0x397: {  	_ =	sdelay $0x2  }
0x398: {  	s26 =	simm.s32 $0x81F0  }
.LBB2_19:
.Ltmp61:
0x399: {  	(pc) =	sbr.rel .LBB2_21-.Ltmp61, $2  }
0x39a: {  	_ =	sdelay $0x2  }
0x39b: {  	s26 =	simm.s32 $0x8270  }
.LBB2_24:
.Ltmp62:
0x39c: {  	(pc) =	sbr.rel .LBB2_26-.Ltmp62, $2  }
0x39d: {  	_ =	sdelay $0x2  }
0x39e: {  	s26 =	simm.s32 $0x82F0  }
.LBB2_29:
.Ltmp63:
0x39f: {  	(pc) =	sbr.rel .LBB2_31-.Ltmp63, $2  }
0x3a0: {  	_ =	sdelay $0x2  }
0x3a1: {  	s26 =	simm.s32 $0x8370  }
.LBB2_34:
.Ltmp64:
0x3a2: {  	(pc) =	sbr.rel .LBB2_36-.Ltmp64, $2  }
0x3a3: {  	_ =	sdelay $0x2  }
0x3a4: {  	s26 =	simm.s32 $0x83F0  }
.LBB2_47:
.Ltmp65:
0x3a5: {  	(pc) =	sbr.rel .LBB2_49-.Ltmp65, $2  }
0x3a6: {  	_ =	sdelay $0x2  }
0x3a7: {  	s28 =	simm.s32 $0xC170  }
.LBB2_52:
.Ltmp66:
0x3a8: {  	(pc) =	sbr.rel .LBB2_54-.Ltmp66, $2  }
0x3a9: {  	_ =	sdelay $0x2  }
0x3aa: {  	s28 =	simm.s32 $0xC1F0  }
.LBB2_57:
.Ltmp67:
0x3ab: {  	(pc) =	sbr.rel .LBB2_59-.Ltmp67, $2  }
0x3ac: {  	_ =	sdelay $0x2  }
0x3ad: {  	s28 =	simm.s32 $0xC270  }
.LBB2_62:
.Ltmp68:
0x3ae: {  	(pc) =	sbr.rel .LBB2_64-.Ltmp68, $2  }
0x3af: {  	_ =	sdelay $0x2  }
0x3b0: {  	s28 =	simm.s32 $0xC2F0  }
.LBB2_67:
.Ltmp69:
0x3b1: {  	(pc) =	sbr.rel .LBB2_69-.Ltmp69, $2  }
0x3b2: {  	_ =	sdelay $0x2  }
0x3b3: {  	s28 =	simm.s32 $0xC370  }
.LBB2_72:
.Ltmp70:
0x3b4: {  	(pc) =	sbr.rel .LBB2_74-.Ltmp70, $2  }
0x3b5: {  	_ =	sdelay $0x2  }
0x3b6: {  	s28 =	simm.s32 $0xC3F0  }
.LBB2_77:
0x3b7: {  	_ =	sfence.sel $0x180000  }
0x3b8: {  	[bflag:$0x0] =	sbarrier.arrive $0xFFFF  }
0x3b9: {  	p0 =	sne.s32 s3, $0x0;
	_ =	strace $0x9000004A  }
0x3ba: {  	s0 =	sadd.s32 @!p0 $0x100000, s0;
	[bflag:$0x2] =	sbarrier.arrive $0xFFFF  }
0x3bb: {  	[sflag:s0] =	ssyncadd.tile.s32 @!p0 $0x1;
	_ =	shalt  }
.Lfunc_end2:
_tile_overlayer_lowered:
.L_overlay_start_2:
0x3bc: {  	(tag) =	ssettag $0x2  }
0x3bd: {  	s0 =	rddreg [dreg:$0x0];
	s2 =	stileid.u32  }
0x3be: {  	s1 =	rddreg [dreg:$0x1];
	p0 =	sne.s32 s2, $0x0  }
0x3bf: {  	s3 =	rddreg [dreg:$0x2];
	[bflag:$0x3] =	sbarrier.arrive $0xFFFF;
	s2 =	simm.s32 @!p0 $0x1C05  }
0x3c0: {  	[timem:s3], [sflag:s2] =	dma.local @!p0 [hbm:s0], s1  }
0x3c1: {  	s0 =	simm.s32 @!p0 $0x5  }
0x3c2: {  	_ =	swait.ge @!p0 [sflag:s0], s1  }
0x3c3: {  	s1 =	ssub.s32 @!p0 $0x0, s1;
	[sflag:s0] =	ssyncset.done @!p0 $0x0  }
0x3c4: {  	[sflag:s0] =	ssyncadd.s32 @!p0 s1  }
0x3c5: {  	[bflag:$0x3] =	sbarrier.arrive $0xFFFF  }
0x3c6: {  	_ =	shalt  }

</sc_bundles>
